<compile_context>
chip_gen: v7x
topology: tpu7x:2x2x1
jax: 0.10.2.dev20260603
libtpu: 0.0.44.dev20260713+nightly
codegen_flags: <defaults>
</compile_context>

<pallas_src>
import jax
import jax.numpy as jnp
from jax import lax
from jax.experimental import pallas as pl
from jax.experimental.pallas import tpu as pltpu
from jax.experimental.pallas import tpu_sc as plsc

N = 10000
E = 320000
F_IN = 128
H1 = 128
D_EMB = 256
G = 64

NC = 2
NS = 16
CHUNK = 125
EROWS = E // CHUNK
TILE_EROWS = EROWS // (NC * NS)
N_PAD = 10240
NODES_PER_TILE = N_PAD // NS
ZROWS = 128

_f32 = jnp.float32


def _deg_body(dst2d, out, accdeg, dst_loc, ones_v, zbuf):
    cid = lax.axis_index("c")
    sid = lax.axis_index("s")
    wid = cid * NS + sid

    def fill_ones(i, _):
        ones_v[i, :] = jnp.ones((16,), _f32)
        return 0
    lax.fori_loop(0, CHUNK, fill_ones, 0)

    def fill_zero(i, _):
        zbuf[i, :] = jnp.zeros((16,), _f32)
        return 0
    lax.fori_loop(0, ZROWS, fill_zero, 0)

    for t in range(NODES_PER_TILE // ZROWS):
        pltpu.sync_copy(zbuf, accdeg.at[pl.ds(sid * NODES_PER_TILE + t * ZROWS, ZROWS)])
    plsc.subcore_barrier()

    pltpu.sync_copy(dst2d.at[pl.ds(wid * TILE_EROWS, TILE_EROWS)], dst_loc)

    def body(j, _):
        pltpu.sync_copy(ones_v, accdeg.at[dst_loc.at[j]], add=True)
        return 0
    lax.fori_loop(0, TILE_EROWS, body, 0)

    plsc.subcore_barrier()
    for t in range(NODES_PER_TILE // ZROWS):
        sl = pl.ds(sid * NODES_PER_TILE + t * ZROWS, ZROWS)
        pltpu.sync_copy(accdeg.at[sl], out.at[cid, sl])


def _deg_pass(dst2d):
    return pl.kernel(
        _deg_body,
        out_type=jax.ShapeDtypeStruct((NC, N_PAD, 16), _f32),
        mesh=plsc.VectorSubcoreMesh(core_axis_name="c", subcore_axis_name="s"),
        scratch_types=[
            pltpu.VMEM_SHARED((N_PAD, 16), _f32),
            pltpu.VMEM((TILE_EROWS, CHUNK), jnp.int32),
            pltpu.VMEM((CHUNK, 16), _f32),
            pltpu.VMEM((ZROWS, 16), _f32),
        ],
        compiler_params=pltpu.CompilerParams(use_tc_tiling_on_sc=False),
    )(dst2d)


GRP = 40
NGRP = TILE_EROWS // GRP
PAIRS = GRP // 2


def _agg_body(y, src2d, dst2d, out, acc, src_g, dst_g, rows0, rows1,
              sem0, sem1):
    cid = lax.axis_index("c")
    sid = lax.axis_index("s")
    wid = cid * NS + sid

    def fill_zero(i, _):
        rows0[i // 8, pl.ds((i % 8) * 16, 16)] = jnp.zeros((16,), _f32)
        return 0
    lax.fori_loop(0, ZROWS * 8, fill_zero, 0)

    for t in range(NODES_PER_TILE // ZROWS):
        pltpu.sync_copy(rows0, acc.at[pl.ds(sid * NODES_PER_TILE + t * ZROWS, ZROWS)])
    plsc.subcore_barrier()

    r0 = rows0.at[pl.ds(0, CHUNK)]
    base = wid * TILE_EROWS
    for g in range(NGRP):
        gb = base + g * GRP
        pltpu.sync_copy(src2d.at[pl.ds(gb, GRP)], src_g)
        pltpu.sync_copy(dst2d.at[pl.ds(gb, GRP)], dst_g)
        pltpu.async_copy(y.at[src_g.at[0]], r0, sem0)

        def body(p, _):
            c0 = 2 * p
            c1 = c0 + 1
            d1 = pltpu.async_copy(y.at[src_g.at[c1]], rows1, sem1)
            pltpu.make_async_copy(y.at[src_g.at[c0]], r0, sem0).wait()
            pltpu.sync_copy(r0, acc.at[dst_g.at[c0]], add=True)

            @pl.when(c0 + 2 < GRP)
            def _():
                pltpu.async_copy(y.at[src_g.at[c0 + 2]], r0, sem0)

            d1.wait()
            pltpu.sync_copy(rows1, acc.at[dst_g.at[c1]], add=True)
            return 0
        lax.fori_loop(0, PAIRS, body, 0)

    plsc.subcore_barrier()
    for t in range(NODES_PER_TILE // ZROWS):
        sl = pl.ds(sid * NODES_PER_TILE + t * ZROWS, ZROWS)
        pltpu.sync_copy(acc.at[sl], out.at[cid, sl])


def _agg_pass(y, src2d, dst2d):
    return pl.kernel(
        _agg_body,
        out_type=jax.ShapeDtypeStruct((NC, N_PAD, F_IN), _f32),
        mesh=plsc.VectorSubcoreMesh(core_axis_name="c", subcore_axis_name="s"),
        scratch_types=[
            pltpu.VMEM_SHARED((N_PAD, F_IN), _f32),
            pltpu.VMEM((GRP, CHUNK), jnp.int32),
            pltpu.VMEM((GRP, CHUNK), jnp.int32),
            pltpu.VMEM((ZROWS, F_IN), _f32),
            pltpu.VMEM((CHUNK, F_IN), _f32),
            pltpu.SemaphoreType.DMA,
            pltpu.SemaphoreType.DMA,
        ],
    )(y, src2d, dst2d)


_MM_BLK = 1000


def _mmscale_body(deg_ref, x_ref, w_ref, y_ref, dinv_ref):
    deg = deg_ref[0] + deg_ref[1] + 1.0
    dinv = lax.rsqrt(deg)
    dinv_ref[...] = dinv
    xw = jnp.dot(x_ref[...], w_ref[...], preferred_element_type=_f32,
                 precision=lax.Precision.HIGHEST)
    y_ref[...] = xw * dinv[:, :1]


def _mmscale(deg16, x, W1):
    return pl.pallas_call(
        _mmscale_body,
        grid=(N // _MM_BLK,),
        in_specs=[
            pl.BlockSpec((NC, _MM_BLK, 16), lambda i: (0, i, 0)),
            pl.BlockSpec((_MM_BLK, F_IN), lambda i: (i, 0)),
            pl.BlockSpec((F_IN, H1), lambda i: (0, 0)),
        ],
        out_specs=[
            pl.BlockSpec((_MM_BLK, F_IN), lambda i: (i, 0)),
            pl.BlockSpec((_MM_BLK, 16), lambda i: (i, 0)),
        ],
        out_shape=[
            jax.ShapeDtypeStruct((N, F_IN), _f32),
            jax.ShapeDtypeStruct((N, 16), _f32),
        ],
    )(deg16, x, W1)


def _post1_body(acc_ref, y_ref, dinv_ref, b1_ref, z_ref):
    dinv = dinv_ref[:, :1]
    h = dinv * (acc_ref[0] + acc_ref[1] + y_ref[...]) + b1_ref[...]
    z_ref[...] = dinv * jnp.maximum(h, 0.0)


def _post1(acc1, y, dinv16, b1_2d):
    return pl.pallas_call(
        _post1_body,
        grid=(N // _MM_BLK,),
        in_specs=[
            pl.BlockSpec((NC, _MM_BLK, F_IN), lambda i: (0, i, 0)),
            pl.BlockSpec((_MM_BLK, F_IN), lambda i: (i, 0)),
            pl.BlockSpec((_MM_BLK, 16), lambda i: (i, 0)),
            pl.BlockSpec((1, F_IN), lambda i: (0, 0)),
        ],
        out_specs=pl.BlockSpec((_MM_BLK, F_IN), lambda i: (i, 0)),
        out_shape=jax.ShapeDtypeStruct((N, F_IN), _f32),
    )(acc1, y, dinv16, b1_2d)


def _head_body(acc_ref, z_ref, dinv_ref, batch_ref, w2_ref, b2_ref, wb_ref,
               bb_ref, o_ref, p_acc, c_acc):
    i = pl.program_id(0)

    @pl.when(i == 0)
    def _():
        p_acc[...] = jnp.zeros_like(p_acc)
        c_acc[...] = jnp.zeros_like(c_acc)

    dinv = dinv_ref[:, :1]
    w = dinv * (acc_ref[0] + acc_ref[1] + z_ref[...])
    b = batch_ref[0, 0]
    gids = lax.broadcasted_iota(jnp.int32, (G, _MM_BLK), 0)
    S = (b[None, :] == gids).astype(_f32)
    p_acc[...] += jnp.dot(S, w, preferred_element_type=_f32,
                          precision=lax.Precision.HIGHEST)
    c_acc[...] += jnp.sum(S, axis=1, keepdims=True)

    @pl.when(i == pl.num_programs(0) - 1)
    def _():
        counts = c_acc[:, :1]
        sums = jnp.dot(p_acc[...], w2_ref[...], preferred_element_type=_f32,
                       precision=lax.Precision.HIGHEST)
        sums = sums + counts * b2_ref[...]
        emb = sums / jnp.maximum(counts, 1.0)
        nrm = jnp.sqrt(jnp.sum(emb * emb, axis=1, keepdims=True))
        emb = emb / jnp.maximum(nrm, 1e-12)
        o_ref[...] = jnp.dot(emb, wb_ref[...], preferred_element_type=_f32,
                             precision=lax.Precision.HIGHEST) + bb_ref[...]


def _head(acc2, z, dinv16, batch2d, W2, b2_2d, Wb, bb_2d):
    return pl.pallas_call(
        _head_body,
        grid=(N // _MM_BLK,),
        in_specs=[
            pl.BlockSpec((NC, _MM_BLK, F_IN), lambda i: (0, i, 0)),
            pl.BlockSpec((_MM_BLK, F_IN), lambda i: (i, 0)),
            pl.BlockSpec((_MM_BLK, 16), lambda i: (i, 0)),
            pl.BlockSpec((1, 1, _MM_BLK), lambda i: (i, 0, 0)),
            pl.BlockSpec((H1, D_EMB), lambda i: (0, 0)),
            pl.BlockSpec((1, D_EMB), lambda i: (0, 0)),
            pl.BlockSpec((D_EMB, 2), lambda i: (0, 0)),
            pl.BlockSpec((1, 2), lambda i: (0, 0)),
        ],
        out_specs=pl.BlockSpec((G, 2), lambda i: (0, 0)),
        out_shape=jax.ShapeDtypeStruct((G, 2), _f32),
        scratch_shapes=[
            pltpu.VMEM((G, F_IN), _f32),
            pltpu.VMEM((G, 128), _f32),
        ],
    )(acc2, z, dinv16, batch2d, W2, b2_2d, Wb, bb_2d)


def kernel(x, edge_index, batch, W1, b1, W2, b2, Wb, bb):
    src2d = edge_index[0].reshape(EROWS, CHUNK)
    dst2d = edge_index[1].reshape(EROWS, CHUNK)
    batch2d = batch.reshape(N // _MM_BLK, 1, _MM_BLK)
    b1_2d = b1.reshape(1, H1)
    b2_2d = b2.reshape(1, D_EMB)
    bb_2d = bb.reshape(1, 2)

    deg16 = _deg_pass(dst2d)
    y, dinv16 = _mmscale(deg16, x, W1)
    acc1 = _agg_pass(y, src2d, dst2d)
    z = _post1(acc1, y, dinv16, b1_2d)
    acc2 = _agg_pass(z, src2d, dst2d)
    return _head(acc2, z, dinv16, batch2d, W2, b2_2d, Wb, bb_2d)

# --- scband reference (transcript-rebuilt; emitter-appended) ---
"""Pipeline reference for scband-malware-gnn-25864293056851 (READ-ONLY COPY).

The authoritative reference and input builder live on the scoring server;
editing this copy changes nothing except your own understanding.
"""

import jax, jax.numpy as jnp
import numpy as np

N = 10000
E = 320000
F_IN = 128
H1 = 128
D_EMB = 256
G = 64


def setup_inputs(seed: int = 0) -> dict:
    key = jax.random.key(seed)
    ks = jax.random.split(key, 9)
    x = jax.random.normal(ks[0], (N, F_IN), dtype=jnp.float32)
    edge_index = jax.random.randint(ks[1], (2, E), 0, N, dtype=jnp.int32)
    batch = jnp.sort(jax.random.randint(ks[2], (N,), 0, G, dtype=jnp.int32))
    W1 = jax.random.normal(ks[3], (F_IN, H1), dtype=jnp.float32) * (1.0 / np.sqrt(F_IN))
    b1 = jnp.zeros((H1,), dtype=jnp.float32)
    W2 = jax.random.normal(ks[4], (H1, D_EMB), dtype=jnp.float32) * (1.0 / np.sqrt(H1))
    b2 = jnp.zeros((D_EMB,), dtype=jnp.float32)
    Wb = jax.random.normal(ks[5], (D_EMB, 2), dtype=jnp.float32) * (1.0 / np.sqrt(D_EMB))
    bb = jnp.zeros((2,), dtype=jnp.float32)
    return {"x": x, "edge_index": edge_index, "batch": batch,
            "W1": W1, "b1": b1, "W2": W2, "b2": b2, "Wb": Wb, "bb": bb}


def _gcn_conv(x, edge_index, W, b):
    # PyG GCNConv: add self-loops, symmetric normalization D^-1/2 (A+I) D^-1/2, then (norm-weighted) aggregate of x @ W, plus bias
    src = edge_index[0]
    dst = edge_index[1]
    loop = jnp.arange(N, dtype=src.dtype)
    src = jnp.concatenate([src, loop])
    dst = jnp.concatenate([dst, loop])
    deg = jnp.zeros((N,), dtype=jnp.float32).at[dst].add(1.0)
    dinv = jnp.where(deg > 0, jax.lax.rsqrt(jnp.maximum(deg, 1e-12)), 0.0)
    norm = dinv[src] * dinv[dst]
    xw = x @ W
    msg = jnp.take(xw, src, axis=0) * norm[:, None]
    out = jnp.zeros((N, xw.shape[1]), dtype=jnp.float32).at[dst].add(msg)
    return out + b


def reference(x, edge_index, batch, W1, b1, W2, b2, Wb, bb):
    h = jax.nn.relu(_gcn_conv(x, edge_index, W1, b1))
    # dropout p=0.5 is identity in eval mode
    h = _gcn_conv(h, edge_index, W2, b2)
    sums = jax.ops.segment_sum(h, batch, num_segments=G)
    counts = jnp.zeros((G,), dtype=jnp.float32).at[batch].add(1.0)
    emb = sums / jnp.maximum(counts, 1.0)[:, None]
    nrm = jnp.sqrt(jnp.sum(emb * emb, axis=1, keepdims=True))
    emb = emb / jnp.maximum(nrm, 1e-12)
    # phase='binary' -> binary_head
    return emb @ Wb + bb

if __name__ == "__main__":
    import jax
    _d = setup_inputs()
    print(jax.jit(kernel)(*tuple(_d.values())))

</pallas_src>

<mosaic_0001>
#map = affine_map<(d0, d1) -> (0, 0)>
#map1 = affine_map<(d0, d1) -> (0, 0, 0)>
module attributes {stable_mosaic.version = 14 : i64} {
  func.func @_deg_body(%arg0: i32, %arg1: i32, %arg2: memref<2560x125xi32, #tpu.memory_space<hbm>>, %arg3: memref<2x10240x16xf32, #tpu.memory_space<hbm>>, %arg4: memref<10240x16xf32, #tpu.memory_space<vmem_shared>>, %arg5: memref<80x125xi32, #tpu.memory_space<vmem>>, %arg6: memref<125x16xf32, #tpu.memory_space<vmem>>, %arg7: memref<128x16xf32, #tpu.memory_space<vmem>>) attributes {dimension_semantics = [#tpu.dimension_semantics<core_parallel>, #tpu.dimension_semantics<subcore_parallel>], iteration_bounds = array<i64: 2, 16>, scalar_prefetch = 0 : i64, scratch_operands = 4 : i64, tpu.core_type = #tpu.core_type<sc_vector_subcore>, window_params = [{transform_indices = #map}, {transform_indices = #map1}]} {
    %mul3A = arith.constant 16 : i32
    %mul3A_0 = arith.muli %arg0, %mul3A : i32
    %add3A = arith.addi %mul3A_0, %arg1 : i32
    %scan3A = arith.constant 0 : i32
    %scan3A_1 = arith.constant 0 : i32
    %scan3A_2 = arith.constant 125 : i32
    %scan3A_3 = arith.addi %scan3A_1, %scan3A_2 : i32
    %scan3A_4 = arith.constant 1 : i32
    %scan3A_5 = scf.for %scan3A_64 = %scan3A_1 to %scan3A_3 step %scan3A_4 iter_args(%scan3A_65 = %scan3A) -> (i32)  : i32 {
      %broadcast_in_dim3A = arith.constant 1.000000e+00 : f32
      %broadcast_in_dim3A_66 = vector.broadcast %broadcast_in_dim3A : f32 to vector<16xf32>
      %swap3A = arith.index_cast %scan3A_64 : i32 to index
      %swap3A_67 = arith.constant 0 : index
      %swap3A_68 = tpu.vector_load %arg6[%swap3A, %swap3A_67] {strides = array<i32>} : memref<125x16xf32, #tpu.memory_space<vmem>>, vector<1x16xf32>,
      %swap3A_69 = vector.shape_cast %swap3A_68 : vector<1x16xf32> to vector<16xf32>
      %swap3A_70 = vector.shape_cast %broadcast_in_dim3A_66 : vector<16xf32> to vector<1x16xf32>
      tpu.vector_store %arg6[%swap3A, %swap3A_67], %swap3A_70 {strides = array<i32>} : memref<125x16xf32, #tpu.memory_space<vmem>>, vector<1x16xf32>,
      %scan3A_71 = arith.constant 0 : i32
      scf.yield %scan3A_71 : i32
    }
    %scan3A_6 = arith.constant 125 : i32
    %scan3A_7 = arith.constant 0 : i32
    %scan3A_8 = arith.constant 0 : i32
    %scan3A_9 = arith.constant 128 : i32
    %scan3A_10 = arith.addi %scan3A_8, %scan3A_9 : i32
    %scan3A_11 = arith.constant 1 : i32
    %scan3A_12 = scf.for %scan3A_64 = %scan3A_8 to %scan3A_10 step %scan3A_11 iter_args(%scan3A_65 = %scan3A_7) -> (i32)  : i32 {
      %broadcast_in_dim3A = arith.constant 0.000000e+00 : f32
      %broadcast_in_dim3A_66 = vector.broadcast %broadcast_in_dim3A : f32 to vector<16xf32>
      %swap3A = arith.index_cast %scan3A_64 : i32 to index
      %swap3A_67 = arith.constant 0 : index
      %swap3A_68 = tpu.vector_load %arg7[%swap3A, %swap3A_67] {strides = array<i32>} : memref<128x16xf32, #tpu.memory_space<vmem>>, vector<1x16xf32>,
      %swap3A_69 = vector.shape_cast %swap3A_68 : vector<1x16xf32> to vector<16xf32>
      %swap3A_70 = vector.shape_cast %broadcast_in_dim3A_66 : vector<16xf32> to vector<1x16xf32>
      tpu.vector_store %arg7[%swap3A, %swap3A_67], %swap3A_70 {strides = array<i32>} : memref<128x16xf32, #tpu.memory_space<vmem>>, vector<1x16xf32>,
      %scan3A_71 = arith.constant 0 : i32
      scf.yield %scan3A_71 : i32
    }
    %scan3A_13 = arith.constant 128 : i32
    %mul3A_14 = arith.constant 640 : i32
    %mul3A_15 = arith.muli %arg1, %mul3A_14 : i32
    %add3A_16 = arith.constant 0 : i32
    %add3A_17 = arith.addi %mul3A_15, %add3A_16 : i32
    "tpu.region"() ({
      %run_scoped3A = tpu.sem_alloc : memref<!tpu.dma_semaphore, #tpu.memory_space<semaphore_mem>>
      %dma_start3A = arith.constant 0 : i32
      %dma_start3A_64 = tpu.memref_slice %arg4[%add3A_17, %dma_start3A] : memref<10240x16xf32, #tpu.memory_space<vmem_shared>> -> memref<128x16xf32, #tpu.memory_space<vmem_shared>>
      %dma_start3A_65 = arith.constant 0 : i32
      %dma_start3A_66 = tpu.memref_slice %arg4[%add3A_17, %dma_start3A_65] : memref<10240x16xf32, #tpu.memory_space<vmem_shared>> -> memref<128x16xf32, #tpu.memory_space<vmem_shared>>
      tpu.enqueue_dma source(%arg7 : memref<128x16xf32, #tpu.memory_space<vmem>>) target(%dma_start3A_66 : memref<128x16xf32, #tpu.memory_space<vmem_shared>>) target_semaphore(%run_scoped3A : memref<!tpu.dma_semaphore, #tpu.memory_space<semaphore_mem>>)
      %dma_wait3A = arith.constant 0 : i32
      %dma_wait3A_67 = tpu.memref_slice %arg4[%add3A_17, %dma_wait3A] : memref<10240x16xf32, #tpu.memory_space<vmem_shared>> -> memref<128x16xf32, #tpu.memory_space<vmem_shared>>
      %dma_wait3A_68 = arith.constant 0 : i32
      %dma_wait3A_69 = tpu.memref_slice %arg4[%add3A_17, %dma_wait3A_68] : memref<10240x16xf32, #tpu.memory_space<vmem_shared>> -> memref<128x16xf32, #tpu.memory_space<vmem_shared>>
      tpu.wait_dma2 semaphore(%run_scoped3A : memref<!tpu.dma_semaphore, #tpu.memory_space<semaphore_mem>>) src(%arg7 : memref<128x16xf32, #tpu.memory_space<vmem>>) dst(%dma_wait3A_69 : memref<128x16xf32, #tpu.memory_space<vmem_shared>>)
      tpu.yield
    }) : () -> ()
    %mul3A_18 = arith.constant 640 : i32
    %mul3A_19 = arith.muli %arg1, %mul3A_18 : i32
    %add3A_20 = arith.constant 128 : i32
    %add3A_21 = arith.addi %mul3A_19, %add3A_20 : i32
    "tpu.region"() ({
      %run_scoped3A = tpu.sem_alloc : memref<!tpu.dma_semaphore, #tpu.memory_space<semaphore_mem>>
      %dma_start3A = arith.constant 0 : i32
      %dma_start3A_64 = tpu.memref_slice %arg4[%add3A_21, %dma_start3A] : memref<10240x16xf32, #tpu.memory_space<vmem_shared>> -> memref<128x16xf32, #tpu.memory_space<vmem_shared>>
      %dma_start3A_65 = arith.constant 0 : i32
      %dma_start3A_66 = tpu.memref_slice %arg4[%add3A_21, %dma_start3A_65] : memref<10240x16xf32, #tpu.memory_space<vmem_shared>> -> memref<128x16xf32, #tpu.memory_space<vmem_shared>>
      tpu.enqueue_dma source(%arg7 : memref<128x16xf32, #tpu.memory_space<vmem>>) target(%dma_start3A_66 : memref<128x16xf32, #tpu.memory_space<vmem_shared>>) target_semaphore(%run_scoped3A : memref<!tpu.dma_semaphore, #tpu.memory_space<semaphore_mem>>)
      %dma_wait3A = arith.constant 0 : i32
      %dma_wait3A_67 = tpu.memref_slice %arg4[%add3A_21, %dma_wait3A] : memref<10240x16xf32, #tpu.memory_space<vmem_shared>> -> memref<128x16xf32, #tpu.memory_space<vmem_shared>>
      %dma_wait3A_68 = arith.constant 0 : i32
      %dma_wait3A_69 = tpu.memref_slice %arg4[%add3A_21, %dma_wait3A_68] : memref<10240x16xf32, #tpu.memory_space<vmem_shared>> -> memref<128x16xf32, #tpu.memory_space<vmem_shared>>
      tpu.wait_dma2 semaphore(%run_scoped3A : memref<!tpu.dma_semaphore, #tpu.memory_space<semaphore_mem>>) src(%arg7 : memref<128x16xf32, #tpu.memory_space<vmem>>) dst(%dma_wait3A_69 : memref<128x16xf32, #tpu.memory_space<vmem_shared>>)
      tpu.yield
    }) : () -> ()
    %mul3A_22 = arith.constant 640 : i32
    %mul3A_23 = arith.muli %arg1, %mul3A_22 : i32
    %add3A_24 = arith.constant 256 : i32
    %add3A_25 = arith.addi %mul3A_23, %add3A_24 : i32
    "tpu.region"() ({
      %run_scoped3A = tpu.sem_alloc : memref<!tpu.dma_semaphore, #tpu.memory_space<semaphore_mem>>
      %dma_start3A = arith.constant 0 : i32
      %dma_start3A_64 = tpu.memref_slice %arg4[%add3A_25, %dma_start3A] : memref<10240x16xf32, #tpu.memory_space<vmem_shared>> -> memref<128x16xf32, #tpu.memory_space<vmem_shared>>
      %dma_start3A_65 = arith.constant 0 : i32
      %dma_start3A_66 = tpu.memref_slice %arg4[%add3A_25, %dma_start3A_65] : memref<10240x16xf32, #tpu.memory_space<vmem_shared>> -> memref<128x16xf32, #tpu.memory_space<vmem_shared>>
      tpu.enqueue_dma source(%arg7 : memref<128x16xf32, #tpu.memory_space<vmem>>) target(%dma_start3A_66 : memref<128x16xf32, #tpu.memory_space<vmem_shared>>) target_semaphore(%run_scoped3A : memref<!tpu.dma_semaphore, #tpu.memory_space<semaphore_mem>>)
      %dma_wait3A = arith.constant 0 : i32
      %dma_wait3A_67 = tpu.memref_slice %arg4[%add3A_25, %dma_wait3A] : memref<10240x16xf32, #tpu.memory_space<vmem_shared>> -> memref<128x16xf32, #tpu.memory_space<vmem_shared>>
      %dma_wait3A_68 = arith.constant 0 : i32
      %dma_wait3A_69 = tpu.memref_slice %arg4[%add3A_25, %dma_wait3A_68] : memref<10240x16xf32, #tpu.memory_space<vmem_shared>> -> memref<128x16xf32, #tpu.memory_space<vmem_shared>>
      tpu.wait_dma2 semaphore(%run_scoped3A : memref<!tpu.dma_semaphore, #tpu.memory_space<semaphore_mem>>) src(%arg7 : memref<128x16xf32, #tpu.memory_space<vmem>>) dst(%dma_wait3A_69 : memref<128x16xf32, #tpu.memory_space<vmem_shared>>)
      tpu.yield
    }) : () -> ()
    %mul3A_26 = arith.constant 640 : i32
    %mul3A_27 = arith.muli %arg1, %mul3A_26 : i32
    %add3A_28 = arith.constant 384 : i32
    %add3A_29 = arith.addi %mul3A_27, %add3A_28 : i32
    "tpu.region"() ({
      %run_scoped3A = tpu.sem_alloc : memref<!tpu.dma_semaphore, #tpu.memory_space<semaphore_mem>>
      %dma_start3A = arith.constant 0 : i32
      %dma_start3A_64 = tpu.memref_slice %arg4[%add3A_29, %dma_start3A] : memref<10240x16xf32, #tpu.memory_space<vmem_shared>> -> memref<128x16xf32, #tpu.memory_space<vmem_shared>>
      %dma_start3A_65 = arith.constant 0 : i32
      %dma_start3A_66 = tpu.memref_slice %arg4[%add3A_29, %dma_start3A_65] : memref<10240x16xf32, #tpu.memory_space<vmem_shared>> -> memref<128x16xf32, #tpu.memory_space<vmem_shared>>
      tpu.enqueue_dma source(%arg7 : memref<128x16xf32, #tpu.memory_space<vmem>>) target(%dma_start3A_66 : memref<128x16xf32, #tpu.memory_space<vmem_shared>>) target_semaphore(%run_scoped3A : memref<!tpu.dma_semaphore, #tpu.memory_space<semaphore_mem>>)
      %dma_wait3A = arith.constant 0 : i32
      %dma_wait3A_67 = tpu.memref_slice %arg4[%add3A_29, %dma_wait3A] : memref<10240x16xf32, #tpu.memory_space<vmem_shared>> -> memref<128x16xf32, #tpu.memory_space<vmem_shared>>
      %dma_wait3A_68 = arith.constant 0 : i32
      %dma_wait3A_69 = tpu.memref_slice %arg4[%add3A_29, %dma_wait3A_68] : memref<10240x16xf32, #tpu.memory_space<vmem_shared>> -> memref<128x16xf32, #tpu.memory_space<vmem_shared>>
      tpu.wait_dma2 semaphore(%run_scoped3A : memref<!tpu.dma_semaphore, #tpu.memory_space<semaphore_mem>>) src(%arg7 : memref<128x16xf32, #tpu.memory_space<vmem>>) dst(%dma_wait3A_69 : memref<128x16xf32, #tpu.memory_space<vmem_shared>>)
      tpu.yield
    }) : () -> ()
    %mul3A_30 = arith.constant 640 : i32
    %mul3A_31 = arith.muli %arg1, %mul3A_30 : i32
    %add3A_32 = arith.constant 512 : i32
    %add3A_33 = arith.addi %mul3A_31, %add3A_32 : i32
    "tpu.region"() ({
      %run_scoped3A = tpu.sem_alloc : memref<!tpu.dma_semaphore, #tpu.memory_space<semaphore_mem>>
      %dma_start3A = arith.constant 0 : i32
      %dma_start3A_64 = tpu.memref_slice %arg4[%add3A_33, %dma_start3A] : memref<10240x16xf32, #tpu.memory_space<vmem_shared>> -> memref<128x16xf32, #tpu.memory_space<vmem_shared>>
      %dma_start3A_65 = arith.constant 0 : i32
      %dma_start3A_66 = tpu.memref_slice %arg4[%add3A_33, %dma_start3A_65] : memref<10240x16xf32, #tpu.memory_space<vmem_shared>> -> memref<128x16xf32, #tpu.memory_space<vmem_shared>>
      tpu.enqueue_dma source(%arg7 : memref<128x16xf32, #tpu.memory_space<vmem>>) target(%dma_start3A_66 : memref<128x16xf32, #tpu.memory_space<vmem_shared>>) target_semaphore(%run_scoped3A : memref<!tpu.dma_semaphore, #tpu.memory_space<semaphore_mem>>)
      %dma_wait3A = arith.constant 0 : i32
      %dma_wait3A_67 = tpu.memref_slice %arg4[%add3A_33, %dma_wait3A] : memref<10240x16xf32, #tpu.memory_space<vmem_shared>> -> memref<128x16xf32, #tpu.memory_space<vmem_shared>>
      %dma_wait3A_68 = arith.constant 0 : i32
      %dma_wait3A_69 = tpu.memref_slice %arg4[%add3A_33, %dma_wait3A_68] : memref<10240x16xf32, #tpu.memory_space<vmem_shared>> -> memref<128x16xf32, #tpu.memory_space<vmem_shared>>
      tpu.wait_dma2 semaphore(%run_scoped3A : memref<!tpu.dma_semaphore, #tpu.memory_space<semaphore_mem>>) src(%arg7 : memref<128x16xf32, #tpu.memory_space<vmem>>) dst(%dma_wait3A_69 : memref<128x16xf32, #tpu.memory_space<vmem_shared>>)
      tpu.yield
    }) : () -> ()
    %barrier3A = arith.constant 0 : index
    tpu.barrier barrier_id(%barrier3A)
    %mul3A_34 = arith.constant 80 : i32
    %mul3A_35 = arith.muli %add3A, %mul3A_34 : i32
    "tpu.region"() ({
      %run_scoped3A = tpu.sem_alloc : memref<!tpu.dma_semaphore, #tpu.memory_space<semaphore_mem>>
      %dma_start3A = arith.constant 0 : i32
      %dma_start3A_64 = tpu.memref_slice %arg2[%mul3A_35, %dma_start3A] : memref<2560x125xi32, #tpu.memory_space<hbm>> -> memref<80x125xi32, #tpu.memory_space<hbm>>
      %dma_start3A_65 = arith.constant 0 : i32
      %dma_start3A_66 = tpu.memref_slice %arg2[%mul3A_35, %dma_start3A_65] : memref<2560x125xi32, #tpu.memory_space<hbm>> -> memref<80x125xi32, #tpu.memory_space<hbm>>
      tpu.enqueue_dma source(%dma_start3A_66 : memref<80x125xi32, #tpu.memory_space<hbm>>) target(%arg5 : memref<80x125xi32, #tpu.memory_space<vmem>>) target_semaphore(%run_scoped3A : memref<!tpu.dma_semaphore, #tpu.memory_space<semaphore_mem>>)
      %dma_wait3A = arith.constant 0 : i32
      %dma_wait3A_67 = tpu.memref_slice %arg2[%mul3A_35, %dma_wait3A] : memref<2560x125xi32, #tpu.memory_space<hbm>> -> memref<80x125xi32, #tpu.memory_space<hbm>>
      %dma_wait3A_68 = arith.constant 0 : i32
      %dma_wait3A_69 = tpu.memref_slice %arg2[%mul3A_35, %dma_wait3A_68] : memref<2560x125xi32, #tpu.memory_space<hbm>> -> memref<80x125xi32, #tpu.memory_space<hbm>>
      tpu.wait_dma2 semaphore(%run_scoped3A : memref<!tpu.dma_semaphore, #tpu.memory_space<semaphore_mem>>) src(%dma_wait3A_69 : memref<80x125xi32, #tpu.memory_space<hbm>>) dst(%arg5 : memref<80x125xi32, #tpu.memory_space<vmem>>)
      tpu.yield
    }) : () -> ()
    %scan3A_36 = arith.constant 0 : i32
    %scan3A_37 = arith.constant 0 : i32
    %scan3A_38 = arith.constant 80 : i32
    %scan3A_39 = arith.addi %scan3A_37, %scan3A_38 : i32
    %scan3A_40 = arith.constant 1 : i32
    %scan3A_41 = scf.for %scan3A_64 = %scan3A_37 to %scan3A_39 step %scan3A_40 iter_args(%scan3A_65 = %scan3A_36) -> (i32)  : i32 {
      "tpu.region"() ({
        %run_scoped3A = tpu.sem_alloc : memref<!tpu.dma_semaphore, #tpu.memory_space<semaphore_mem>>
        %dma_start3A = arith.constant 0 : i32
        %dma_start3A_67 = tpu.memref_slice %arg5[%scan3A_64, %dma_start3A] : memref<80x125xi32, #tpu.memory_space<vmem>> -> memref<1x125xi32, #tpu.memory_space<vmem>>
        %dma_start3A_68 = tpu.memref_squeeze %dma_start3A_67 : memref<1x125xi32, #tpu.memory_space<vmem>> -> memref<125xi32, #tpu.memory_space<vmem>>
        %dma_start3A_69 = arith.constant 0 : i32
        %dma_start3A_70 = arith.constant 0 : i32
        %dma_start3A_71 = tpu.memref_slice %arg4[%dma_start3A_69, %dma_start3A_70] : memref<10240x16xf32, #tpu.memory_space<vmem_shared>> -> memref<10240x16xf32, #tpu.memory_space<vmem_shared>>
        tpu.enqueue_indirect_dma source(%arg6 : memref<125x16xf32, #tpu.memory_space<vmem>>) target(%dma_start3A_71 : memref<10240x16xf32, #tpu.memory_space<vmem_shared>>) offsets(%dma_start3A_68 : memref<125xi32, #tpu.memory_space<vmem>>) semaphore(%run_scoped3A : memref<!tpu.dma_semaphore, #tpu.memory_space<semaphore_mem>>) {add = true}
        %dma_wait3A = arith.constant 0 : i32
        %dma_wait3A_72 = tpu.memref_slice %arg5[%scan3A_64, %dma_wait3A] : memref<80x125xi32, #tpu.memory_space<vmem>> -> memref<1x125xi32, #tpu.memory_space<vmem>>
        %dma_wait3A_73 = tpu.memref_squeeze %dma_wait3A_72 : memref<1x125xi32, #tpu.memory_space<vmem>> -> memref<125xi32, #tpu.memory_space<vmem>>
        %dma_wait3A_74 = arith.constant 0 : i32
        %dma_wait3A_75 = arith.constant 0 : i32
        %dma_wait3A_76 = tpu.memref_slice %arg4[%dma_wait3A_74, %dma_wait3A_75] : memref<10240x16xf32, #tpu.memory_space<vmem_shared>> -> memref<10240x16xf32, #tpu.memory_space<vmem_shared>>
        tpu.wait_indirect_dma semaphore(%run_scoped3A : memref<!tpu.dma_semaphore, #tpu.memory_space<semaphore_mem>>) src(%arg6 : memref<125x16xf32, #tpu.memory_space<vmem>>) dst(%dma_wait3A_76 : memref<10240x16xf32, #tpu.memory_space<vmem_shared>>)
        tpu.yield
      }) : () -> ()
      %scan3A_66 = arith.constant 0 : i32
      scf.yield %scan3A_66 : i32
    }
    %scan3A_42 = arith.constant 80 : i32
    %barrier3A_43 = arith.constant 0 : index
    tpu.barrier barrier_id(%barrier3A_43)
    %mul3A_44 = arith.constant 640 : i32
    %mul3A_45 = arith.muli %arg1, %mul3A_44 : i32
    %add3A_46 = arith.constant 0 : i32
    %add3A_47 = arith.addi %mul3A_45, %add3A_46 : i32
    "tpu.region"() ({
      %run_scoped3A = tpu.sem_alloc : memref<!tpu.dma_semaphore, #tpu.memory_space<semaphore_mem>>
      %dma_start3A = arith.constant 0 : i32
      %dma_start3A_64 = tpu.memref_slice %arg3[%arg0, %add3A_47, %dma_start3A] : memref<2x10240x16xf32, #tpu.memory_space<hbm>> -> memref<1x128x16xf32, #tpu.memory_space<hbm>>
      %dma_start3A_65 = tpu.memref_squeeze %dma_start3A_64 : memref<1x128x16xf32, #tpu.memory_space<hbm>> -> memref<128x16xf32, #tpu.memory_space<hbm>>
      %dma_start3A_66 = arith.constant 0 : i32
      %dma_start3A_67 = tpu.memref_slice %arg4[%add3A_47, %dma_start3A_66] : memref<10240x16xf32, #tpu.memory_space<vmem_shared>> -> memref<128x16xf32, #tpu.memory_space<vmem_shared>>
      tpu.enqueue_dma source(%dma_start3A_67 : memref<128x16xf32, #tpu.memory_space<vmem_shared>>) target(%dma_start3A_65 : memref<128x16xf32, #tpu.memory_space<hbm>>) target_semaphore(%run_scoped3A : memref<!tpu.dma_semaphore, #tpu.memory_space<semaphore_mem>>)
      %dma_wait3A = arith.constant 0 : i32
      %dma_wait3A_68 = tpu.memref_slice %arg3[%arg0, %add3A_47, %dma_wait3A] : memref<2x10240x16xf32, #tpu.memory_space<hbm>> -> memref<1x128x16xf32, #tpu.memory_space<hbm>>
      %dma_wait3A_69 = tpu.memref_squeeze %dma_wait3A_68 : memref<1x128x16xf32, #tpu.memory_space<hbm>> -> memref<128x16xf32, #tpu.memory_space<hbm>>
      %dma_wait3A_70 = arith.constant 0 : i32
      %dma_wait3A_71 = tpu.memref_slice %arg4[%add3A_47, %dma_wait3A_70] : memref<10240x16xf32, #tpu.memory_space<vmem_shared>> -> memref<128x16xf32, #tpu.memory_space<vmem_shared>>
      tpu.wait_dma2 semaphore(%run_scoped3A : memref<!tpu.dma_semaphore, #tpu.memory_space<semaphore_mem>>) src(%dma_wait3A_71 : memref<128x16xf32, #tpu.memory_space<vmem_shared>>) dst(%dma_wait3A_69 : memref<128x16xf32, #tpu.memory_space<hbm>>)
      tpu.yield
    }) : () -> ()
    %mul3A_48 = arith.constant 640 : i32
    %mul3A_49 = arith.muli %arg1, %mul3A_48 : i32
    %add3A_50 = arith.constant 128 : i32
    %add3A_51 = arith.addi %mul3A_49, %add3A_50 : i32
    "tpu.region"() ({
      %run_scoped3A = tpu.sem_alloc : memref<!tpu.dma_semaphore, #tpu.memory_space<semaphore_mem>>
      %dma_start3A = arith.constant 0 : i32
      %dma_start3A_64 = tpu.memref_slice %arg3[%arg0, %add3A_51, %dma_start3A] : memref<2x10240x16xf32, #tpu.memory_space<hbm>> -> memref<1x128x16xf32, #tpu.memory_space<hbm>>
      %dma_start3A_65 = tpu.memref_squeeze %dma_start3A_64 : memref<1x128x16xf32, #tpu.memory_space<hbm>> -> memref<128x16xf32, #tpu.memory_space<hbm>>
      %dma_start3A_66 = arith.constant 0 : i32
      %dma_start3A_67 = tpu.memref_slice %arg4[%add3A_51, %dma_start3A_66] : memref<10240x16xf32, #tpu.memory_space<vmem_shared>> -> memref<128x16xf32, #tpu.memory_space<vmem_shared>>
      tpu.enqueue_dma source(%dma_start3A_67 : memref<128x16xf32, #tpu.memory_space<vmem_shared>>) target(%dma_start3A_65 : memref<128x16xf32, #tpu.memory_space<hbm>>) target_semaphore(%run_scoped3A : memref<!tpu.dma_semaphore, #tpu.memory_space<semaphore_mem>>)
      %dma_wait3A = arith.constant 0 : i32
      %dma_wait3A_68 = tpu.memref_slice %arg3[%arg0, %add3A_51, %dma_wait3A] : memref<2x10240x16xf32, #tpu.memory_space<hbm>> -> memref<1x128x16xf32, #tpu.memory_space<hbm>>
      %dma_wait3A_69 = tpu.memref_squeeze %dma_wait3A_68 : memref<1x128x16xf32, #tpu.memory_space<hbm>> -> memref<128x16xf32, #tpu.memory_space<hbm>>
      %dma_wait3A_70 = arith.constant 0 : i32
      %dma_wait3A_71 = tpu.memref_slice %arg4[%add3A_51, %dma_wait3A_70] : memref<10240x16xf32, #tpu.memory_space<vmem_shared>> -> memref<128x16xf32, #tpu.memory_space<vmem_shared>>
      tpu.wait_dma2 semaphore(%run_scoped3A : memref<!tpu.dma_semaphore, #tpu.memory_space<semaphore_mem>>) src(%dma_wait3A_71 : memref<128x16xf32, #tpu.memory_space<vmem_shared>>) dst(%dma_wait3A_69 : memref<128x16xf32, #tpu.memory_space<hbm>>)
      tpu.yield
    }) : () -> ()
    %mul3A_52 = arith.constant 640 : i32
    %mul3A_53 = arith.muli %arg1, %mul3A_52 : i32
    %add3A_54 = arith.constant 256 : i32
    %add3A_55 = arith.addi %mul3A_53, %add3A_54 : i32
    "tpu.region"() ({
      %run_scoped3A = tpu.sem_alloc : memref<!tpu.dma_semaphore, #tpu.memory_space<semaphore_mem>>
      %dma_start3A = arith.constant 0 : i32
      %dma_start3A_64 = tpu.memref_slice %arg3[%arg0, %add3A_55, %dma_start3A] : memref<2x10240x16xf32, #tpu.memory_space<hbm>> -> memref<1x128x16xf32, #tpu.memory_space<hbm>>
      %dma_start3A_65 = tpu.memref_squeeze %dma_start3A_64 : memref<1x128x16xf32, #tpu.memory_space<hbm>> -> memref<128x16xf32, #tpu.memory_space<hbm>>
      %dma_start3A_66 = arith.constant 0 : i32
      %dma_start3A_67 = tpu.memref_slice %arg4[%add3A_55, %dma_start3A_66] : memref<10240x16xf32, #tpu.memory_space<vmem_shared>> -> memref<128x16xf32, #tpu.memory_space<vmem_shared>>
      tpu.enqueue_dma source(%dma_start3A_67 : memref<128x16xf32, #tpu.memory_space<vmem_shared>>) target(%dma_start3A_65 : memref<128x16xf32, #tpu.memory_space<hbm>>) target_semaphore(%run_scoped3A : memref<!tpu.dma_semaphore, #tpu.memory_space<semaphore_mem>>)
      %dma_wait3A = arith.constant 0 : i32
      %dma_wait3A_68 = tpu.memref_slice %arg3[%arg0, %add3A_55, %dma_wait3A] : memref<2x10240x16xf32, #tpu.memory_space<hbm>> -> memref<1x128x16xf32, #tpu.memory_space<hbm>>
      %dma_wait3A_69 = tpu.memref_squeeze %dma_wait3A_68 : memref<1x128x16xf32, #tpu.memory_space<hbm>> -> memref<128x16xf32, #tpu.memory_space<hbm>>
      %dma_wait3A_70 = arith.constant 0 : i32
      %dma_wait3A_71 = tpu.memref_slice %arg4[%add3A_55, %dma_wait3A_70] : memref<10240x16xf32, #tpu.memory_space<vmem_shared>> -> memref<128x16xf32, #tpu.memory_space<vmem_shared>>
      tpu.wait_dma2 semaphore(%run_scoped3A : memref<!tpu.dma_semaphore, #tpu.memory_space<semaphore_mem>>) src(%dma_wait3A_71 : memref<128x16xf32, #tpu.memory_space<vmem_shared>>) dst(%dma_wait3A_69 : memref<128x16xf32, #tpu.memory_space<hbm>>)
      tpu.yield
    }) : () -> ()
    %mul3A_56 = arith.constant 640 : i32
    %mul3A_57 = arith.muli %arg1, %mul3A_56 : i32
    %add3A_58 = arith.constant 384 : i32
    %add3A_59 = arith.addi %mul3A_57, %add3A_58 : i32
    "tpu.region"() ({
      %run_scoped3A = tpu.sem_alloc : memref<!tpu.dma_semaphore, #tpu.memory_space<semaphore_mem>>
      %dma_start3A = arith.constant 0 : i32
      %dma_start3A_64 = tpu.memref_slice %arg3[%arg0, %add3A_59, %dma_start3A] : memref<2x10240x16xf32, #tpu.memory_space<hbm>> -> memref<1x128x16xf32, #tpu.memory_space<hbm>>
      %dma_start3A_65 = tpu.memref_squeeze %dma_start3A_64 : memref<1x128x16xf32, #tpu.memory_space<hbm>> -> memref<128x16xf32, #tpu.memory_space<hbm>>
      %dma_start3A_66 = arith.constant 0 : i32
      %dma_start3A_67 = tpu.memref_slice %arg4[%add3A_59, %dma_start3A_66] : memref<10240x16xf32, #tpu.memory_space<vmem_shared>> -> memref<128x16xf32, #tpu.memory_space<vmem_shared>>
      tpu.enqueue_dma source(%dma_start3A_67 : memref<128x16xf32, #tpu.memory_space<vmem_shared>>) target(%dma_start3A_65 : memref<128x16xf32, #tpu.memory_space<hbm>>) target_semaphore(%run_scoped3A : memref<!tpu.dma_semaphore, #tpu.memory_space<semaphore_mem>>)
      %dma_wait3A = arith.constant 0 : i32
      %dma_wait3A_68 = tpu.memref_slice %arg3[%arg0, %add3A_59, %dma_wait3A] : memref<2x10240x16xf32, #tpu.memory_space<hbm>> -> memref<1x128x16xf32, #tpu.memory_space<hbm>>
      %dma_wait3A_69 = tpu.memref_squeeze %dma_wait3A_68 : memref<1x128x16xf32, #tpu.memory_space<hbm>> -> memref<128x16xf32, #tpu.memory_space<hbm>>
      %dma_wait3A_70 = arith.constant 0 : i32
      %dma_wait3A_71 = tpu.memref_slice %arg4[%add3A_59, %dma_wait3A_70] : memref<10240x16xf32, #tpu.memory_space<vmem_shared>> -> memref<128x16xf32, #tpu.memory_space<vmem_shared>>
      tpu.wait_dma2 semaphore(%run_scoped3A : memref<!tpu.dma_semaphore, #tpu.memory_space<semaphore_mem>>) src(%dma_wait3A_71 : memref<128x16xf32, #tpu.memory_space<vmem_shared>>) dst(%dma_wait3A_69 : memref<128x16xf32, #tpu.memory_space<hbm>>)
      tpu.yield
    }) : () -> ()
    %mul3A_60 = arith.constant 640 : i32
    %mul3A_61 = arith.muli %arg1, %mul3A_60 : i32
    %add3A_62 = arith.constant 512 : i32
    %add3A_63 = arith.addi %mul3A_61, %add3A_62 : i32
    "tpu.region"() ({
      %run_scoped3A = tpu.sem_alloc : memref<!tpu.dma_semaphore, #tpu.memory_space<semaphore_mem>>
      %dma_start3A = arith.constant 0 : i32
      %dma_start3A_64 = tpu.memref_slice %arg3[%arg0, %add3A_63, %dma_start3A] : memref<2x10240x16xf32, #tpu.memory_space<hbm>> -> memref<1x128x16xf32, #tpu.memory_space<hbm>>
      %dma_start3A_65 = tpu.memref_squeeze %dma_start3A_64 : memref<1x128x16xf32, #tpu.memory_space<hbm>> -> memref<128x16xf32, #tpu.memory_space<hbm>>
      %dma_start3A_66 = arith.constant 0 : i32
      %dma_start3A_67 = tpu.memref_slice %arg4[%add3A_63, %dma_start3A_66] : memref<10240x16xf32, #tpu.memory_space<vmem_shared>> -> memref<128x16xf32, #tpu.memory_space<vmem_shared>>
      tpu.enqueue_dma source(%dma_start3A_67 : memref<128x16xf32, #tpu.memory_space<vmem_shared>>) target(%dma_start3A_65 : memref<128x16xf32, #tpu.memory_space<hbm>>) target_semaphore(%run_scoped3A : memref<!tpu.dma_semaphore, #tpu.memory_space<semaphore_mem>>)
      %dma_wait3A = arith.constant 0 : i32
      %dma_wait3A_68 = tpu.memref_slice %arg3[%arg0, %add3A_63, %dma_wait3A] : memref<2x10240x16xf32, #tpu.memory_space<hbm>> -> memref<1x128x16xf32, #tpu.memory_space<hbm>>
      %dma_wait3A_69 = tpu.memref_squeeze %dma_wait3A_68 : memref<1x128x16xf32, #tpu.memory_space<hbm>> -> memref<128x16xf32, #tpu.memory_space<hbm>>
      %dma_wait3A_70 = arith.constant 0 : i32
      %dma_wait3A_71 = tpu.memref_slice %arg4[%add3A_63, %dma_wait3A_70] : memref<10240x16xf32, #tpu.memory_space<vmem_shared>> -> memref<128x16xf32, #tpu.memory_space<vmem_shared>>
      tpu.wait_dma2 semaphore(%run_scoped3A : memref<!tpu.dma_semaphore, #tpu.memory_space<semaphore_mem>>) src(%dma_wait3A_71 : memref<128x16xf32, #tpu.memory_space<vmem_shared>>) dst(%dma_wait3A_69 : memref<128x16xf32, #tpu.memory_space<hbm>>)
      tpu.yield
    }) : () -> ()
    return
  }
}

#map = affine_map<(d0, d1) -> (0, 0)>
#map1 = affine_map<(d0, d1) -> (0, 0, 0)>
module attributes {stable_mosaic.version = 14 : i64} {
  func.func @_agg_body(%arg0: i32, %arg1: i32, %arg2: memref<10000x128xf32, #tpu.memory_space<hbm>>, %arg3: memref<2560x125xi32, #tpu.memory_space<hbm>>, %arg4: memref<2560x125xi32, #tpu.memory_space<hbm>>, %arg5: memref<2x10240x128xf32, #tpu.memory_space<hbm>>, %arg6: memref<10240x128xf32, #tpu.memory_space<vmem_shared>>, %arg7: memref<40x125xi32, #tpu.memory_space<vmem>>, %arg8: memref<40x125xi32, #tpu.memory_space<vmem>>, %arg9: memref<128x128xf32, #tpu.memory_space<vmem>>, %arg10: memref<125x128xf32, #tpu.memory_space<vmem>>, %arg11: memref<!tpu.dma_semaphore, #tpu.memory_space<semaphore_mem>>, %arg12: memref<!tpu.dma_semaphore, #tpu.memory_space<semaphore_mem>>) attributes {dimension_semantics = [#tpu.dimension_semantics<core_parallel>, #tpu.dimension_semantics<subcore_parallel>], iteration_bounds = array<i64: 2, 16>, scalar_prefetch = 0 : i64, scratch_operands = 7 : i64, tpu.core_type = #tpu.core_type<sc_vector_subcore>, window_params = [{transform_indices = #map}, {transform_indices = #map}, {transform_indices = #map}, {transform_indices = #map1}]} {
    %mul3A = arith.constant 16 : i32
    %mul3A_0 = arith.muli %arg0, %mul3A : i32
    %add3A = arith.addi %mul3A_0, %arg1 : i32
    %scan3A = arith.constant 0 : i32
    %scan3A_1 = arith.constant 0 : i32
    %scan3A_2 = arith.constant 1024 : i32
    %scan3A_3 = arith.addi %scan3A_1, %scan3A_2 : i32
    %scan3A_4 = arith.constant 1 : i32
    %scan3A_5 = scf.for %scan3A_87 = %scan3A_1 to %scan3A_3 step %scan3A_4 iter_args(%scan3A_88 = %scan3A) -> (i32)  : i32 {
      %broadcast_in_dim3A = arith.constant 0.000000e+00 : f32
      %broadcast_in_dim3A_89 = vector.broadcast %broadcast_in_dim3A : f32 to vector<16xf32>
      %jit3A = arith.constant 8 : i32
      %div3A = arith.divsi %scan3A_87, %jit3A : i32
      %sign3A = arith.constant 0 : i32
      %sign3A_90 = arith.cmpi sgt, %scan3A_87, %sign3A : i32
      %sign3A_91 = arith.extui %sign3A_90 : i1 to i32
      %sign3A_92 = arith.constant 0 : i32
      %sign3A_93 = arith.cmpi slt, %scan3A_87, %sign3A_92 : i32
      %sign3A_94 = arith.extui %sign3A_93 : i1 to i32
      %sign3A_95 = arith.subi %sign3A_91, %sign3A_94 : i32
      %sign3A_96 = arith.constant 0 : i32
      %sign3A_97 = arith.cmpi sgt, %jit3A, %sign3A_96 : i32
      %sign3A_98 = arith.extui %sign3A_97 : i1 to i32
      %sign3A_99 = arith.constant 0 : i32
      %sign3A_100 = arith.cmpi slt, %jit3A, %sign3A_99 : i32
      %sign3A_101 = arith.extui %sign3A_100 : i1 to i32
      %sign3A_102 = arith.subi %sign3A_98, %sign3A_101 : i32
      %ne3A = arith.cmpi ne, %sign3A_95, %sign3A_102 : i32
      %rem3A = arith.remsi %scan3A_87, %jit3A : i32
      %ne3A_103 = arith.constant 0 : i32
      %ne3A_104 = arith.cmpi ne, %rem3A, %ne3A_103 : i32
      %and3A = arith.andi %ne3A, %ne3A_104 : i1
      %sub3A = arith.constant 1 : i32
      %sub3A_105 = arith.subi %div3A, %sub3A : i32
      %select_n3A = arith.select %and3A, %sub3A_105, %div3A : i32
      %jit3A_106 = arith.constant 8 : i32
      %eq3A = arith.constant 0 : i32
      %eq3A_107 = arith.cmpi eq, %jit3A_106, %eq3A : i32
      %jit3A_108 = arith.constant 1 : i32
      %select_n3A_109 = arith.select %eq3A_107, %jit3A_108, %jit3A_106 : i32
      %rem3A_110 = arith.remsi %scan3A_87, %select_n3A_109 : i32
      %ne3A_111 = arith.constant 0 : i32
      %ne3A_112 = arith.cmpi ne, %rem3A_110, %ne3A_111 : i32
      %lt3A = arith.constant 0 : i32
      %lt3A_113 = arith.cmpi slt, %rem3A_110, %lt3A : i32
      %lt3A_114 = arith.constant 0 : i32
      %lt3A_115 = arith.cmpi slt, %select_n3A_109, %lt3A_114 : i32
      %ne3A_116 = arith.xori %lt3A_113, %lt3A_115 : i1
      %and3A_117 = arith.andi %ne3A_116, %ne3A_112 : i1
      %add3A_118 = arith.addi %rem3A_110, %select_n3A_109 : i32
      %select_n3A_119 = arith.select %and3A_117, %add3A_118, %rem3A_110 : i32
      %mul3A_120 = arith.constant 16 : i32
      %mul3A_121 = arith.muli %select_n3A_119, %mul3A_120 : i32
      %swap3A = arith.index_cast %select_n3A : i32 to index
      %swap3A_122 = arith.index_cast %mul3A_121 : i32 to index
      %swap3A_123 = tpu.vector_load %arg9[%swap3A, %swap3A_122] {strides = array<i32>} : memref<128x128xf32, #tpu.memory_space<vmem>>, vector<1x16xf32>,
      %swap3A_124 = vector.shape_cast %swap3A_123 : vector<1x16xf32> to vector<16xf32>
      %swap3A_125 = vector.shape_cast %broadcast_in_dim3A_89 : vector<16xf32> to vector<1x16xf32>
      tpu.vector_store %arg9[%swap3A, %swap3A_122], %swap3A_125 {strides = array<i32>} : memref<128x128xf32, #tpu.memory_space<vmem>>, vector<1x16xf32>,
      %scan3A_126 = arith.constant 0 : i32
      scf.yield %scan3A_126 : i32
    }
    %scan3A_6 = arith.constant 1024 : i32
    %mul3A_7 = arith.constant 640 : i32
    %mul3A_8 = arith.muli %arg1, %mul3A_7 : i32
    %add3A_9 = arith.constant 0 : i32
    %add3A_10 = arith.addi %mul3A_8, %add3A_9 : i32
    "tpu.region"() ({
      %run_scoped3A = tpu.sem_alloc : memref<!tpu.dma_semaphore, #tpu.memory_space<semaphore_mem>>
      %dma_start3A_87 = arith.constant 0 : i32
      %dma_start3A_88 = tpu.memref_slice %arg6[%add3A_10, %dma_start3A_87] : memref<10240x128xf32, #tpu.memory_space<vmem_shared>> -> memref<128x128xf32, #tpu.memory_space<vmem_shared>>
      %dma_start3A_89 = arith.constant 0 : i32
      %dma_start3A_90 = tpu.memref_slice %arg6[%add3A_10, %dma_start3A_89] : memref<10240x128xf32, #tpu.memory_space<vmem_shared>> -> memref<128x128xf32, #tpu.memory_space<vmem_shared>>
      tpu.enqueue_dma source(%arg9 : memref<128x128xf32, #tpu.memory_space<vmem>>) target(%dma_start3A_90 : memref<128x128xf32, #tpu.memory_space<vmem_shared>>) target_semaphore(%run_scoped3A : memref<!tpu.dma_semaphore, #tpu.memory_space<semaphore_mem>>)
      %dma_wait3A = arith.constant 0 : i32
      %dma_wait3A_91 = tpu.memref_slice %arg6[%add3A_10, %dma_wait3A] : memref<10240x128xf32, #tpu.memory_space<vmem_shared>> -> memref<128x128xf32, #tpu.memory_space<vmem_shared>>
      %dma_wait3A_92 = arith.constant 0 : i32
      %dma_wait3A_93 = tpu.memref_slice %arg6[%add3A_10, %dma_wait3A_92] : memref<10240x128xf32, #tpu.memory_space<vmem_shared>> -> memref<128x128xf32, #tpu.memory_space<vmem_shared>>
      tpu.wait_dma2 semaphore(%run_scoped3A : memref<!tpu.dma_semaphore, #tpu.memory_space<semaphore_mem>>) src(%arg9 : memref<128x128xf32, #tpu.memory_space<vmem>>) dst(%dma_wait3A_93 : memref<128x128xf32, #tpu.memory_space<vmem_shared>>)
      tpu.yield
    }) : () -> ()
    %mul3A_11 = arith.constant 640 : i32
    %mul3A_12 = arith.muli %arg1, %mul3A_11 : i32
    %add3A_13 = arith.constant 128 : i32
    %add3A_14 = arith.addi %mul3A_12, %add3A_13 : i32
    "tpu.region"() ({
      %run_scoped3A = tpu.sem_alloc : memref<!tpu.dma_semaphore, #tpu.memory_space<semaphore_mem>>
      %dma_start3A_87 = arith.constant 0 : i32
      %dma_start3A_88 = tpu.memref_slice %arg6[%add3A_14, %dma_start3A_87] : memref<10240x128xf32, #tpu.memory_space<vmem_shared>> -> memref<128x128xf32, #tpu.memory_space<vmem_shared>>
      %dma_start3A_89 = arith.constant 0 : i32
      %dma_start3A_90 = tpu.memref_slice %arg6[%add3A_14, %dma_start3A_89] : memref<10240x128xf32, #tpu.memory_space<vmem_shared>> -> memref<128x128xf32, #tpu.memory_space<vmem_shared>>
      tpu.enqueue_dma source(%arg9 : memref<128x128xf32, #tpu.memory_space<vmem>>) target(%dma_start3A_90 : memref<128x128xf32, #tpu.memory_space<vmem_shared>>) target_semaphore(%run_scoped3A : memref<!tpu.dma_semaphore, #tpu.memory_space<semaphore_mem>>)
      %dma_wait3A = arith.constant 0 : i32
      %dma_wait3A_91 = tpu.memref_slice %arg6[%add3A_14, %dma_wait3A] : memref<10240x128xf32, #tpu.memory_space<vmem_shared>> -> memref<128x128xf32, #tpu.memory_space<vmem_shared>>
      %dma_wait3A_92 = arith.constant 0 : i32
      %dma_wait3A_93 = tpu.memref_slice %arg6[%add3A_14, %dma_wait3A_92] : memref<10240x128xf32, #tpu.memory_space<vmem_shared>> -> memref<128x128xf32, #tpu.memory_space<vmem_shared>>
      tpu.wait_dma2 semaphore(%run_scoped3A : memref<!tpu.dma_semaphore, #tpu.memory_space<semaphore_mem>>) src(%arg9 : memref<128x128xf32, #tpu.memory_space<vmem>>) dst(%dma_wait3A_93 : memref<128x128xf32, #tpu.memory_space<vmem_shared>>)
      tpu.yield
    }) : () -> ()
    %mul3A_15 = arith.constant 640 : i32
    %mul3A_16 = arith.muli %arg1, %mul3A_15 : i32
    %add3A_17 = arith.constant 256 : i32
    %add3A_18 = arith.addi %mul3A_16, %add3A_17 : i32
    "tpu.region"() ({
      %run_scoped3A = tpu.sem_alloc : memref<!tpu.dma_semaphore, #tpu.memory_space<semaphore_mem>>
      %dma_start3A_87 = arith.constant 0 : i32
      %dma_start3A_88 = tpu.memref_slice %arg6[%add3A_18, %dma_start3A_87] : memref<10240x128xf32, #tpu.memory_space<vmem_shared>> -> memref<128x128xf32, #tpu.memory_space<vmem_shared>>
      %dma_start3A_89 = arith.constant 0 : i32
      %dma_start3A_90 = tpu.memref_slice %arg6[%add3A_18, %dma_start3A_89] : memref<10240x128xf32, #tpu.memory_space<vmem_shared>> -> memref<128x128xf32, #tpu.memory_space<vmem_shared>>
      tpu.enqueue_dma source(%arg9 : memref<128x128xf32, #tpu.memory_space<vmem>>) target(%dma_start3A_90 : memref<128x128xf32, #tpu.memory_space<vmem_shared>>) target_semaphore(%run_scoped3A : memref<!tpu.dma_semaphore, #tpu.memory_space<semaphore_mem>>)
      %dma_wait3A = arith.constant 0 : i32
      %dma_wait3A_91 = tpu.memref_slice %arg6[%add3A_18, %dma_wait3A] : memref<10240x128xf32, #tpu.memory_space<vmem_shared>> -> memref<128x128xf32, #tpu.memory_space<vmem_shared>>
      %dma_wait3A_92 = arith.constant 0 : i32
      %dma_wait3A_93 = tpu.memref_slice %arg6[%add3A_18, %dma_wait3A_92] : memref<10240x128xf32, #tpu.memory_space<vmem_shared>> -> memref<128x128xf32, #tpu.memory_space<vmem_shared>>
      tpu.wait_dma2 semaphore(%run_scoped3A : memref<!tpu.dma_semaphore, #tpu.memory_space<semaphore_mem>>) src(%arg9 : memref<128x128xf32, #tpu.memory_space<vmem>>) dst(%dma_wait3A_93 : memref<128x128xf32, #tpu.memory_space<vmem_shared>>)
      tpu.yield
    }) : () -> ()
    %mul3A_19 = arith.constant 640 : i32
    %mul3A_20 = arith.muli %arg1, %mul3A_19 : i32
    %add3A_21 = arith.constant 384 : i32
    %add3A_22 = arith.addi %mul3A_20, %add3A_21 : i32
    "tpu.region"() ({
      %run_scoped3A = tpu.sem_alloc : memref<!tpu.dma_semaphore, #tpu.memory_space<semaphore_mem>>
      %dma_start3A_87 = arith.constant 0 : i32
      %dma_start3A_88 = tpu.memref_slice %arg6[%add3A_22, %dma_start3A_87] : memref<10240x128xf32, #tpu.memory_space<vmem_shared>> -> memref<128x128xf32, #tpu.memory_space<vmem_shared>>
      %dma_start3A_89 = arith.constant 0 : i32
      %dma_start3A_90 = tpu.memref_slice %arg6[%add3A_22, %dma_start3A_89] : memref<10240x128xf32, #tpu.memory_space<vmem_shared>> -> memref<128x128xf32, #tpu.memory_space<vmem_shared>>
      tpu.enqueue_dma source(%arg9 : memref<128x128xf32, #tpu.memory_space<vmem>>) target(%dma_start3A_90 : memref<128x128xf32, #tpu.memory_space<vmem_shared>>) target_semaphore(%run_scoped3A : memref<!tpu.dma_semaphore, #tpu.memory_space<semaphore_mem>>)
      %dma_wait3A = arith.constant 0 : i32
      %dma_wait3A_91 = tpu.memref_slice %arg6[%add3A_22, %dma_wait3A] : memref<10240x128xf32, #tpu.memory_space<vmem_shared>> -> memref<128x128xf32, #tpu.memory_space<vmem_shared>>
      %dma_wait3A_92 = arith.constant 0 : i32
      %dma_wait3A_93 = tpu.memref_slice %arg6[%add3A_22, %dma_wait3A_92] : memref<10240x128xf32, #tpu.memory_space<vmem_shared>> -> memref<128x128xf32, #tpu.memory_space<vmem_shared>>
      tpu.wait_dma2 semaphore(%run_scoped3A : memref<!tpu.dma_semaphore, #tpu.memory_space<semaphore_mem>>) src(%arg9 : memref<128x128xf32, #tpu.memory_space<vmem>>) dst(%dma_wait3A_93 : memref<128x128xf32, #tpu.memory_space<vmem_shared>>)
      tpu.yield
    }) : () -> ()
    %mul3A_23 = arith.constant 640 : i32
    %mul3A_24 = arith.muli %arg1, %mul3A_23 : i32
    %add3A_25 = arith.constant 512 : i32
    %add3A_26 = arith.addi %mul3A_24, %add3A_25 : i32
    "tpu.region"() ({
      %run_scoped3A = tpu.sem_alloc : memref<!tpu.dma_semaphore, #tpu.memory_space<semaphore_mem>>
      %dma_start3A_87 = arith.constant 0 : i32
      %dma_start3A_88 = tpu.memref_slice %arg6[%add3A_26, %dma_start3A_87] : memref<10240x128xf32, #tpu.memory_space<vmem_shared>> -> memref<128x128xf32, #tpu.memory_space<vmem_shared>>
      %dma_start3A_89 = arith.constant 0 : i32
      %dma_start3A_90 = tpu.memref_slice %arg6[%add3A_26, %dma_start3A_89] : memref<10240x128xf32, #tpu.memory_space<vmem_shared>> -> memref<128x128xf32, #tpu.memory_space<vmem_shared>>
      tpu.enqueue_dma source(%arg9 : memref<128x128xf32, #tpu.memory_space<vmem>>) target(%dma_start3A_90 : memref<128x128xf32, #tpu.memory_space<vmem_shared>>) target_semaphore(%run_scoped3A : memref<!tpu.dma_semaphore, #tpu.memory_space<semaphore_mem>>)
      %dma_wait3A = arith.constant 0 : i32
      %dma_wait3A_91 = tpu.memref_slice %arg6[%add3A_26, %dma_wait3A] : memref<10240x128xf32, #tpu.memory_space<vmem_shared>> -> memref<128x128xf32, #tpu.memory_space<vmem_shared>>
      %dma_wait3A_92 = arith.constant 0 : i32
      %dma_wait3A_93 = tpu.memref_slice %arg6[%add3A_26, %dma_wait3A_92] : memref<10240x128xf32, #tpu.memory_space<vmem_shared>> -> memref<128x128xf32, #tpu.memory_space<vmem_shared>>
      tpu.wait_dma2 semaphore(%run_scoped3A : memref<!tpu.dma_semaphore, #tpu.memory_space<semaphore_mem>>) src(%arg9 : memref<128x128xf32, #tpu.memory_space<vmem>>) dst(%dma_wait3A_93 : memref<128x128xf32, #tpu.memory_space<vmem_shared>>)
      tpu.yield
    }) : () -> ()
    %barrier3A = arith.constant 0 : index
    tpu.barrier barrier_id(%barrier3A)
    %mul3A_27 = arith.constant 80 : i32
    %mul3A_28 = arith.muli %add3A, %mul3A_27 : i32
    %add3A_29 = arith.constant 0 : i32
    %add3A_30 = arith.addi %mul3A_28, %add3A_29 : i32
    "tpu.region"() ({
      %run_scoped3A = tpu.sem_alloc : memref<!tpu.dma_semaphore, #tpu.memory_space<semaphore_mem>>
      %dma_start3A_87 = arith.constant 0 : i32
      %dma_start3A_88 = tpu.memref_slice %arg3[%add3A_30, %dma_start3A_87] : memref<2560x125xi32, #tpu.memory_space<hbm>> -> memref<40x125xi32, #tpu.memory_space<hbm>>
      %dma_start3A_89 = arith.constant 0 : i32
      %dma_start3A_90 = tpu.memref_slice %arg3[%add3A_30, %dma_start3A_89] : memref<2560x125xi32, #tpu.memory_space<hbm>> -> memref<40x125xi32, #tpu.memory_space<hbm>>
      tpu.enqueue_dma source(%dma_start3A_90 : memref<40x125xi32, #tpu.memory_space<hbm>>) target(%arg7 : memref<40x125xi32, #tpu.memory_space<vmem>>) target_semaphore(%run_scoped3A : memref<!tpu.dma_semaphore, #tpu.memory_space<semaphore_mem>>)
      %dma_wait3A = arith.constant 0 : i32
      %dma_wait3A_91 = tpu.memref_slice %arg3[%add3A_30, %dma_wait3A] : memref<2560x125xi32, #tpu.memory_space<hbm>> -> memref<40x125xi32, #tpu.memory_space<hbm>>
      %dma_wait3A_92 = arith.constant 0 : i32
      %dma_wait3A_93 = tpu.memref_slice %arg3[%add3A_30, %dma_wait3A_92] : memref<2560x125xi32, #tpu.memory_space<hbm>> -> memref<40x125xi32, #tpu.memory_space<hbm>>
      tpu.wait_dma2 semaphore(%run_scoped3A : memref<!tpu.dma_semaphore, #tpu.memory_space<semaphore_mem>>) src(%dma_wait3A_93 : memref<40x125xi32, #tpu.memory_space<hbm>>) dst(%arg7 : memref<40x125xi32, #tpu.memory_space<vmem>>)
      tpu.yield
    }) : () -> ()
    "tpu.region"() ({
      %run_scoped3A = tpu.sem_alloc : memref<!tpu.dma_semaphore, #tpu.memory_space<semaphore_mem>>
      %dma_start3A_87 = arith.constant 0 : i32
      %dma_start3A_88 = tpu.memref_slice %arg4[%add3A_30, %dma_start3A_87] : memref<2560x125xi32, #tpu.memory_space<hbm>> -> memref<40x125xi32, #tpu.memory_space<hbm>>
      %dma_start3A_89 = arith.constant 0 : i32
      %dma_start3A_90 = tpu.memref_slice %arg4[%add3A_30, %dma_start3A_89] : memref<2560x125xi32, #tpu.memory_space<hbm>> -> memref<40x125xi32, #tpu.memory_space<hbm>>
      tpu.enqueue_dma source(%dma_start3A_90 : memref<40x125xi32, #tpu.memory_space<hbm>>) target(%arg8 : memref<40x125xi32, #tpu.memory_space<vmem>>) target_semaphore(%run_scoped3A : memref<!tpu.dma_semaphore, #tpu.memory_space<semaphore_mem>>)
      %dma_wait3A = arith.constant 0 : i32
      %dma_wait3A_91 = tpu.memref_slice %arg4[%add3A_30, %dma_wait3A] : memref<2560x125xi32, #tpu.memory_space<hbm>> -> memref<40x125xi32, #tpu.memory_space<hbm>>
      %dma_wait3A_92 = arith.constant 0 : i32
      %dma_wait3A_93 = tpu.memref_slice %arg4[%add3A_30, %dma_wait3A_92] : memref<2560x125xi32, #tpu.memory_space<hbm>> -> memref<40x125xi32, #tpu.memory_space<hbm>>
      tpu.wait_dma2 semaphore(%run_scoped3A : memref<!tpu.dma_semaphore, #tpu.memory_space<semaphore_mem>>) src(%dma_wait3A_93 : memref<40x125xi32, #tpu.memory_space<hbm>>) dst(%arg8 : memref<40x125xi32, #tpu.memory_space<vmem>>)
      tpu.yield
    }) : () -> ()
    %dma_start3A = arith.constant 0 : i32
    %dma_start3A_31 = arith.constant 0 : i32
    %dma_start3A_32 = arith.constant 0 : i32
    %dma_start3A_33 = tpu.memref_slice %arg9[%dma_start3A_31, %dma_start3A_32] : memref<128x128xf32, #tpu.memory_space<vmem>> -> memref<125x128xf32, #tpu.memory_space<vmem>>
    %dma_start3A_34 = arith.constant 0 : i32
    %dma_start3A_35 = tpu.memref_slice %arg7[%dma_start3A, %dma_start3A_34] : memref<40x125xi32, #tpu.memory_space<vmem>> -> memref<1x125xi32, #tpu.memory_space<vmem>>
    %dma_start3A_36 = tpu.memref_squeeze %dma_start3A_35 : memref<1x125xi32, #tpu.memory_space<vmem>> -> memref<125xi32, #tpu.memory_space<vmem>>
    %dma_start3A_37 = arith.constant 0 : i32
    %dma_start3A_38 = arith.constant 0 : i32
    %dma_start3A_39 = tpu.memref_slice %arg2[%dma_start3A_37, %dma_start3A_38] : memref<10000x128xf32, #tpu.memory_space<hbm>> -> memref<10000x128xf32, #tpu.memory_space<hbm>>
    tpu.enqueue_indirect_dma source(%dma_start3A_39 : memref<10000x128xf32, #tpu.memory_space<hbm>>) target(%dma_start3A_33 : memref<125x128xf32, #tpu.memory_space<vmem>>) offsets(%dma_start3A_36 : memref<125xi32, #tpu.memory_space<vmem>>) semaphore(%arg11 : memref<!tpu.dma_semaphore, #tpu.memory_space<semaphore_mem>>)
    %scan3A_40 = arith.constant 0 : i32
    %scan3A_41 = arith.constant 0 : i32
    %scan3A_42 = arith.constant 20 : i32
    %scan3A_43 = arith.addi %scan3A_41, %scan3A_42 : i32
    %scan3A_44 = arith.constant 1 : i32
    %scan3A_45 = scf.for %scan3A_87 = %scan3A_41 to %scan3A_43 step %scan3A_44 iter_args(%scan3A_88 = %scan3A_40) -> (i32)  : i32 {
      %mul3A_89 = arith.constant 2 : i32
      %mul3A_90 = arith.muli %mul3A_89, %scan3A_87 : i32
      %add3A_91 = arith.constant 1 : i32
      %add3A_92 = arith.addi %mul3A_90, %add3A_91 : i32
      %dma_start3A_93 = arith.constant 0 : i32
      %dma_start3A_94 = tpu.memref_slice %arg7[%add3A_92, %dma_start3A_93] : memref<40x125xi32, #tpu.memory_space<vmem>> -> memref<1x125xi32, #tpu.memory_space<vmem>>
      %dma_start3A_95 = tpu.memref_squeeze %dma_start3A_94 : memref<1x125xi32, #tpu.memory_space<vmem>> -> memref<125xi32, #tpu.memory_space<vmem>>
      %dma_start3A_96 = arith.constant 0 : i32
      %dma_start3A_97 = arith.constant 0 : i32
      %dma_start3A_98 = tpu.memref_slice %arg2[%dma_start3A_96, %dma_start3A_97] : memref<10000x128xf32, #tpu.memory_space<hbm>> -> memref<10000x128xf32, #tpu.memory_space<hbm>>
      tpu.enqueue_indirect_dma source(%dma_start3A_98 : memref<10000x128xf32, #tpu.memory_space<hbm>>) target(%arg10 : memref<125x128xf32, #tpu.memory_space<vmem>>) offsets(%dma_start3A_95 : memref<125xi32, #tpu.memory_space<vmem>>) semaphore(%arg12 : memref<!tpu.dma_semaphore, #tpu.memory_space<semaphore_mem>>)
      %dma_wait3A = arith.constant 0 : i32
      %dma_wait3A_99 = arith.constant 0 : i32
      %dma_wait3A_100 = tpu.memref_slice %arg9[%dma_wait3A, %dma_wait3A_99] : memref<128x128xf32, #tpu.memory_space<vmem>> -> memref<125x128xf32, #tpu.memory_space<vmem>>
      %dma_wait3A_101 = arith.constant 0 : i32
      %dma_wait3A_102 = tpu.memref_slice %arg7[%mul3A_90, %dma_wait3A_101] : memref<40x125xi32, #tpu.memory_space<vmem>> -> memref<1x125xi32, #tpu.memory_space<vmem>>
      %dma_wait3A_103 = tpu.memref_squeeze %dma_wait3A_102 : memref<1x125xi32, #tpu.memory_space<vmem>> -> memref<125xi32, #tpu.memory_space<vmem>>
      %dma_wait3A_104 = arith.constant 0 : i32
      %dma_wait3A_105 = arith.constant 0 : i32
      %dma_wait3A_106 = tpu.memref_slice %arg2[%dma_wait3A_104, %dma_wait3A_105] : memref<10000x128xf32, #tpu.memory_space<hbm>> -> memref<10000x128xf32, #tpu.memory_space<hbm>>
      tpu.wait_indirect_dma semaphore(%arg11 : memref<!tpu.dma_semaphore, #tpu.memory_space<semaphore_mem>>) src(%dma_wait3A_106 : memref<10000x128xf32, #tpu.memory_space<hbm>>) dst(%dma_wait3A_100 : memref<125x128xf32, #tpu.memory_space<vmem>>)
      "tpu.region"() ({
        %run_scoped3A = tpu.sem_alloc : memref<!tpu.dma_semaphore, #tpu.memory_space<semaphore_mem>>
        %dma_start3A_118 = arith.constant 0 : i32
        %dma_start3A_119 = arith.constant 0 : i32
        %dma_start3A_120 = tpu.memref_slice %arg9[%dma_start3A_118, %dma_start3A_119] : memref<128x128xf32, #tpu.memory_space<vmem>> -> memref<125x128xf32, #tpu.memory_space<vmem>>
        %dma_start3A_121 = arith.constant 0 : i32
        %dma_start3A_122 = tpu.memref_slice %arg8[%mul3A_90, %dma_start3A_121] : memref<40x125xi32, #tpu.memory_space<vmem>> -> memref<1x125xi32, #tpu.memory_space<vmem>>
        %dma_start3A_123 = tpu.memref_squeeze %dma_start3A_122 : memref<1x125xi32, #tpu.memory_space<vmem>> -> memref<125xi32, #tpu.memory_space<vmem>>
        %dma_start3A_124 = arith.constant 0 : i32
        %dma_start3A_125 = arith.constant 0 : i32
        %dma_start3A_126 = tpu.memref_slice %arg6[%dma_start3A_124, %dma_start3A_125] : memref<10240x128xf32, #tpu.memory_space<vmem_shared>> -> memref<10240x128xf32, #tpu.memory_space<vmem_shared>>
        tpu.enqueue_indirect_dma source(%dma_start3A_120 : memref<125x128xf32, #tpu.memory_space<vmem>>) target(%dma_start3A_126 : memref<10240x128xf32, #tpu.memory_space<vmem_shared>>) offsets(%dma_start3A_123 : memref<125xi32, #tpu.memory_space<vmem>>) semaphore(%run_scoped3A : memref<!tpu.dma_semaphore, #tpu.memory_space<semaphore_mem>>) {add = true}
        %dma_wait3A_127 = arith.constant 0 : i32
        %dma_wait3A_128 = arith.constant 0 : i32
        %dma_wait3A_129 = tpu.memref_slice %arg9[%dma_wait3A_127, %dma_wait3A_128] : memref<128x128xf32, #tpu.memory_space<vmem>> -> memref<125x128xf32, #tpu.memory_space<vmem>>
        %dma_wait3A_130 = arith.constant 0 : i32
        %dma_wait3A_131 = tpu.memref_slice %arg8[%mul3A_90, %dma_wait3A_130] : memref<40x125xi32, #tpu.memory_space<vmem>> -> memref<1x125xi32, #tpu.memory_space<vmem>>
        %dma_wait3A_132 = tpu.memref_squeeze %dma_wait3A_131 : memref<1x125xi32, #tpu.memory_space<vmem>> -> memref<125xi32, #tpu.memory_space<vmem>>
        %dma_wait3A_133 = arith.constant 0 : i32
        %dma_wait3A_134 = arith.constant 0 : i32
        %dma_wait3A_135 = tpu.memref_slice %arg6[%dma_wait3A_133, %dma_wait3A_134] : memref<10240x128xf32, #tpu.memory_space<vmem_shared>> -> memref<10240x128xf32, #tpu.memory_space<vmem_shared>>
        tpu.wait_indirect_dma semaphore(%run_scoped3A : memref<!tpu.dma_semaphore, #tpu.memory_space<semaphore_mem>>) src(%dma_wait3A_129 : memref<125x128xf32, #tpu.memory_space<vmem>>) dst(%dma_wait3A_135 : memref<10240x128xf32, #tpu.memory_space<vmem_shared>>)
        tpu.yield
      }) : () -> ()
      %add3A_107 = arith.constant 2 : i32
      %add3A_108 = arith.addi %mul3A_90, %add3A_107 : i32
      %lt3A = arith.constant 40 : i32
      %lt3A_109 = arith.cmpi slt, %add3A_108, %lt3A : i32
      %convert_element_type3A = arith.extui %lt3A_109 : i1 to i32
      %cond3A = arith.constant 0 : i32
      %cond3A_110 = arith.cmpi ne, %convert_element_type3A, %cond3A : i32
      scf.if %cond3A_110 {
        %add3A_118 = arith.constant 2 : i32
        %add3A_119 = arith.addi %mul3A_90, %add3A_118 : i32
        %dma_start3A_120 = arith.constant 0 : i32
        %dma_start3A_121 = arith.constant 0 : i32
        %dma_start3A_122 = tpu.memref_slice %arg9[%dma_start3A_120, %dma_start3A_121] : memref<128x128xf32, #tpu.memory_space<vmem>> -> memref<125x128xf32, #tpu.memory_space<vmem>>
        %dma_start3A_123 = arith.constant 0 : i32
        %dma_start3A_124 = tpu.memref_slice %arg7[%add3A_119, %dma_start3A_123] : memref<40x125xi32, #tpu.memory_space<vmem>> -> memref<1x125xi32, #tpu.memory_space<vmem>>
        %dma_start3A_125 = tpu.memref_squeeze %dma_start3A_124 : memref<1x125xi32, #tpu.memory_space<vmem>> -> memref<125xi32, #tpu.memory_space<vmem>>
        %dma_start3A_126 = arith.constant 0 : i32
        %dma_start3A_127 = arith.constant 0 : i32
        %dma_start3A_128 = tpu.memref_slice %arg2[%dma_start3A_126, %dma_start3A_127] : memref<10000x128xf32, #tpu.memory_space<hbm>> -> memref<10000x128xf32, #tpu.memory_space<hbm>>
        tpu.enqueue_indirect_dma source(%dma_start3A_128 : memref<10000x128xf32, #tpu.memory_space<hbm>>) target(%dma_start3A_122 : memref<125x128xf32, #tpu.memory_space<vmem>>) offsets(%dma_start3A_125 : memref<125xi32, #tpu.memory_space<vmem>>) semaphore(%arg11 : memref<!tpu.dma_semaphore, #tpu.memory_space<semaphore_mem>>)
      } else {
      }
      %dma_wait3A_111 = arith.constant 0 : i32
      %dma_wait3A_112 = tpu.memref_slice %arg7[%add3A_92, %dma_wait3A_111] : memref<40x125xi32, #tpu.memory_space<vmem>> -> memref<1x125xi32, #tpu.memory_space<vmem>>
      %dma_wait3A_113 = tpu.memref_squeeze %dma_wait3A_112 : memref<1x125xi32, #tpu.memory_space<vmem>> -> memref<125xi32, #tpu.memory_space<vmem>>
      %dma_wait3A_114 = arith.constant 0 : i32
      %dma_wait3A_115 = arith.constant 0 : i32
      %dma_wait3A_116 = tpu.memref_slice %arg2[%dma_wait3A_114, %dma_wait3A_115] : memref<10000x128xf32, #tpu.memory_space<hbm>> -> memref<10000x128xf32, #tpu.memory_space<hbm>>
      tpu.wait_indirect_dma semaphore(%arg12 : memref<!tpu.dma_semaphore, #tpu.memory_space<semaphore_mem>>) src(%dma_wait3A_116 : memref<10000x128xf32, #tpu.memory_space<hbm>>) dst(%arg10 : memref<125x128xf32, #tpu.memory_space<vmem>>)
      "tpu.region"() ({
        %run_scoped3A = tpu.sem_alloc : memref<!tpu.dma_semaphore, #tpu.memory_space<semaphore_mem>>
        %dma_start3A_118 = arith.constant 0 : i32
        %dma_start3A_119 = tpu.memref_slice %arg8[%add3A_92, %dma_start3A_118] : memref<40x125xi32, #tpu.memory_space<vmem>> -> memref<1x125xi32, #tpu.memory_space<vmem>>
        %dma_start3A_120 = tpu.memref_squeeze %dma_start3A_119 : memref<1x125xi32, #tpu.memory_space<vmem>> -> memref<125xi32, #tpu.memory_space<vmem>>
        %dma_start3A_121 = arith.constant 0 : i32
        %dma_start3A_122 = arith.constant 0 : i32
        %dma_start3A_123 = tpu.memref_slice %arg6[%dma_start3A_121, %dma_start3A_122] : memref<10240x128xf32, #tpu.memory_space<vmem_shared>> -> memref<10240x128xf32, #tpu.memory_space<vmem_shared>>
        tpu.enqueue_indirect_dma source(%arg10 : memref<125x128xf32, #tpu.memory_space<vmem>>) target(%dma_start3A_123 : memref<10240x128xf32, #tpu.memory_space<vmem_shared>>) offsets(%dma_start3A_120 : memref<125xi32, #tpu.memory_space<vmem>>) semaphore(%run_scoped3A : memref<!tpu.dma_semaphore, #tpu.memory_space<semaphore_mem>>) {add = true}
        %dma_wait3A_124 = arith.constant 0 : i32
        %dma_wait3A_125 = tpu.memref_slice %arg8[%add3A_92, %dma_wait3A_124] : memref<40x125xi32, #tpu.memory_space<vmem>> -> memref<1x125xi32, #tpu.memory_space<vmem>>
        %dma_wait3A_126 = tpu.memref_squeeze %dma_wait3A_125 : memref<1x125xi32, #tpu.memory_space<vmem>> -> memref<125xi32, #tpu.memory_space<vmem>>
        %dma_wait3A_127 = arith.constant 0 : i32
        %dma_wait3A_128 = arith.constant 0 : i32
        %dma_wait3A_129 = tpu.memref_slice %arg6[%dma_wait3A_127, %dma_wait3A_128] : memref<10240x128xf32, #tpu.memory_space<vmem_shared>> -> memref<10240x128xf32, #tpu.memory_space<vmem_shared>>
        tpu.wait_indirect_dma semaphore(%run_scoped3A : memref<!tpu.dma_semaphore, #tpu.memory_space<semaphore_mem>>) src(%arg10 : memref<125x128xf32, #tpu.memory_space<vmem>>) dst(%dma_wait3A_129 : memref<10240x128xf32, #tpu.memory_space<vmem_shared>>)
        tpu.yield
      }) : () -> ()
      %scan3A_117 = arith.constant 0 : i32
      scf.yield %scan3A_117 : i32
    }
    %scan3A_46 = arith.constant 20 : i32
    %add3A_47 = arith.constant 40 : i32
    %add3A_48 = arith.addi %mul3A_28, %add3A_47 : i32
    "tpu.region"() ({
      %run_scoped3A = tpu.sem_alloc : memref<!tpu.dma_semaphore, #tpu.memory_space<semaphore_mem>>
      %dma_start3A_87 = arith.constant 0 : i32
      %dma_start3A_88 = tpu.memref_slice %arg3[%add3A_48, %dma_start3A_87] : memref<2560x125xi32, #tpu.memory_space<hbm>> -> memref<40x125xi32, #tpu.memory_space<hbm>>
      %dma_start3A_89 = arith.constant 0 : i32
      %dma_start3A_90 = tpu.memref_slice %arg3[%add3A_48, %dma_start3A_89] : memref<2560x125xi32, #tpu.memory_space<hbm>> -> memref<40x125xi32, #tpu.memory_space<hbm>>
      tpu.enqueue_dma source(%dma_start3A_90 : memref<40x125xi32, #tpu.memory_space<hbm>>) target(%arg7 : memref<40x125xi32, #tpu.memory_space<vmem>>) target_semaphore(%run_scoped3A : memref<!tpu.dma_semaphore, #tpu.memory_space<semaphore_mem>>)
      %dma_wait3A = arith.constant 0 : i32
      %dma_wait3A_91 = tpu.memref_slice %arg3[%add3A_48, %dma_wait3A] : memref<2560x125xi32, #tpu.memory_space<hbm>> -> memref<40x125xi32, #tpu.memory_space<hbm>>
      %dma_wait3A_92 = arith.constant 0 : i32
      %dma_wait3A_93 = tpu.memref_slice %arg3[%add3A_48, %dma_wait3A_92] : memref<2560x125xi32, #tpu.memory_space<hbm>> -> memref<40x125xi32, #tpu.memory_space<hbm>>
      tpu.wait_dma2 semaphore(%run_scoped3A : memref<!tpu.dma_semaphore, #tpu.memory_space<semaphore_mem>>) src(%dma_wait3A_93 : memref<40x125xi32, #tpu.memory_space<hbm>>) dst(%arg7 : memref<40x125xi32, #tpu.memory_space<vmem>>)
      tpu.yield
    }) : () -> ()
    "tpu.region"() ({
      %run_scoped3A = tpu.sem_alloc : memref<!tpu.dma_semaphore, #tpu.memory_space<semaphore_mem>>
      %dma_start3A_87 = arith.constant 0 : i32
      %dma_start3A_88 = tpu.memref_slice %arg4[%add3A_48, %dma_start3A_87] : memref<2560x125xi32, #tpu.memory_space<hbm>> -> memref<40x125xi32, #tpu.memory_space<hbm>>
      %dma_start3A_89 = arith.constant 0 : i32
      %dma_start3A_90 = tpu.memref_slice %arg4[%add3A_48, %dma_start3A_89] : memref<2560x125xi32, #tpu.memory_space<hbm>> -> memref<40x125xi32, #tpu.memory_space<hbm>>
      tpu.enqueue_dma source(%dma_start3A_90 : memref<40x125xi32, #tpu.memory_space<hbm>>) target(%arg8 : memref<40x125xi32, #tpu.memory_space<vmem>>) target_semaphore(%run_scoped3A : memref<!tpu.dma_semaphore, #tpu.memory_space<semaphore_mem>>)
      %dma_wait3A = arith.constant 0 : i32
      %dma_wait3A_91 = tpu.memref_slice %arg4[%add3A_48, %dma_wait3A] : memref<2560x125xi32, #tpu.memory_space<hbm>> -> memref<40x125xi32, #tpu.memory_space<hbm>>
      %dma_wait3A_92 = arith.constant 0 : i32
      %dma_wait3A_93 = tpu.memref_slice %arg4[%add3A_48, %dma_wait3A_92] : memref<2560x125xi32, #tpu.memory_space<hbm>> -> memref<40x125xi32, #tpu.memory_space<hbm>>
      tpu.wait_dma2 semaphore(%run_scoped3A : memref<!tpu.dma_semaphore, #tpu.memory_space<semaphore_mem>>) src(%dma_wait3A_93 : memref<40x125xi32, #tpu.memory_space<hbm>>) dst(%arg8 : memref<40x125xi32, #tpu.memory_space<vmem>>)
      tpu.yield
    }) : () -> ()
    %dma_start3A_49 = arith.constant 0 : i32
    %dma_start3A_50 = arith.constant 0 : i32
    %dma_start3A_51 = arith.constant 0 : i32
    %dma_start3A_52 = tpu.memref_slice %arg9[%dma_start3A_50, %dma_start3A_51] : memref<128x128xf32, #tpu.memory_space<vmem>> -> memref<125x128xf32, #tpu.memory_space<vmem>>
    %dma_start3A_53 = arith.constant 0 : i32
    %dma_start3A_54 = tpu.memref_slice %arg7[%dma_start3A_49, %dma_start3A_53] : memref<40x125xi32, #tpu.memory_space<vmem>> -> memref<1x125xi32, #tpu.memory_space<vmem>>
    %dma_start3A_55 = tpu.memref_squeeze %dma_start3A_54 : memref<1x125xi32, #tpu.memory_space<vmem>> -> memref<125xi32, #tpu.memory_space<vmem>>
    %dma_start3A_56 = arith.constant 0 : i32
    %dma_start3A_57 = arith.constant 0 : i32
    %dma_start3A_58 = tpu.memref_slice %arg2[%dma_start3A_56, %dma_start3A_57] : memref<10000x128xf32, #tpu.memory_space<hbm>> -> memref<10000x128xf32, #tpu.memory_space<hbm>>
    tpu.enqueue_indirect_dma source(%dma_start3A_58 : memref<10000x128xf32, #tpu.memory_space<hbm>>) target(%dma_start3A_52 : memref<125x128xf32, #tpu.memory_space<vmem>>) offsets(%dma_start3A_55 : memref<125xi32, #tpu.memory_space<vmem>>) semaphore(%arg11 : memref<!tpu.dma_semaphore, #tpu.memory_space<semaphore_mem>>)
    %scan3A_59 = arith.constant 0 : i32
    %scan3A_60 = arith.constant 0 : i32
    %scan3A_61 = arith.constant 20 : i32
    %scan3A_62 = arith.addi %scan3A_60, %scan3A_61 : i32
    %scan3A_63 = arith.constant 1 : i32
    %scan3A_64 = scf.for %scan3A_87 = %scan3A_60 to %scan3A_62 step %scan3A_63 iter_args(%scan3A_88 = %scan3A_59) -> (i32)  : i32 {
      %mul3A_89 = arith.constant 2 : i32
      %mul3A_90 = arith.muli %mul3A_89, %scan3A_87 : i32
      %add3A_91 = arith.constant 1 : i32
      %add3A_92 = arith.addi %mul3A_90, %add3A_91 : i32
      %dma_start3A_93 = arith.constant 0 : i32
      %dma_start3A_94 = tpu.memref_slice %arg7[%add3A_92, %dma_start3A_93] : memref<40x125xi32, #tpu.memory_space<vmem>> -> memref<1x125xi32, #tpu.memory_space<vmem>>
      %dma_start3A_95 = tpu.memref_squeeze %dma_start3A_94 : memref<1x125xi32, #tpu.memory_space<vmem>> -> memref<125xi32, #tpu.memory_space<vmem>>
      %dma_start3A_96 = arith.constant 0 : i32
      %dma_start3A_97 = arith.constant 0 : i32
      %dma_start3A_98 = tpu.memref_slice %arg2[%dma_start3A_96, %dma_start3A_97] : memref<10000x128xf32, #tpu.memory_space<hbm>> -> memref<10000x128xf32, #tpu.memory_space<hbm>>
      tpu.enqueue_indirect_dma source(%dma_start3A_98 : memref<10000x128xf32, #tpu.memory_space<hbm>>) target(%arg10 : memref<125x128xf32, #tpu.memory_space<vmem>>) offsets(%dma_start3A_95 : memref<125xi32, #tpu.memory_space<vmem>>) semaphore(%arg12 : memref<!tpu.dma_semaphore, #tpu.memory_space<semaphore_mem>>)
      %dma_wait3A = arith.constant 0 : i32
      %dma_wait3A_99 = arith.constant 0 : i32
      %dma_wait3A_100 = tpu.memref_slice %arg9[%dma_wait3A, %dma_wait3A_99] : memref<128x128xf32, #tpu.memory_space<vmem>> -> memref<125x128xf32, #tpu.memory_space<vmem>>
      %dma_wait3A_101 = arith.constant 0 : i32
      %dma_wait3A_102 = tpu.memref_slice %arg7[%mul3A_90, %dma_wait3A_101] : memref<40x125xi32, #tpu.memory_space<vmem>> -> memref<1x125xi32, #tpu.memory_space<vmem>>
      %dma_wait3A_103 = tpu.memref_squeeze %dma_wait3A_102 : memref<1x125xi32, #tpu.memory_space<vmem>> -> memref<125xi32, #tpu.memory_space<vmem>>
      %dma_wait3A_104 = arith.constant 0 : i32
      %dma_wait3A_105 = arith.constant 0 : i32
      %dma_wait3A_106 = tpu.memref_slice %arg2[%dma_wait3A_104, %dma_wait3A_105] : memref<10000x128xf32, #tpu.memory_space<hbm>> -> memref<10000x128xf32, #tpu.memory_space<hbm>>
      tpu.wait_indirect_dma semaphore(%arg11 : memref<!tpu.dma_semaphore, #tpu.memory_space<semaphore_mem>>) src(%dma_wait3A_106 : memref<10000x128xf32, #tpu.memory_space<hbm>>) dst(%dma_wait3A_100 : memref<125x128xf32, #tpu.memory_space<vmem>>)
      "tpu.region"() ({
        %run_scoped3A = tpu.sem_alloc : memref<!tpu.dma_semaphore, #tpu.memory_space<semaphore_mem>>
        %dma_start3A_118 = arith.constant 0 : i32
        %dma_start3A_119 = arith.constant 0 : i32
        %dma_start3A_120 = tpu.memref_slice %arg9[%dma_start3A_118, %dma_start3A_119] : memref<128x128xf32, #tpu.memory_space<vmem>> -> memref<125x128xf32, #tpu.memory_space<vmem>>
        %dma_start3A_121 = arith.constant 0 : i32
        %dma_start3A_122 = tpu.memref_slice %arg8[%mul3A_90, %dma_start3A_121] : memref<40x125xi32, #tpu.memory_space<vmem>> -> memref<1x125xi32, #tpu.memory_space<vmem>>
        %dma_start3A_123 = tpu.memref_squeeze %dma_start3A_122 : memref<1x125xi32, #tpu.memory_space<vmem>> -> memref<125xi32, #tpu.memory_space<vmem>>
        %dma_start3A_124 = arith.constant 0 : i32
        %dma_start3A_125 = arith.constant 0 : i32
        %dma_start3A_126 = tpu.memref_slice %arg6[%dma_start3A_124, %dma_start3A_125] : memref<10240x128xf32, #tpu.memory_space<vmem_shared>> -> memref<10240x128xf32, #tpu.memory_space<vmem_shared>>
        tpu.enqueue_indirect_dma source(%dma_start3A_120 : memref<125x128xf32, #tpu.memory_space<vmem>>) target(%dma_start3A_126 : memref<10240x128xf32, #tpu.memory_space<vmem_shared>>) offsets(%dma_start3A_123 : memref<125xi32, #tpu.memory_space<vmem>>) semaphore(%run_scoped3A : memref<!tpu.dma_semaphore, #tpu.memory_space<semaphore_mem>>) {add = true}
        %dma_wait3A_127 = arith.constant 0 : i32
        %dma_wait3A_128 = arith.constant 0 : i32
        %dma_wait3A_129 = tpu.memref_slice %arg9[%dma_wait3A_127, %dma_wait3A_128] : memref<128x128xf32, #tpu.memory_space<vmem>> -> memref<125x128xf32, #tpu.memory_space<vmem>>
        %dma_wait3A_130 = arith.constant 0 : i32
        %dma_wait3A_131 = tpu.memref_slice %arg8[%mul3A_90, %dma_wait3A_130] : memref<40x125xi32, #tpu.memory_space<vmem>> -> memref<1x125xi32, #tpu.memory_space<vmem>>
        %dma_wait3A_132 = tpu.memref_squeeze %dma_wait3A_131 : memref<1x125xi32, #tpu.memory_space<vmem>> -> memref<125xi32, #tpu.memory_space<vmem>>
        %dma_wait3A_133 = arith.constant 0 : i32
        %dma_wait3A_134 = arith.constant 0 : i32
        %dma_wait3A_135 = tpu.memref_slice %arg6[%dma_wait3A_133, %dma_wait3A_134] : memref<10240x128xf32, #tpu.memory_space<vmem_shared>> -> memref<10240x128xf32, #tpu.memory_space<vmem_shared>>
        tpu.wait_indirect_dma semaphore(%run_scoped3A : memref<!tpu.dma_semaphore, #tpu.memory_space<semaphore_mem>>) src(%dma_wait3A_129 : memref<125x128xf32, #tpu.memory_space<vmem>>) dst(%dma_wait3A_135 : memref<10240x128xf32, #tpu.memory_space<vmem_shared>>)
        tpu.yield
      }) : () -> ()
      %add3A_107 = arith.constant 2 : i32
      %add3A_108 = arith.addi %mul3A_90, %add3A_107 : i32
      %lt3A = arith.constant 40 : i32
      %lt3A_109 = arith.cmpi slt, %add3A_108, %lt3A : i32
      %convert_element_type3A = arith.extui %lt3A_109 : i1 to i32
      %cond3A = arith.constant 0 : i32
      %cond3A_110 = arith.cmpi ne, %convert_element_type3A, %cond3A : i32
      scf.if %cond3A_110 {
        %add3A_118 = arith.constant 2 : i32
        %add3A_119 = arith.addi %mul3A_90, %add3A_118 : i32
        %dma_start3A_120 = arith.constant 0 : i32
        %dma_start3A_121 = arith.constant 0 : i32
        %dma_start3A_122 = tpu.memref_slice %arg9[%dma_start3A_120, %dma_start3A_121] : memref<128x128xf32, #tpu.memory_space<vmem>> -> memref<125x128xf32, #tpu.memory_space<vmem>>
        %dma_start3A_123 = arith.constant 0 : i32
        %dma_start3A_124 = tpu.memref_slice %arg7[%add3A_119, %dma_start3A_123] : memref<40x125xi32, #tpu.memory_space<vmem>> -> memref<1x125xi32, #tpu.memory_space<vmem>>
        %dma_start3A_125 = tpu.memref_squeeze %dma_start3A_124 : memref<1x125xi32, #tpu.memory_space<vmem>> -> memref<125xi32, #tpu.memory_space<vmem>>
        %dma_start3A_126 = arith.constant 0 : i32
        %dma_start3A_127 = arith.constant 0 : i32
        %dma_start3A_128 = tpu.memref_slice %arg2[%dma_start3A_126, %dma_start3A_127] : memref<10000x128xf32, #tpu.memory_space<hbm>> -> memref<10000x128xf32, #tpu.memory_space<hbm>>
        tpu.enqueue_indirect_dma source(%dma_start3A_128 : memref<10000x128xf32, #tpu.memory_space<hbm>>) target(%dma_start3A_122 : memref<125x128xf32, #tpu.memory_space<vmem>>) offsets(%dma_start3A_125 : memref<125xi32, #tpu.memory_space<vmem>>) semaphore(%arg11 : memref<!tpu.dma_semaphore, #tpu.memory_space<semaphore_mem>>)
      } else {
      }
      %dma_wait3A_111 = arith.constant 0 : i32
      %dma_wait3A_112 = tpu.memref_slice %arg7[%add3A_92, %dma_wait3A_111] : memref<40x125xi32, #tpu.memory_space<vmem>> -> memref<1x125xi32, #tpu.memory_space<vmem>>
      %dma_wait3A_113 = tpu.memref_squeeze %dma_wait3A_112 : memref<1x125xi32, #tpu.memory_space<vmem>> -> memref<125xi32, #tpu.memory_space<vmem>>
      %dma_wait3A_114 = arith.constant 0 : i32
      %dma_wait3A_115 = arith.constant 0 : i32
      %dma_wait3A_116 = tpu.memref_slice %arg2[%dma_wait3A_114, %dma_wait3A_115] : memref<10000x128xf32, #tpu.memory_space<hbm>> -> memref<10000x128xf32, #tpu.memory_space<hbm>>
      tpu.wait_indirect_dma semaphore(%arg12 : memref<!tpu.dma_semaphore, #tpu.memory_space<semaphore_mem>>) src(%dma_wait3A_116 : memref<10000x128xf32, #tpu.memory_space<hbm>>) dst(%arg10 : memref<125x128xf32, #tpu.memory_space<vmem>>)
      "tpu.region"() ({
        %run_scoped3A = tpu.sem_alloc : memref<!tpu.dma_semaphore, #tpu.memory_space<semaphore_mem>>
        %dma_start3A_118 = arith.constant 0 : i32
        %dma_start3A_119 = tpu.memref_slice %arg8[%add3A_92, %dma_start3A_118] : memref<40x125xi32, #tpu.memory_space<vmem>> -> memref<1x125xi32, #tpu.memory_space<vmem>>
        %dma_start3A_120 = tpu.memref_squeeze %dma_start3A_119 : memref<1x125xi32, #tpu.memory_space<vmem>> -> memref<125xi32, #tpu.memory_space<vmem>>
        %dma_start3A_121 = arith.constant 0 : i32
        %dma_start3A_122 = arith.constant 0 : i32
        %dma_start3A_123 = tpu.memref_slice %arg6[%dma_start3A_121, %dma_start3A_122] : memref<10240x128xf32, #tpu.memory_space<vmem_shared>> -> memref<10240x128xf32, #tpu.memory_space<vmem_shared>>
        tpu.enqueue_indirect_dma source(%arg10 : memref<125x128xf32, #tpu.memory_space<vmem>>) target(%dma_start3A_123 : memref<10240x128xf32, #tpu.memory_space<vmem_shared>>) offsets(%dma_start3A_120 : memref<125xi32, #tpu.memory_space<vmem>>) semaphore(%run_scoped3A : memref<!tpu.dma_semaphore, #tpu.memory_space<semaphore_mem>>) {add = true}
        %dma_wait3A_124 = arith.constant 0 : i32
        %dma_wait3A_125 = tpu.memref_slice %arg8[%add3A_92, %dma_wait3A_124] : memref<40x125xi32, #tpu.memory_space<vmem>> -> memref<1x125xi32, #tpu.memory_space<vmem>>
        %dma_wait3A_126 = tpu.memref_squeeze %dma_wait3A_125 : memref<1x125xi32, #tpu.memory_space<vmem>> -> memref<125xi32, #tpu.memory_space<vmem>>
        %dma_wait3A_127 = arith.constant 0 : i32
        %dma_wait3A_128 = arith.constant 0 : i32
        %dma_wait3A_129 = tpu.memref_slice %arg6[%dma_wait3A_127, %dma_wait3A_128] : memref<10240x128xf32, #tpu.memory_space<vmem_shared>> -> memref<10240x128xf32, #tpu.memory_space<vmem_shared>>
        tpu.wait_indirect_dma semaphore(%run_scoped3A : memref<!tpu.dma_semaphore, #tpu.memory_space<semaphore_mem>>) src(%arg10 : memref<125x128xf32, #tpu.memory_space<vmem>>) dst(%dma_wait3A_129 : memref<10240x128xf32, #tpu.memory_space<vmem_shared>>)
        tpu.yield
      }) : () -> ()
      %scan3A_117 = arith.constant 0 : i32
      scf.yield %scan3A_117 : i32
    }
    %scan3A_65 = arith.constant 20 : i32
    %barrier3A_66 = arith.constant 0 : index
    tpu.barrier barrier_id(%barrier3A_66)
    %mul3A_67 = arith.constant 640 : i32
    %mul3A_68 = arith.muli %arg1, %mul3A_67 : i32
    %add3A_69 = arith.constant 0 : i32
    %add3A_70 = arith.addi %mul3A_68, %add3A_69 : i32
    "tpu.region"() ({
      %run_scoped3A = tpu.sem_alloc : memref<!tpu.dma_semaphore, #tpu.memory_space<semaphore_mem>>
      %dma_start3A_87 = arith.constant 0 : i32
      %dma_start3A_88 = tpu.memref_slice %arg5[%arg0, %add3A_70, %dma_start3A_87] : memref<2x10240x128xf32, #tpu.memory_space<hbm>> -> memref<1x128x128xf32, #tpu.memory_space<hbm>>
      %dma_start3A_89 = tpu.memref_squeeze %dma_start3A_88 : memref<1x128x128xf32, #tpu.memory_space<hbm>> -> memref<128x128xf32, #tpu.memory_space<hbm>>
      %dma_start3A_90 = arith.constant 0 : i32
      %dma_start3A_91 = tpu.memref_slice %arg6[%add3A_70, %dma_start3A_90] : memref<10240x128xf32, #tpu.memory_space<vmem_shared>> -> memref<128x128xf32, #tpu.memory_space<vmem_shared>>
      tpu.enqueue_dma source(%dma_start3A_91 : memref<128x128xf32, #tpu.memory_space<vmem_shared>>) target(%dma_start3A_89 : memref<128x128xf32, #tpu.memory_space<hbm>>) target_semaphore(%run_scoped3A : memref<!tpu.dma_semaphore, #tpu.memory_space<semaphore_mem>>)
      %dma_wait3A = arith.constant 0 : i32
      %dma_wait3A_92 = tpu.memref_slice %arg5[%arg0, %add3A_70, %dma_wait3A] : memref<2x10240x128xf32, #tpu.memory_space<hbm>> -> memref<1x128x128xf32, #tpu.memory_space<hbm>>
      %dma_wait3A_93 = tpu.memref_squeeze %dma_wait3A_92 : memref<1x128x128xf32, #tpu.memory_space<hbm>> -> memref<128x128xf32, #tpu.memory_space<hbm>>
      %dma_wait3A_94 = arith.constant 0 : i32
      %dma_wait3A_95 = tpu.memref_slice %arg6[%add3A_70, %dma_wait3A_94] : memref<10240x128xf32, #tpu.memory_space<vmem_shared>> -> memref<128x128xf32, #tpu.memory_space<vmem_shared>>
      tpu.wait_dma2 semaphore(%run_scoped3A : memref<!tpu.dma_semaphore, #tpu.memory_space<semaphore_mem>>) src(%dma_wait3A_95 : memref<128x128xf32, #tpu.memory_space<vmem_shared>>) dst(%dma_wait3A_93 : memref<128x128xf32, #tpu.memory_space<hbm>>)
      tpu.yield
    }) : () -> ()
    %mul3A_71 = arith.constant 640 : i32
    %mul3A_72 = arith.muli %arg1, %mul3A_71 : i32
    %add3A_73 = arith.constant 128 : i32
    %add3A_74 = arith.addi %mul3A_72, %add3A_73 : i32
    "tpu.region"() ({
      %run_scoped3A = tpu.sem_alloc : memref<!tpu.dma_semaphore, #tpu.memory_space<semaphore_mem>>
      %dma_start3A_87 = arith.constant 0 : i32
      %dma_start3A_88 = tpu.memref_slice %arg5[%arg0, %add3A_74, %dma_start3A_87] : memref<2x10240x128xf32, #tpu.memory_space<hbm>> -> memref<1x128x128xf32, #tpu.memory_space<hbm>>
      %dma_start3A_89 = tpu.memref_squeeze %dma_start3A_88 : memref<1x128x128xf32, #tpu.memory_space<hbm>> -> memref<128x128xf32, #tpu.memory_space<hbm>>
      %dma_start3A_90 = arith.constant 0 : i32
      %dma_start3A_91 = tpu.memref_slice %arg6[%add3A_74, %dma_start3A_90] : memref<10240x128xf32, #tpu.memory_space<vmem_shared>> -> memref<128x128xf32, #tpu.memory_space<vmem_shared>>
      tpu.enqueue_dma source(%dma_start3A_91 : memref<128x128xf32, #tpu.memory_space<vmem_shared>>) target(%dma_start3A_89 : memref<128x128xf32, #tpu.memory_space<hbm>>) target_semaphore(%run_scoped3A : memref<!tpu.dma_semaphore, #tpu.memory_space<semaphore_mem>>)
      %dma_wait3A = arith.constant 0 : i32
      %dma_wait3A_92 = tpu.memref_slice %arg5[%arg0, %add3A_74, %dma_wait3A] : memref<2x10240x128xf32, #tpu.memory_space<hbm>> -> memref<1x128x128xf32, #tpu.memory_space<hbm>>
      %dma_wait3A_93 = tpu.memref_squeeze %dma_wait3A_92 : memref<1x128x128xf32, #tpu.memory_space<hbm>> -> memref<128x128xf32, #tpu.memory_space<hbm>>
      %dma_wait3A_94 = arith.constant 0 : i32
      %dma_wait3A_95 = tpu.memref_slice %arg6[%add3A_74, %dma_wait3A_94] : memref<10240x128xf32, #tpu.memory_space<vmem_shared>> -> memref<128x128xf32, #tpu.memory_space<vmem_shared>>
      tpu.wait_dma2 semaphore(%run_scoped3A : memref<!tpu.dma_semaphore, #tpu.memory_space<semaphore_mem>>) src(%dma_wait3A_95 : memref<128x128xf32, #tpu.memory_space<vmem_shared>>) dst(%dma_wait3A_93 : memref<128x128xf32, #tpu.memory_space<hbm>>)
      tpu.yield
    }) : () -> ()
    %mul3A_75 = arith.constant 640 : i32
    %mul3A_76 = arith.muli %arg1, %mul3A_75 : i32
    %add3A_77 = arith.constant 256 : i32
    %add3A_78 = arith.addi %mul3A_76, %add3A_77 : i32
    "tpu.region"() ({
      %run_scoped3A = tpu.sem_alloc : memref<!tpu.dma_semaphore, #tpu.memory_space<semaphore_mem>>
      %dma_start3A_87 = arith.constant 0 : i32
      %dma_start3A_88 = tpu.memref_slice %arg5[%arg0, %add3A_78, %dma_start3A_87] : memref<2x10240x128xf32, #tpu.memory_space<hbm>> -> memref<1x128x128xf32, #tpu.memory_space<hbm>>
      %dma_start3A_89 = tpu.memref_squeeze %dma_start3A_88 : memref<1x128x128xf32, #tpu.memory_space<hbm>> -> memref<128x128xf32, #tpu.memory_space<hbm>>
      %dma_start3A_90 = arith.constant 0 : i32
      %dma_start3A_91 = tpu.memref_slice %arg6[%add3A_78, %dma_start3A_90] : memref<10240x128xf32, #tpu.memory_space<vmem_shared>> -> memref<128x128xf32, #tpu.memory_space<vmem_shared>>
      tpu.enqueue_dma source(%dma_start3A_91 : memref<128x128xf32, #tpu.memory_space<vmem_shared>>) target(%dma_start3A_89 : memref<128x128xf32, #tpu.memory_space<hbm>>) target_semaphore(%run_scoped3A : memref<!tpu.dma_semaphore, #tpu.memory_space<semaphore_mem>>)
      %dma_wait3A = arith.constant 0 : i32
      %dma_wait3A_92 = tpu.memref_slice %arg5[%arg0, %add3A_78, %dma_wait3A] : memref<2x10240x128xf32, #tpu.memory_space<hbm>> -> memref<1x128x128xf32, #tpu.memory_space<hbm>>
      %dma_wait3A_93 = tpu.memref_squeeze %dma_wait3A_92 : memref<1x128x128xf32, #tpu.memory_space<hbm>> -> memref<128x128xf32, #tpu.memory_space<hbm>>
      %dma_wait3A_94 = arith.constant 0 : i32
      %dma_wait3A_95 = tpu.memref_slice %arg6[%add3A_78, %dma_wait3A_94] : memref<10240x128xf32, #tpu.memory_space<vmem_shared>> -> memref<128x128xf32, #tpu.memory_space<vmem_shared>>
      tpu.wait_dma2 semaphore(%run_scoped3A : memref<!tpu.dma_semaphore, #tpu.memory_space<semaphore_mem>>) src(%dma_wait3A_95 : memref<128x128xf32, #tpu.memory_space<vmem_shared>>) dst(%dma_wait3A_93 : memref<128x128xf32, #tpu.memory_space<hbm>>)
      tpu.yield
    }) : () -> ()
    %mul3A_79 = arith.constant 640 : i32
    %mul3A_80 = arith.muli %arg1, %mul3A_79 : i32
    %add3A_81 = arith.constant 384 : i32
    %add3A_82 = arith.addi %mul3A_80, %add3A_81 : i32
    "tpu.region"() ({
      %run_scoped3A = tpu.sem_alloc : memref<!tpu.dma_semaphore, #tpu.memory_space<semaphore_mem>>
      %dma_start3A_87 = arith.constant 0 : i32
      %dma_start3A_88 = tpu.memref_slice %arg5[%arg0, %add3A_82, %dma_start3A_87] : memref<2x10240x128xf32, #tpu.memory_space<hbm>> -> memref<1x128x128xf32, #tpu.memory_space<hbm>>
      %dma_start3A_89 = tpu.memref_squeeze %dma_start3A_88 : memref<1x128x128xf32, #tpu.memory_space<hbm>> -> memref<128x128xf32, #tpu.memory_space<hbm>>
      %dma_start3A_90 = arith.constant 0 : i32
      %dma_start3A_91 = tpu.memref_slice %arg6[%add3A_82, %dma_start3A_90] : memref<10240x128xf32, #tpu.memory_space<vmem_shared>> -> memref<128x128xf32, #tpu.memory_space<vmem_shared>>
      tpu.enqueue_dma source(%dma_start3A_91 : memref<128x128xf32, #tpu.memory_space<vmem_shared>>) target(%dma_start3A_89 : memref<128x128xf32, #tpu.memory_space<hbm>>) target_semaphore(%run_scoped3A : memref<!tpu.dma_semaphore, #tpu.memory_space<semaphore_mem>>)
      %dma_wait3A = arith.constant 0 : i32
      %dma_wait3A_92 = tpu.memref_slice %arg5[%arg0, %add3A_82, %dma_wait3A] : memref<2x10240x128xf32, #tpu.memory_space<hbm>> -> memref<1x128x128xf32, #tpu.memory_space<hbm>>
      %dma_wait3A_93 = tpu.memref_squeeze %dma_wait3A_92 : memref<1x128x128xf32, #tpu.memory_space<hbm>> -> memref<128x128xf32, #tpu.memory_space<hbm>>
      %dma_wait3A_94 = arith.constant 0 : i32
      %dma_wait3A_95 = tpu.memref_slice %arg6[%add3A_82, %dma_wait3A_94] : memref<10240x128xf32, #tpu.memory_space<vmem_shared>> -> memref<128x128xf32, #tpu.memory_space<vmem_shared>>
      tpu.wait_dma2 semaphore(%run_scoped3A : memref<!tpu.dma_semaphore, #tpu.memory_space<semaphore_mem>>) src(%dma_wait3A_95 : memref<128x128xf32, #tpu.memory_space<vmem_shared>>) dst(%dma_wait3A_93 : memref<128x128xf32, #tpu.memory_space<hbm>>)
      tpu.yield
    }) : () -> ()
    %mul3A_83 = arith.constant 640 : i32
    %mul3A_84 = arith.muli %arg1, %mul3A_83 : i32
    %add3A_85 = arith.constant 512 : i32
    %add3A_86 = arith.addi %mul3A_84, %add3A_85 : i32
    "tpu.region"() ({
      %run_scoped3A = tpu.sem_alloc : memref<!tpu.dma_semaphore, #tpu.memory_space<semaphore_mem>>
      %dma_start3A_87 = arith.constant 0 : i32
      %dma_start3A_88 = tpu.memref_slice %arg5[%arg0, %add3A_86, %dma_start3A_87] : memref<2x10240x128xf32, #tpu.memory_space<hbm>> -> memref<1x128x128xf32, #tpu.memory_space<hbm>>
      %dma_start3A_89 = tpu.memref_squeeze %dma_start3A_88 : memref<1x128x128xf32, #tpu.memory_space<hbm>> -> memref<128x128xf32, #tpu.memory_space<hbm>>
      %dma_start3A_90 = arith.constant 0 : i32
      %dma_start3A_91 = tpu.memref_slice %arg6[%add3A_86, %dma_start3A_90] : memref<10240x128xf32, #tpu.memory_space<vmem_shared>> -> memref<128x128xf32, #tpu.memory_space<vmem_shared>>
      tpu.enqueue_dma source(%dma_start3A_91 : memref<128x128xf32, #tpu.memory_space<vmem_shared>>) target(%dma_start3A_89 : memref<128x128xf32, #tpu.memory_space<hbm>>) target_semaphore(%run_scoped3A : memref<!tpu.dma_semaphore, #tpu.memory_space<semaphore_mem>>)
      %dma_wait3A = arith.constant 0 : i32
      %dma_wait3A_92 = tpu.memref_slice %arg5[%arg0, %add3A_86, %dma_wait3A] : memref<2x10240x128xf32, #tpu.memory_space<hbm>> -> memref<1x128x128xf32, #tpu.memory_space<hbm>>
      %dma_wait3A_93 = tpu.memref_squeeze %dma_wait3A_92 : memref<1x128x128xf32, #tpu.memory_space<hbm>> -> memref<128x128xf32, #tpu.memory_space<hbm>>
      %dma_wait3A_94 = arith.constant 0 : i32
      %dma_wait3A_95 = tpu.memref_slice %arg6[%add3A_86, %dma_wait3A_94] : memref<10240x128xf32, #tpu.memory_space<vmem_shared>> -> memref<128x128xf32, #tpu.memory_space<vmem_shared>>
      tpu.wait_dma2 semaphore(%run_scoped3A : memref<!tpu.dma_semaphore, #tpu.memory_space<semaphore_mem>>) src(%dma_wait3A_95 : memref<128x128xf32, #tpu.memory_space<vmem_shared>>) dst(%dma_wait3A_93 : memref<128x128xf32, #tpu.memory_space<hbm>>)
      tpu.yield
    }) : () -> ()
    return
  }
}

#map = affine_map<(d0, d1) -> (0, 0)>
#map1 = affine_map<(d0, d1) -> (0, 0, 0)>
module attributes {stable_mosaic.version = 14 : i64} {
  func.func @_agg_body(%arg0: i32, %arg1: i32, %arg2: memref<10000x128xf32, #tpu.memory_space<hbm>>, %arg3: memref<2560x125xi32, #tpu.memory_space<hbm>>, %arg4: memref<2560x125xi32, #tpu.memory_space<hbm>>, %arg5: memref<2x10240x128xf32, #tpu.memory_space<hbm>>, %arg6: memref<10240x128xf32, #tpu.memory_space<vmem_shared>>, %arg7: memref<40x125xi32, #tpu.memory_space<vmem>>, %arg8: memref<40x125xi32, #tpu.memory_space<vmem>>, %arg9: memref<128x128xf32, #tpu.memory_space<vmem>>, %arg10: memref<125x128xf32, #tpu.memory_space<vmem>>, %arg11: memref<!tpu.dma_semaphore, #tpu.memory_space<semaphore_mem>>, %arg12: memref<!tpu.dma_semaphore, #tpu.memory_space<semaphore_mem>>) attributes {dimension_semantics = [#tpu.dimension_semantics<core_parallel>, #tpu.dimension_semantics<subcore_parallel>], iteration_bounds = array<i64: 2, 16>, scalar_prefetch = 0 : i64, scratch_operands = 7 : i64, tpu.core_type = #tpu.core_type<sc_vector_subcore>, window_params = [{transform_indices = #map}, {transform_indices = #map}, {transform_indices = #map}, {transform_indices = #map1}]} {
    %mul3A = arith.constant 16 : i32
    %mul3A_0 = arith.muli %arg0, %mul3A : i32
    %add3A = arith.addi %mul3A_0, %arg1 : i32
    %scan3A = arith.constant 0 : i32
    %scan3A_1 = arith.constant 0 : i32
    %scan3A_2 = arith.constant 1024 : i32
    %scan3A_3 = arith.addi %scan3A_1, %scan3A_2 : i32
    %scan3A_4 = arith.constant 1 : i32
    %scan3A_5 = scf.for %scan3A_87 = %scan3A_1 to %scan3A_3 step %scan3A_4 iter_args(%scan3A_88 = %scan3A) -> (i32)  : i32 {
      %broadcast_in_dim3A = arith.constant 0.000000e+00 : f32
      %broadcast_in_dim3A_89 = vector.broadcast %broadcast_in_dim3A : f32 to vector<16xf32>
      %jit3A = arith.constant 8 : i32
      %div3A = arith.divsi %scan3A_87, %jit3A : i32
      %sign3A = arith.constant 0 : i32
      %sign3A_90 = arith.cmpi sgt, %scan3A_87, %sign3A : i32
      %sign3A_91 = arith.extui %sign3A_90 : i1 to i32
      %sign3A_92 = arith.constant 0 : i32
      %sign3A_93 = arith.cmpi slt, %scan3A_87, %sign3A_92 : i32
      %sign3A_94 = arith.extui %sign3A_93 : i1 to i32
      %sign3A_95 = arith.subi %sign3A_91, %sign3A_94 : i32
      %sign3A_96 = arith.constant 0 : i32
      %sign3A_97 = arith.cmpi sgt, %jit3A, %sign3A_96 : i32
      %sign3A_98 = arith.extui %sign3A_97 : i1 to i32
      %sign3A_99 = arith.constant 0 : i32
      %sign3A_100 = arith.cmpi slt, %jit3A, %sign3A_99 : i32
      %sign3A_101 = arith.extui %sign3A_100 : i1 to i32
      %sign3A_102 = arith.subi %sign3A_98, %sign3A_101 : i32
      %ne3A = arith.cmpi ne, %sign3A_95, %sign3A_102 : i32
      %rem3A = arith.remsi %scan3A_87, %jit3A : i32
      %ne3A_103 = arith.constant 0 : i32
      %ne3A_104 = arith.cmpi ne, %rem3A, %ne3A_103 : i32
      %and3A = arith.andi %ne3A, %ne3A_104 : i1
      %sub3A = arith.constant 1 : i32
      %sub3A_105 = arith.subi %div3A, %sub3A : i32
      %select_n3A = arith.select %and3A, %sub3A_105, %div3A : i32
      %jit3A_106 = arith.constant 8 : i32
      %eq3A = arith.constant 0 : i32
      %eq3A_107 = arith.cmpi eq, %jit3A_106, %eq3A : i32
      %jit3A_108 = arith.constant 1 : i32
      %select_n3A_109 = arith.select %eq3A_107, %jit3A_108, %jit3A_106 : i32
      %rem3A_110 = arith.remsi %scan3A_87, %select_n3A_109 : i32
      %ne3A_111 = arith.constant 0 : i32
      %ne3A_112 = arith.cmpi ne, %rem3A_110, %ne3A_111 : i32
      %lt3A = arith.constant 0 : i32
      %lt3A_113 = arith.cmpi slt, %rem3A_110, %lt3A : i32
      %lt3A_114 = arith.constant 0 : i32
      %lt3A_115 = arith.cmpi slt, %select_n3A_109, %lt3A_114 : i32
      %ne3A_116 = arith.xori %lt3A_113, %lt3A_115 : i1
      %and3A_117 = arith.andi %ne3A_116, %ne3A_112 : i1
      %add3A_118 = arith.addi %rem3A_110, %select_n3A_109 : i32
      %select_n3A_119 = arith.select %and3A_117, %add3A_118, %rem3A_110 : i32
      %mul3A_120 = arith.constant 16 : i32
      %mul3A_121 = arith.muli %select_n3A_119, %mul3A_120 : i32
      %swap3A = arith.index_cast %select_n3A : i32 to index
      %swap3A_122 = arith.index_cast %mul3A_121 : i32 to index
      %swap3A_123 = tpu.vector_load %arg9[%swap3A, %swap3A_122] {strides = array<i32>} : memref<128x128xf32, #tpu.memory_space<vmem>>, vector<1x16xf32>,
      %swap3A_124 = vector.shape_cast %swap3A_123 : vector<1x16xf32> to vector<16xf32>
      %swap3A_125 = vector.shape_cast %broadcast_in_dim3A_89 : vector<16xf32> to vector<1x16xf32>
      tpu.vector_store %arg9[%swap3A, %swap3A_122], %swap3A_125 {strides = array<i32>} : memref<128x128xf32, #tpu.memory_space<vmem>>, vector<1x16xf32>,
      %scan3A_126 = arith.constant 0 : i32
      scf.yield %scan3A_126 : i32
    }
    %scan3A_6 = arith.constant 1024 : i32
    %mul3A_7 = arith.constant 640 : i32
    %mul3A_8 = arith.muli %arg1, %mul3A_7 : i32
    %add3A_9 = arith.constant 0 : i32
    %add3A_10 = arith.addi %mul3A_8, %add3A_9 : i32
    "tpu.region"() ({
      %run_scoped3A = tpu.sem_alloc : memref<!tpu.dma_semaphore, #tpu.memory_space<semaphore_mem>>
      %dma_start3A_87 = arith.constant 0 : i32
      %dma_start3A_88 = tpu.memref_slice %arg6[%add3A_10, %dma_start3A_87] : memref<10240x128xf32, #tpu.memory_space<vmem_shared>> -> memref<128x128xf32, #tpu.memory_space<vmem_shared>>
      %dma_start3A_89 = arith.constant 0 : i32
      %dma_start3A_90 = tpu.memref_slice %arg6[%add3A_10, %dma_start3A_89] : memref<10240x128xf32, #tpu.memory_space<vmem_shared>> -> memref<128x128xf32, #tpu.memory_space<vmem_shared>>
      tpu.enqueue_dma source(%arg9 : memref<128x128xf32, #tpu.memory_space<vmem>>) target(%dma_start3A_90 : memref<128x128xf32, #tpu.memory_space<vmem_shared>>) target_semaphore(%run_scoped3A : memref<!tpu.dma_semaphore, #tpu.memory_space<semaphore_mem>>)
      %dma_wait3A = arith.constant 0 : i32
      %dma_wait3A_91 = tpu.memref_slice %arg6[%add3A_10, %dma_wait3A] : memref<10240x128xf32, #tpu.memory_space<vmem_shared>> -> memref<128x128xf32, #tpu.memory_space<vmem_shared>>
      %dma_wait3A_92 = arith.constant 0 : i32
      %dma_wait3A_93 = tpu.memref_slice %arg6[%add3A_10, %dma_wait3A_92] : memref<10240x128xf32, #tpu.memory_space<vmem_shared>> -> memref<128x128xf32, #tpu.memory_space<vmem_shared>>
      tpu.wait_dma2 semaphore(%run_scoped3A : memref<!tpu.dma_semaphore, #tpu.memory_space<semaphore_mem>>) src(%arg9 : memref<128x128xf32, #tpu.memory_space<vmem>>) dst(%dma_wait3A_93 : memref<128x128xf32, #tpu.memory_space<vmem_shared>>)
      tpu.yield
    }) : () -> ()
    %mul3A_11 = arith.constant 640 : i32
    %mul3A_12 = arith.muli %arg1, %mul3A_11 : i32
    %add3A_13 = arith.constant 128 : i32
    %add3A_14 = arith.addi %mul3A_12, %add3A_13 : i32
    "tpu.region"() ({
      %run_scoped3A = tpu.sem_alloc : memref<!tpu.dma_semaphore, #tpu.memory_space<semaphore_mem>>
      %dma_start3A_87 = arith.constant 0 : i32
      %dma_start3A_88 = tpu.memref_slice %arg6[%add3A_14, %dma_start3A_87] : memref<10240x128xf32, #tpu.memory_space<vmem_shared>> -> memref<128x128xf32, #tpu.memory_space<vmem_shared>>
      %dma_start3A_89 = arith.constant 0 : i32
      %dma_start3A_90 = tpu.memref_slice %arg6[%add3A_14, %dma_start3A_89] : memref<10240x128xf32, #tpu.memory_space<vmem_shared>> -> memref<128x128xf32, #tpu.memory_space<vmem_shared>>
      tpu.enqueue_dma source(%arg9 : memref<128x128xf32, #tpu.memory_space<vmem>>) target(%dma_start3A_90 : memref<128x128xf32, #tpu.memory_space<vmem_shared>>) target_semaphore(%run_scoped3A : memref<!tpu.dma_semaphore, #tpu.memory_space<semaphore_mem>>)
      %dma_wait3A = arith.constant 0 : i32
      %dma_wait3A_91 = tpu.memref_slice %arg6[%add3A_14, %dma_wait3A] : memref<10240x128xf32, #tpu.memory_space<vmem_shared>> -> memref<128x128xf32, #tpu.memory_space<vmem_shared>>
      %dma_wait3A_92 = arith.constant 0 : i32
      %dma_wait3A_93 = tpu.memref_slice %arg6[%add3A_14, %dma_wait3A_92] : memref<10240x128xf32, #tpu.memory_space<vmem_shared>> -> memref<128x128xf32, #tpu.memory_space<vmem_shared>>
      tpu.wait_dma2 semaphore(%run_scoped3A : memref<!tpu.dma_semaphore, #tpu.memory_space<semaphore_mem>>) src(%arg9 : memref<128x128xf32, #tpu.memory_space<vmem>>) dst(%dma_wait3A_93 : memref<128x128xf32, #tpu.memory_space<vmem_shared>>)
      tpu.yield
    }) : () -> ()
    %mul3A_15 = arith.constant 640 : i32
    %mul3A_16 = arith.muli %arg1, %mul3A_15 : i32
    %add3A_17 = arith.constant 256 : i32
    %add3A_18 = arith.addi %mul3A_16, %add3A_17 : i32
    "tpu.region"() ({
      %run_scoped3A = tpu.sem_alloc : memref<!tpu.dma_semaphore, #tpu.memory_space<semaphore_mem>>
      %dma_start3A_87 = arith.constant 0 : i32
      %dma_start3A_88 = tpu.memref_slice %arg6[%add3A_18, %dma_start3A_87] : memref<10240x128xf32, #tpu.memory_space<vmem_shared>> -> memref<128x128xf32, #tpu.memory_space<vmem_shared>>
      %dma_start3A_89 = arith.constant 0 : i32
      %dma_start3A_90 = tpu.memref_slice %arg6[%add3A_18, %dma_start3A_89] : memref<10240x128xf32, #tpu.memory_space<vmem_shared>> -> memref<128x128xf32, #tpu.memory_space<vmem_shared>>
      tpu.enqueue_dma source(%arg9 : memref<128x128xf32, #tpu.memory_space<vmem>>) target(%dma_start3A_90 : memref<128x128xf32, #tpu.memory_space<vmem_shared>>) target_semaphore(%run_scoped3A : memref<!tpu.dma_semaphore, #tpu.memory_space<semaphore_mem>>)
      %dma_wait3A = arith.constant 0 : i32
      %dma_wait3A_91 = tpu.memref_slice %arg6[%add3A_18, %dma_wait3A] : memref<10240x128xf32, #tpu.memory_space<vmem_shared>> -> memref<128x128xf32, #tpu.memory_space<vmem_shared>>
      %dma_wait3A_92 = arith.constant 0 : i32
      %dma_wait3A_93 = tpu.memref_slice %arg6[%add3A_18, %dma_wait3A_92] : memref<10240x128xf32, #tpu.memory_space<vmem_shared>> -> memref<128x128xf32, #tpu.memory_space<vmem_shared>>
      tpu.wait_dma2 semaphore(%run_scoped3A : memref<!tpu.dma_semaphore, #tpu.memory_space<semaphore_mem>>) src(%arg9 : memref<128x128xf32, #tpu.memory_space<vmem>>) dst(%dma_wait3A_93 : memref<128x128xf32, #tpu.memory_space<vmem_shared>>)
      tpu.yield
    }) : () -> ()
    %mul3A_19 = arith.constant 640 : i32
    %mul3A_20 = arith.muli %arg1, %mul3A_19 : i32
    %add3A_21 = arith.constant 384 : i32
    %add3A_22 = arith.addi %mul3A_20, %add3A_21 : i32
    "tpu.region"() ({
      %run_scoped3A = tpu.sem_alloc : memref<!tpu.dma_semaphore, #tpu.memory_space<semaphore_mem>>
      %dma_start3A_87 = arith.constant 0 : i32
      %dma_start3A_88 = tpu.memref_slice %arg6[%add3A_22, %dma_start3A_87] : memref<10240x128xf32, #tpu.memory_space<vmem_shared>> -> memref<128x128xf32, #tpu.memory_space<vmem_shared>>
      %dma_start3A_89 = arith.constant 0 : i32
      %dma_start3A_90 = tpu.memref_slice %arg6[%add3A_22, %dma_start3A_89] : memref<10240x128xf32, #tpu.memory_space<vmem_shared>> -> memref<128x128xf32, #tpu.memory_space<vmem_shared>>
      tpu.enqueue_dma source(%arg9 : memref<128x128xf32, #tpu.memory_space<vmem>>) target(%dma_start3A_90 : memref<128x128xf32, #tpu.memory_space<vmem_shared>>) target_semaphore(%run_scoped3A : memref<!tpu.dma_semaphore, #tpu.memory_space<semaphore_mem>>)
      %dma_wait3A = arith.constant 0 : i32
      %dma_wait3A_91 = tpu.memref_slice %arg6[%add3A_22, %dma_wait3A] : memref<10240x128xf32, #tpu.memory_space<vmem_shared>> -> memref<128x128xf32, #tpu.memory_space<vmem_shared>>
      %dma_wait3A_92 = arith.constant 0 : i32
      %dma_wait3A_93 = tpu.memref_slice %arg6[%add3A_22, %dma_wait3A_92] : memref<10240x128xf32, #tpu.memory_space<vmem_shared>> -> memref<128x128xf32, #tpu.memory_space<vmem_shared>>
      tpu.wait_dma2 semaphore(%run_scoped3A : memref<!tpu.dma_semaphore, #tpu.memory_space<semaphore_mem>>) src(%arg9 : memref<128x128xf32, #tpu.memory_space<vmem>>) dst(%dma_wait3A_93 : memref<128x128xf32, #tpu.memory_space<vmem_shared>>)
      tpu.yield
    }) : () -> ()
    %mul3A_23 = arith.constant 640 : i32
    %mul3A_24 = arith.muli %arg1, %mul3A_23 : i32
    %add3A_25 = arith.constant 512 : i32
    %add3A_26 = arith.addi %mul3A_24, %add3A_25 : i32
    "tpu.region"() ({
      %run_scoped3A = tpu.sem_alloc : memref<!tpu.dma_semaphore, #tpu.memory_space<semaphore_mem>>
      %dma_start3A_87 = arith.constant 0 : i32
      %dma_start3A_88 = tpu.memref_slice %arg6[%add3A_26, %dma_start3A_87] : memref<10240x128xf32, #tpu.memory_space<vmem_shared>> -> memref<128x128xf32, #tpu.memory_space<vmem_shared>>
      %dma_start3A_89 = arith.constant 0 : i32
      %dma_start3A_90 = tpu.memref_slice %arg6[%add3A_26, %dma_start3A_89] : memref<10240x128xf32, #tpu.memory_space<vmem_shared>> -> memref<128x128xf32, #tpu.memory_space<vmem_shared>>
      tpu.enqueue_dma source(%arg9 : memref<128x128xf32, #tpu.memory_space<vmem>>) target(%dma_start3A_90 : memref<128x128xf32, #tpu.memory_space<vmem_shared>>) target_semaphore(%run_scoped3A : memref<!tpu.dma_semaphore, #tpu.memory_space<semaphore_mem>>)
      %dma_wait3A = arith.constant 0 : i32
      %dma_wait3A_91 = tpu.memref_slice %arg6[%add3A_26, %dma_wait3A] : memref<10240x128xf32, #tpu.memory_space<vmem_shared>> -> memref<128x128xf32, #tpu.memory_space<vmem_shared>>
      %dma_wait3A_92 = arith.constant 0 : i32
      %dma_wait3A_93 = tpu.memref_slice %arg6[%add3A_26, %dma_wait3A_92] : memref<10240x128xf32, #tpu.memory_space<vmem_shared>> -> memref<128x128xf32, #tpu.memory_space<vmem_shared>>
      tpu.wait_dma2 semaphore(%run_scoped3A : memref<!tpu.dma_semaphore, #tpu.memory_space<semaphore_mem>>) src(%arg9 : memref<128x128xf32, #tpu.memory_space<vmem>>) dst(%dma_wait3A_93 : memref<128x128xf32, #tpu.memory_space<vmem_shared>>)
      tpu.yield
    }) : () -> ()
    %barrier3A = arith.constant 0 : index
    tpu.barrier barrier_id(%barrier3A)
    %mul3A_27 = arith.constant 80 : i32
    %mul3A_28 = arith.muli %add3A, %mul3A_27 : i32
    %add3A_29 = arith.constant 0 : i32
    %add3A_30 = arith.addi %mul3A_28, %add3A_29 : i32
    "tpu.region"() ({
      %run_scoped3A = tpu.sem_alloc : memref<!tpu.dma_semaphore, #tpu.memory_space<semaphore_mem>>
      %dma_start3A_87 = arith.constant 0 : i32
      %dma_start3A_88 = tpu.memref_slice %arg3[%add3A_30, %dma_start3A_87] : memref<2560x125xi32, #tpu.memory_space<hbm>> -> memref<40x125xi32, #tpu.memory_space<hbm>>
      %dma_start3A_89 = arith.constant 0 : i32
      %dma_start3A_90 = tpu.memref_slice %arg3[%add3A_30, %dma_start3A_89] : memref<2560x125xi32, #tpu.memory_space<hbm>> -> memref<40x125xi32, #tpu.memory_space<hbm>>
      tpu.enqueue_dma source(%dma_start3A_90 : memref<40x125xi32, #tpu.memory_space<hbm>>) target(%arg7 : memref<40x125xi32, #tpu.memory_space<vmem>>) target_semaphore(%run_scoped3A : memref<!tpu.dma_semaphore, #tpu.memory_space<semaphore_mem>>)
      %dma_wait3A = arith.constant 0 : i32
      %dma_wait3A_91 = tpu.memref_slice %arg3[%add3A_30, %dma_wait3A] : memref<2560x125xi32, #tpu.memory_space<hbm>> -> memref<40x125xi32, #tpu.memory_space<hbm>>
      %dma_wait3A_92 = arith.constant 0 : i32
      %dma_wait3A_93 = tpu.memref_slice %arg3[%add3A_30, %dma_wait3A_92] : memref<2560x125xi32, #tpu.memory_space<hbm>> -> memref<40x125xi32, #tpu.memory_space<hbm>>
      tpu.wait_dma2 semaphore(%run_scoped3A : memref<!tpu.dma_semaphore, #tpu.memory_space<semaphore_mem>>) src(%dma_wait3A_93 : memref<40x125xi32, #tpu.memory_space<hbm>>) dst(%arg7 : memref<40x125xi32, #tpu.memory_space<vmem>>)
      tpu.yield
    }) : () -> ()
    "tpu.region"() ({
      %run_scoped3A = tpu.sem_alloc : memref<!tpu.dma_semaphore, #tpu.memory_space<semaphore_mem>>
      %dma_start3A_87 = arith.constant 0 : i32
      %dma_start3A_88 = tpu.memref_slice %arg4[%add3A_30, %dma_start3A_87] : memref<2560x125xi32, #tpu.memory_space<hbm>> -> memref<40x125xi32, #tpu.memory_space<hbm>>
      %dma_start3A_89 = arith.constant 0 : i32
      %dma_start3A_90 = tpu.memref_slice %arg4[%add3A_30, %dma_start3A_89] : memref<2560x125xi32, #tpu.memory_space<hbm>> -> memref<40x125xi32, #tpu.memory_space<hbm>>
      tpu.enqueue_dma source(%dma_start3A_90 : memref<40x125xi32, #tpu.memory_space<hbm>>) target(%arg8 : memref<40x125xi32, #tpu.memory_space<vmem>>) target_semaphore(%run_scoped3A : memref<!tpu.dma_semaphore, #tpu.memory_space<semaphore_mem>>)
      %dma_wait3A = arith.constant 0 : i32
      %dma_wait3A_91 = tpu.memref_slice %arg4[%add3A_30, %dma_wait3A] : memref<2560x125xi32, #tpu.memory_space<hbm>> -> memref<40x125xi32, #tpu.memory_space<hbm>>
      %dma_wait3A_92 = arith.constant 0 : i32
      %dma_wait3A_93 = tpu.memref_slice %arg4[%add3A_30, %dma_wait3A_92] : memref<2560x125xi32, #tpu.memory_space<hbm>> -> memref<40x125xi32, #tpu.memory_space<hbm>>
      tpu.wait_dma2 semaphore(%run_scoped3A : memref<!tpu.dma_semaphore, #tpu.memory_space<semaphore_mem>>) src(%dma_wait3A_93 : memref<40x125xi32, #tpu.memory_space<hbm>>) dst(%arg8 : memref<40x125xi32, #tpu.memory_space<vmem>>)
      tpu.yield
    }) : () -> ()
    %dma_start3A = arith.constant 0 : i32
    %dma_start3A_31 = arith.constant 0 : i32
    %dma_start3A_32 = arith.constant 0 : i32
    %dma_start3A_33 = tpu.memref_slice %arg9[%dma_start3A_31, %dma_start3A_32] : memref<128x128xf32, #tpu.memory_space<vmem>> -> memref<125x128xf32, #tpu.memory_space<vmem>>
    %dma_start3A_34 = arith.constant 0 : i32
    %dma_start3A_35 = tpu.memref_slice %arg7[%dma_start3A, %dma_start3A_34] : memref<40x125xi32, #tpu.memory_space<vmem>> -> memref<1x125xi32, #tpu.memory_space<vmem>>
    %dma_start3A_36 = tpu.memref_squeeze %dma_start3A_35 : memref<1x125xi32, #tpu.memory_space<vmem>> -> memref<125xi32, #tpu.memory_space<vmem>>
    %dma_start3A_37 = arith.constant 0 : i32
    %dma_start3A_38 = arith.constant 0 : i32
    %dma_start3A_39 = tpu.memref_slice %arg2[%dma_start3A_37, %dma_start3A_38] : memref<10000x128xf32, #tpu.memory_space<hbm>> -> memref<10000x128xf32, #tpu.memory_space<hbm>>
    tpu.enqueue_indirect_dma source(%dma_start3A_39 : memref<10000x128xf32, #tpu.memory_space<hbm>>) target(%dma_start3A_33 : memref<125x128xf32, #tpu.memory_space<vmem>>) offsets(%dma_start3A_36 : memref<125xi32, #tpu.memory_space<vmem>>) semaphore(%arg11 : memref<!tpu.dma_semaphore, #tpu.memory_space<semaphore_mem>>)
    %scan3A_40 = arith.constant 0 : i32
    %scan3A_41 = arith.constant 0 : i32
    %scan3A_42 = arith.constant 20 : i32
    %scan3A_43 = arith.addi %scan3A_41, %scan3A_42 : i32
    %scan3A_44 = arith.constant 1 : i32
    %scan3A_45 = scf.for %scan3A_87 = %scan3A_41 to %scan3A_43 step %scan3A_44 iter_args(%scan3A_88 = %scan3A_40) -> (i32)  : i32 {
      %mul3A_89 = arith.constant 2 : i32
      %mul3A_90 = arith.muli %mul3A_89, %scan3A_87 : i32
      %add3A_91 = arith.constant 1 : i32
      %add3A_92 = arith.addi %mul3A_90, %add3A_91 : i32
      %dma_start3A_93 = arith.constant 0 : i32
      %dma_start3A_94 = tpu.memref_slice %arg7[%add3A_92, %dma_start3A_93] : memref<40x125xi32, #tpu.memory_space<vmem>> -> memref<1x125xi32, #tpu.memory_space<vmem>>
      %dma_start3A_95 = tpu.memref_squeeze %dma_start3A_94 : memref<1x125xi32, #tpu.memory_space<vmem>> -> memref<125xi32, #tpu.memory_space<vmem>>
      %dma_start3A_96 = arith.constant 0 : i32
      %dma_start3A_97 = arith.constant 0 : i32
      %dma_start3A_98 = tpu.memref_slice %arg2[%dma_start3A_96, %dma_start3A_97] : memref<10000x128xf32, #tpu.memory_space<hbm>> -> memref<10000x128xf32, #tpu.memory_space<hbm>>
      tpu.enqueue_indirect_dma source(%dma_start3A_98 : memref<10000x128xf32, #tpu.memory_space<hbm>>) target(%arg10 : memref<125x128xf32, #tpu.memory_space<vmem>>) offsets(%dma_start3A_95 : memref<125xi32, #tpu.memory_space<vmem>>) semaphore(%arg12 : memref<!tpu.dma_semaphore, #tpu.memory_space<semaphore_mem>>)
      %dma_wait3A = arith.constant 0 : i32
      %dma_wait3A_99 = arith.constant 0 : i32
      %dma_wait3A_100 = tpu.memref_slice %arg9[%dma_wait3A, %dma_wait3A_99] : memref<128x128xf32, #tpu.memory_space<vmem>> -> memref<125x128xf32, #tpu.memory_space<vmem>>
      %dma_wait3A_101 = arith.constant 0 : i32
      %dma_wait3A_102 = tpu.memref_slice %arg7[%mul3A_90, %dma_wait3A_101] : memref<40x125xi32, #tpu.memory_space<vmem>> -> memref<1x125xi32, #tpu.memory_space<vmem>>
      %dma_wait3A_103 = tpu.memref_squeeze %dma_wait3A_102 : memref<1x125xi32, #tpu.memory_space<vmem>> -> memref<125xi32, #tpu.memory_space<vmem>>
      %dma_wait3A_104 = arith.constant 0 : i32
      %dma_wait3A_105 = arith.constant 0 : i32
      %dma_wait3A_106 = tpu.memref_slice %arg2[%dma_wait3A_104, %dma_wait3A_105] : memref<10000x128xf32, #tpu.memory_space<hbm>> -> memref<10000x128xf32, #tpu.memory_space<hbm>>
      tpu.wait_indirect_dma semaphore(%arg11 : memref<!tpu.dma_semaphore, #tpu.memory_space<semaphore_mem>>) src(%dma_wait3A_106 : memref<10000x128xf32, #tpu.memory_space<hbm>>) dst(%dma_wait3A_100 : memref<125x128xf32, #tpu.memory_space<vmem>>)
      "tpu.region"() ({
        %run_scoped3A = tpu.sem_alloc : memref<!tpu.dma_semaphore, #tpu.memory_space<semaphore_mem>>
        %dma_start3A_118 = arith.constant 0 : i32
        %dma_start3A_119 = arith.constant 0 : i32
        %dma_start3A_120 = tpu.memref_slice %arg9[%dma_start3A_118, %dma_start3A_119] : memref<128x128xf32, #tpu.memory_space<vmem>> -> memref<125x128xf32, #tpu.memory_space<vmem>>
        %dma_start3A_121 = arith.constant 0 : i32
        %dma_start3A_122 = tpu.memref_slice %arg8[%mul3A_90, %dma_start3A_121] : memref<40x125xi32, #tpu.memory_space<vmem>> -> memref<1x125xi32, #tpu.memory_space<vmem>>
        %dma_start3A_123 = tpu.memref_squeeze %dma_start3A_122 : memref<1x125xi32, #tpu.memory_space<vmem>> -> memref<125xi32, #tpu.memory_space<vmem>>
        %dma_start3A_124 = arith.constant 0 : i32
        %dma_start3A_125 = arith.constant 0 : i32
        %dma_start3A_126 = tpu.memref_slice %arg6[%dma_start3A_124, %dma_start3A_125] : memref<10240x128xf32, #tpu.memory_space<vmem_shared>> -> memref<10240x128xf32, #tpu.memory_space<vmem_shared>>
        tpu.enqueue_indirect_dma source(%dma_start3A_120 : memref<125x128xf32, #tpu.memory_space<vmem>>) target(%dma_start3A_126 : memref<10240x128xf32, #tpu.memory_space<vmem_shared>>) offsets(%dma_start3A_123 : memref<125xi32, #tpu.memory_space<vmem>>) semaphore(%run_scoped3A : memref<!tpu.dma_semaphore, #tpu.memory_space<semaphore_mem>>) {add = true}
        %dma_wait3A_127 = arith.constant 0 : i32
        %dma_wait3A_128 = arith.constant 0 : i32
        %dma_wait3A_129 = tpu.memref_slice %arg9[%dma_wait3A_127, %dma_wait3A_128] : memref<128x128xf32, #tpu.memory_space<vmem>> -> memref<125x128xf32, #tpu.memory_space<vmem>>
        %dma_wait3A_130 = arith.constant 0 : i32
        %dma_wait3A_131 = tpu.memref_slice %arg8[%mul3A_90, %dma_wait3A_130] : memref<40x125xi32, #tpu.memory_space<vmem>> -> memref<1x125xi32, #tpu.memory_space<vmem>>
        %dma_wait3A_132 = tpu.memref_squeeze %dma_wait3A_131 : memref<1x125xi32, #tpu.memory_space<vmem>> -> memref<125xi32, #tpu.memory_space<vmem>>
        %dma_wait3A_133 = arith.constant 0 : i32
        %dma_wait3A_134 = arith.constant 0 : i32
        %dma_wait3A_135 = tpu.memref_slice %arg6[%dma_wait3A_133, %dma_wait3A_134] : memref<10240x128xf32, #tpu.memory_space<vmem_shared>> -> memref<10240x128xf32, #tpu.memory_space<vmem_shared>>
        tpu.wait_indirect_dma semaphore(%run_scoped3A : memref<!tpu.dma_semaphore, #tpu.memory_space<semaphore_mem>>) src(%dma_wait3A_129 : memref<125x128xf32, #tpu.memory_space<vmem>>) dst(%dma_wait3A_135 : memref<10240x128xf32, #tpu.memory_space<vmem_shared>>)
        tpu.yield
      }) : () -> ()
      %add3A_107 = arith.constant 2 : i32
      %add3A_108 = arith.addi %mul3A_90, %add3A_107 : i32
      %lt3A = arith.constant 40 : i32
      %lt3A_109 = arith.cmpi slt, %add3A_108, %lt3A : i32
      %convert_element_type3A = arith.extui %lt3A_109 : i1 to i32
      %cond3A = arith.constant 0 : i32
      %cond3A_110 = arith.cmpi ne, %convert_element_type3A, %cond3A : i32
      scf.if %cond3A_110 {
        %add3A_118 = arith.constant 2 : i32
        %add3A_119 = arith.addi %mul3A_90, %add3A_118 : i32
        %dma_start3A_120 = arith.constant 0 : i32
        %dma_start3A_121 = arith.constant 0 : i32
        %dma_start3A_122 = tpu.memref_slice %arg9[%dma_start3A_120, %dma_start3A_121] : memref<128x128xf32, #tpu.memory_space<vmem>> -> memref<125x128xf32, #tpu.memory_space<vmem>>
        %dma_start3A_123 = arith.constant 0 : i32
        %dma_start3A_124 = tpu.memref_slice %arg7[%add3A_119, %dma_start3A_123] : memref<40x125xi32, #tpu.memory_space<vmem>> -> memref<1x125xi32, #tpu.memory_space<vmem>>
        %dma_start3A_125 = tpu.memref_squeeze %dma_start3A_124 : memref<1x125xi32, #tpu.memory_space<vmem>> -> memref<125xi32, #tpu.memory_space<vmem>>
        %dma_start3A_126 = arith.constant 0 : i32
        %dma_start3A_127 = arith.constant 0 : i32
        %dma_start3A_128 = tpu.memref_slice %arg2[%dma_start3A_126, %dma_start3A_127] : memref<10000x128xf32, #tpu.memory_space<hbm>> -> memref<10000x128xf32, #tpu.memory_space<hbm>>
        tpu.enqueue_indirect_dma source(%dma_start3A_128 : memref<10000x128xf32, #tpu.memory_space<hbm>>) target(%dma_start3A_122 : memref<125x128xf32, #tpu.memory_space<vmem>>) offsets(%dma_start3A_125 : memref<125xi32, #tpu.memory_space<vmem>>) semaphore(%arg11 : memref<!tpu.dma_semaphore, #tpu.memory_space<semaphore_mem>>)
      } else {
      }
      %dma_wait3A_111 = arith.constant 0 : i32
      %dma_wait3A_112 = tpu.memref_slice %arg7[%add3A_92, %dma_wait3A_111] : memref<40x125xi32, #tpu.memory_space<vmem>> -> memref<1x125xi32, #tpu.memory_space<vmem>>
      %dma_wait3A_113 = tpu.memref_squeeze %dma_wait3A_112 : memref<1x125xi32, #tpu.memory_space<vmem>> -> memref<125xi32, #tpu.memory_space<vmem>>
      %dma_wait3A_114 = arith.constant 0 : i32
      %dma_wait3A_115 = arith.constant 0 : i32
      %dma_wait3A_116 = tpu.memref_slice %arg2[%dma_wait3A_114, %dma_wait3A_115] : memref<10000x128xf32, #tpu.memory_space<hbm>> -> memref<10000x128xf32, #tpu.memory_space<hbm>>
      tpu.wait_indirect_dma semaphore(%arg12 : memref<!tpu.dma_semaphore, #tpu.memory_space<semaphore_mem>>) src(%dma_wait3A_116 : memref<10000x128xf32, #tpu.memory_space<hbm>>) dst(%arg10 : memref<125x128xf32, #tpu.memory_space<vmem>>)
      "tpu.region"() ({
        %run_scoped3A = tpu.sem_alloc : memref<!tpu.dma_semaphore, #tpu.memory_space<semaphore_mem>>
        %dma_start3A_118 = arith.constant 0 : i32
        %dma_start3A_119 = tpu.memref_slice %arg8[%add3A_92, %dma_start3A_118] : memref<40x125xi32, #tpu.memory_space<vmem>> -> memref<1x125xi32, #tpu.memory_space<vmem>>
        %dma_start3A_120 = tpu.memref_squeeze %dma_start3A_119 : memref<1x125xi32, #tpu.memory_space<vmem>> -> memref<125xi32, #tpu.memory_space<vmem>>
        %dma_start3A_121 = arith.constant 0 : i32
        %dma_start3A_122 = arith.constant 0 : i32
        %dma_start3A_123 = tpu.memref_slice %arg6[%dma_start3A_121, %dma_start3A_122] : memref<10240x128xf32, #tpu.memory_space<vmem_shared>> -> memref<10240x128xf32, #tpu.memory_space<vmem_shared>>
        tpu.enqueue_indirect_dma source(%arg10 : memref<125x128xf32, #tpu.memory_space<vmem>>) target(%dma_start3A_123 : memref<10240x128xf32, #tpu.memory_space<vmem_shared>>) offsets(%dma_start3A_120 : memref<125xi32, #tpu.memory_space<vmem>>) semaphore(%run_scoped3A : memref<!tpu.dma_semaphore, #tpu.memory_space<semaphore_mem>>) {add = true}
        %dma_wait3A_124 = arith.constant 0 : i32
        %dma_wait3A_125 = tpu.memref_slice %arg8[%add3A_92, %dma_wait3A_124] : memref<40x125xi32, #tpu.memory_space<vmem>> -> memref<1x125xi32, #tpu.memory_space<vmem>>
        %dma_wait3A_126 = tpu.memref_squeeze %dma_wait3A_125 : memref<1x125xi32, #tpu.memory_space<vmem>> -> memref<125xi32, #tpu.memory_space<vmem>>
        %dma_wait3A_127 = arith.constant 0 : i32
        %dma_wait3A_128 = arith.constant 0 : i32
        %dma_wait3A_129 = tpu.memref_slice %arg6[%dma_wait3A_127, %dma_wait3A_128] : memref<10240x128xf32, #tpu.memory_space<vmem_shared>> -> memref<10240x128xf32, #tpu.memory_space<vmem_shared>>
        tpu.wait_indirect_dma semaphore(%run_scoped3A : memref<!tpu.dma_semaphore, #tpu.memory_space<semaphore_mem>>) src(%arg10 : memref<125x128xf32, #tpu.memory_space<vmem>>) dst(%dma_wait3A_129 : memref<10240x128xf32, #tpu.memory_space<vmem_shared>>)
        tpu.yield
      }) : () -> ()
      %scan3A_117 = arith.constant 0 : i32
      scf.yield %scan3A_117 : i32
    }
    %scan3A_46 = arith.constant 20 : i32
    %add3A_47 = arith.constant 40 : i32
    %add3A_48 = arith.addi %mul3A_28, %add3A_47 : i32
    "tpu.region"() ({
      %run_scoped3A = tpu.sem_alloc : memref<!tpu.dma_semaphore, #tpu.memory_space<semaphore_mem>>
      %dma_start3A_87 = arith.constant 0 : i32
      %dma_start3A_88 = tpu.memref_slice %arg3[%add3A_48, %dma_start3A_87] : memref<2560x125xi32, #tpu.memory_space<hbm>> -> memref<40x125xi32, #tpu.memory_space<hbm>>
      %dma_start3A_89 = arith.constant 0 : i32
      %dma_start3A_90 = tpu.memref_slice %arg3[%add3A_48, %dma_start3A_89] : memref<2560x125xi32, #tpu.memory_space<hbm>> -> memref<40x125xi32, #tpu.memory_space<hbm>>
      tpu.enqueue_dma source(%dma_start3A_90 : memref<40x125xi32, #tpu.memory_space<hbm>>) target(%arg7 : memref<40x125xi32, #tpu.memory_space<vmem>>) target_semaphore(%run_scoped3A : memref<!tpu.dma_semaphore, #tpu.memory_space<semaphore_mem>>)
      %dma_wait3A = arith.constant 0 : i32
      %dma_wait3A_91 = tpu.memref_slice %arg3[%add3A_48, %dma_wait3A] : memref<2560x125xi32, #tpu.memory_space<hbm>> -> memref<40x125xi32, #tpu.memory_space<hbm>>
      %dma_wait3A_92 = arith.constant 0 : i32
      %dma_wait3A_93 = tpu.memref_slice %arg3[%add3A_48, %dma_wait3A_92] : memref<2560x125xi32, #tpu.memory_space<hbm>> -> memref<40x125xi32, #tpu.memory_space<hbm>>
      tpu.wait_dma2 semaphore(%run_scoped3A : memref<!tpu.dma_semaphore, #tpu.memory_space<semaphore_mem>>) src(%dma_wait3A_93 : memref<40x125xi32, #tpu.memory_space<hbm>>) dst(%arg7 : memref<40x125xi32, #tpu.memory_space<vmem>>)
      tpu.yield
    }) : () -> ()
    "tpu.region"() ({
      %run_scoped3A = tpu.sem_alloc : memref<!tpu.dma_semaphore, #tpu.memory_space<semaphore_mem>>
      %dma_start3A_87 = arith.constant 0 : i32
      %dma_start3A_88 = tpu.memref_slice %arg4[%add3A_48, %dma_start3A_87] : memref<2560x125xi32, #tpu.memory_space<hbm>> -> memref<40x125xi32, #tpu.memory_space<hbm>>
      %dma_start3A_89 = arith.constant 0 : i32
      %dma_start3A_90 = tpu.memref_slice %arg4[%add3A_48, %dma_start3A_89] : memref<2560x125xi32, #tpu.memory_space<hbm>> -> memref<40x125xi32, #tpu.memory_space<hbm>>
      tpu.enqueue_dma source(%dma_start3A_90 : memref<40x125xi32, #tpu.memory_space<hbm>>) target(%arg8 : memref<40x125xi32, #tpu.memory_space<vmem>>) target_semaphore(%run_scoped3A : memref<!tpu.dma_semaphore, #tpu.memory_space<semaphore_mem>>)
      %dma_wait3A = arith.constant 0 : i32
      %dma_wait3A_91 = tpu.memref_slice %arg4[%add3A_48, %dma_wait3A] : memref<2560x125xi32, #tpu.memory_space<hbm>> -> memref<40x125xi32, #tpu.memory_space<hbm>>
      %dma_wait3A_92 = arith.constant 0 : i32
      %dma_wait3A_93 = tpu.memref_slice %arg4[%add3A_48, %dma_wait3A_92] : memref<2560x125xi32, #tpu.memory_space<hbm>> -> memref<40x125xi32, #tpu.memory_space<hbm>>
      tpu.wait_dma2 semaphore(%run_scoped3A : memref<!tpu.dma_semaphore, #tpu.memory_space<semaphore_mem>>) src(%dma_wait3A_93 : memref<40x125xi32, #tpu.memory_space<hbm>>) dst(%arg8 : memref<40x125xi32, #tpu.memory_space<vmem>>)
      tpu.yield
    }) : () -> ()
    %dma_start3A_49 = arith.constant 0 : i32
    %dma_start3A_50 = arith.constant 0 : i32
    %dma_start3A_51 = arith.constant 0 : i32
    %dma_start3A_52 = tpu.memref_slice %arg9[%dma_start3A_50, %dma_start3A_51] : memref<128x128xf32, #tpu.memory_space<vmem>> -> memref<125x128xf32, #tpu.memory_space<vmem>>
    %dma_start3A_53 = arith.constant 0 : i32
    %dma_start3A_54 = tpu.memref_slice %arg7[%dma_start3A_49, %dma_start3A_53] : memref<40x125xi32, #tpu.memory_space<vmem>> -> memref<1x125xi32, #tpu.memory_space<vmem>>
    %dma_start3A_55 = tpu.memref_squeeze %dma_start3A_54 : memref<1x125xi32, #tpu.memory_space<vmem>> -> memref<125xi32, #tpu.memory_space<vmem>>
    %dma_start3A_56 = arith.constant 0 : i32
    %dma_start3A_57 = arith.constant 0 : i32
    %dma_start3A_58 = tpu.memref_slice %arg2[%dma_start3A_56, %dma_start3A_57] : memref<10000x128xf32, #tpu.memory_space<hbm>> -> memref<10000x128xf32, #tpu.memory_space<hbm>>
    tpu.enqueue_indirect_dma source(%dma_start3A_58 : memref<10000x128xf32, #tpu.memory_space<hbm>>) target(%dma_start3A_52 : memref<125x128xf32, #tpu.memory_space<vmem>>) offsets(%dma_start3A_55 : memref<125xi32, #tpu.memory_space<vmem>>) semaphore(%arg11 : memref<!tpu.dma_semaphore, #tpu.memory_space<semaphore_mem>>)
    %scan3A_59 = arith.constant 0 : i32
    %scan3A_60 = arith.constant 0 : i32
    %scan3A_61 = arith.constant 20 : i32
    %scan3A_62 = arith.addi %scan3A_60, %scan3A_61 : i32
    %scan3A_63 = arith.constant 1 : i32
    %scan3A_64 = scf.for %scan3A_87 = %scan3A_60 to %scan3A_62 step %scan3A_63 iter_args(%scan3A_88 = %scan3A_59) -> (i32)  : i32 {
      %mul3A_89 = arith.constant 2 : i32
      %mul3A_90 = arith.muli %mul3A_89, %scan3A_87 : i32
      %add3A_91 = arith.constant 1 : i32
      %add3A_92 = arith.addi %mul3A_90, %add3A_91 : i32
      %dma_start3A_93 = arith.constant 0 : i32
      %dma_start3A_94 = tpu.memref_slice %arg7[%add3A_92, %dma_start3A_93] : memref<40x125xi32, #tpu.memory_space<vmem>> -> memref<1x125xi32, #tpu.memory_space<vmem>>
      %dma_start3A_95 = tpu.memref_squeeze %dma_start3A_94 : memref<1x125xi32, #tpu.memory_space<vmem>> -> memref<125xi32, #tpu.memory_space<vmem>>
      %dma_start3A_96 = arith.constant 0 : i32
      %dma_start3A_97 = arith.constant 0 : i32
      %dma_start3A_98 = tpu.memref_slice %arg2[%dma_start3A_96, %dma_start3A_97] : memref<10000x128xf32, #tpu.memory_space<hbm>> -> memref<10000x128xf32, #tpu.memory_space<hbm>>
      tpu.enqueue_indirect_dma source(%dma_start3A_98 : memref<10000x128xf32, #tpu.memory_space<hbm>>) target(%arg10 : memref<125x128xf32, #tpu.memory_space<vmem>>) offsets(%dma_start3A_95 : memref<125xi32, #tpu.memory_space<vmem>>) semaphore(%arg12 : memref<!tpu.dma_semaphore, #tpu.memory_space<semaphore_mem>>)
      %dma_wait3A = arith.constant 0 : i32
      %dma_wait3A_99 = arith.constant 0 : i32
      %dma_wait3A_100 = tpu.memref_slice %arg9[%dma_wait3A, %dma_wait3A_99] : memref<128x128xf32, #tpu.memory_space<vmem>> -> memref<125x128xf32, #tpu.memory_space<vmem>>
      %dma_wait3A_101 = arith.constant 0 : i32
      %dma_wait3A_102 = tpu.memref_slice %arg7[%mul3A_90, %dma_wait3A_101] : memref<40x125xi32, #tpu.memory_space<vmem>> -> memref<1x125xi32, #tpu.memory_space<vmem>>
      %dma_wait3A_103 = tpu.memref_squeeze %dma_wait3A_102 : memref<1x125xi32, #tpu.memory_space<vmem>> -> memref<125xi32, #tpu.memory_space<vmem>>
      %dma_wait3A_104 = arith.constant 0 : i32
      %dma_wait3A_105 = arith.constant 0 : i32
      %dma_wait3A_106 = tpu.memref_slice %arg2[%dma_wait3A_104, %dma_wait3A_105] : memref<10000x128xf32, #tpu.memory_space<hbm>> -> memref<10000x128xf32, #tpu.memory_space<hbm>>
      tpu.wait_indirect_dma semaphore(%arg11 : memref<!tpu.dma_semaphore, #tpu.memory_space<semaphore_mem>>) src(%dma_wait3A_106 : memref<10000x128xf32, #tpu.memory_space<hbm>>) dst(%dma_wait3A_100 : memref<125x128xf32, #tpu.memory_space<vmem>>)
      "tpu.region"() ({
        %run_scoped3A = tpu.sem_alloc : memref<!tpu.dma_semaphore, #tpu.memory_space<semaphore_mem>>
        %dma_start3A_118 = arith.constant 0 : i32
        %dma_start3A_119 = arith.constant 0 : i32
        %dma_start3A_120 = tpu.memref_slice %arg9[%dma_start3A_118, %dma_start3A_119] : memref<128x128xf32, #tpu.memory_space<vmem>> -> memref<125x128xf32, #tpu.memory_space<vmem>>
        %dma_start3A_121 = arith.constant 0 : i32
        %dma_start3A_122 = tpu.memref_slice %arg8[%mul3A_90, %dma_start3A_121] : memref<40x125xi32, #tpu.memory_space<vmem>> -> memref<1x125xi32, #tpu.memory_space<vmem>>
        %dma_start3A_123 = tpu.memref_squeeze %dma_start3A_122 : memref<1x125xi32, #tpu.memory_space<vmem>> -> memref<125xi32, #tpu.memory_space<vmem>>
        %dma_start3A_124 = arith.constant 0 : i32
        %dma_start3A_125 = arith.constant 0 : i32
        %dma_start3A_126 = tpu.memref_slice %arg6[%dma_start3A_124, %dma_start3A_125] : memref<10240x128xf32, #tpu.memory_space<vmem_shared>> -> memref<10240x128xf32, #tpu.memory_space<vmem_shared>>
        tpu.enqueue_indirect_dma source(%dma_start3A_120 : memref<125x128xf32, #tpu.memory_space<vmem>>) target(%dma_start3A_126 : memref<10240x128xf32, #tpu.memory_space<vmem_shared>>) offsets(%dma_start3A_123 : memref<125xi32, #tpu.memory_space<vmem>>) semaphore(%run_scoped3A : memref<!tpu.dma_semaphore, #tpu.memory_space<semaphore_mem>>) {add = true}
        %dma_wait3A_127 = arith.constant 0 : i32
        %dma_wait3A_128 = arith.constant 0 : i32
        %dma_wait3A_129 = tpu.memref_slice %arg9[%dma_wait3A_127, %dma_wait3A_128] : memref<128x128xf32, #tpu.memory_space<vmem>> -> memref<125x128xf32, #tpu.memory_space<vmem>>
        %dma_wait3A_130 = arith.constant 0 : i32
        %dma_wait3A_131 = tpu.memref_slice %arg8[%mul3A_90, %dma_wait3A_130] : memref<40x125xi32, #tpu.memory_space<vmem>> -> memref<1x125xi32, #tpu.memory_space<vmem>>
        %dma_wait3A_132 = tpu.memref_squeeze %dma_wait3A_131 : memref<1x125xi32, #tpu.memory_space<vmem>> -> memref<125xi32, #tpu.memory_space<vmem>>
        %dma_wait3A_133 = arith.constant 0 : i32
        %dma_wait3A_134 = arith.constant 0 : i32
        %dma_wait3A_135 = tpu.memref_slice %arg6[%dma_wait3A_133, %dma_wait3A_134] : memref<10240x128xf32, #tpu.memory_space<vmem_shared>> -> memref<10240x128xf32, #tpu.memory_space<vmem_shared>>
        tpu.wait_indirect_dma semaphore(%run_scoped3A : memref<!tpu.dma_semaphore, #tpu.memory_space<semaphore_mem>>) src(%dma_wait3A_129 : memref<125x128xf32, #tpu.memory_space<vmem>>) dst(%dma_wait3A_135 : memref<10240x128xf32, #tpu.memory_space<vmem_shared>>)
        tpu.yield
      }) : () -> ()
      %add3A_107 = arith.constant 2 : i32
      %add3A_108 = arith.addi %mul3A_90, %add3A_107 : i32
      %lt3A = arith.constant 40 : i32
      %lt3A_109 = arith.cmpi slt, %add3A_108, %lt3A : i32
      %convert_element_type3A = arith.extui %lt3A_109 : i1 to i32
      %cond3A = arith.constant 0 : i32
      %cond3A_110 = arith.cmpi ne, %convert_element_type3A, %cond3A : i32
      scf.if %cond3A_110 {
        %add3A_118 = arith.constant 2 : i32
        %add3A_119 = arith.addi %mul3A_90, %add3A_118 : i32
        %dma_start3A_120 = arith.constant 0 : i32
        %dma_start3A_121 = arith.constant 0 : i32
        %dma_start3A_122 = tpu.memref_slice %arg9[%dma_start3A_120, %dma_start3A_121] : memref<128x128xf32, #tpu.memory_space<vmem>> -> memref<125x128xf32, #tpu.memory_space<vmem>>
        %dma_start3A_123 = arith.constant 0 : i32
        %dma_start3A_124 = tpu.memref_slice %arg7[%add3A_119, %dma_start3A_123] : memref<40x125xi32, #tpu.memory_space<vmem>> -> memref<1x125xi32, #tpu.memory_space<vmem>>
        %dma_start3A_125 = tpu.memref_squeeze %dma_start3A_124 : memref<1x125xi32, #tpu.memory_space<vmem>> -> memref<125xi32, #tpu.memory_space<vmem>>
        %dma_start3A_126 = arith.constant 0 : i32
        %dma_start3A_127 = arith.constant 0 : i32
        %dma_start3A_128 = tpu.memref_slice %arg2[%dma_start3A_126, %dma_start3A_127] : memref<10000x128xf32, #tpu.memory_space<hbm>> -> memref<10000x128xf32, #tpu.memory_space<hbm>>
        tpu.enqueue_indirect_dma source(%dma_start3A_128 : memref<10000x128xf32, #tpu.memory_space<hbm>>) target(%dma_start3A_122 : memref<125x128xf32, #tpu.memory_space<vmem>>) offsets(%dma_start3A_125 : memref<125xi32, #tpu.memory_space<vmem>>) semaphore(%arg11 : memref<!tpu.dma_semaphore, #tpu.memory_space<semaphore_mem>>)
      } else {
      }
      %dma_wait3A_111 = arith.constant 0 : i32
      %dma_wait3A_112 = tpu.memref_slice %arg7[%add3A_92, %dma_wait3A_111] : memref<40x125xi32, #tpu.memory_space<vmem>> -> memref<1x125xi32, #tpu.memory_space<vmem>>
      %dma_wait3A_113 = tpu.memref_squeeze %dma_wait3A_112 : memref<1x125xi32, #tpu.memory_space<vmem>> -> memref<125xi32, #tpu.memory_space<vmem>>
      %dma_wait3A_114 = arith.constant 0 : i32
      %dma_wait3A_115 = arith.constant 0 : i32
      %dma_wait3A_116 = tpu.memref_slice %arg2[%dma_wait3A_114, %dma_wait3A_115] : memref<10000x128xf32, #tpu.memory_space<hbm>> -> memref<10000x128xf32, #tpu.memory_space<hbm>>
      tpu.wait_indirect_dma semaphore(%arg12 : memref<!tpu.dma_semaphore, #tpu.memory_space<semaphore_mem>>) src(%dma_wait3A_116 : memref<10000x128xf32, #tpu.memory_space<hbm>>) dst(%arg10 : memref<125x128xf32, #tpu.memory_space<vmem>>)
      "tpu.region"() ({
        %run_scoped3A = tpu.sem_alloc : memref<!tpu.dma_semaphore, #tpu.memory_space<semaphore_mem>>
        %dma_start3A_118 = arith.constant 0 : i32
        %dma_start3A_119 = tpu.memref_slice %arg8[%add3A_92, %dma_start3A_118] : memref<40x125xi32, #tpu.memory_space<vmem>> -> memref<1x125xi32, #tpu.memory_space<vmem>>
        %dma_start3A_120 = tpu.memref_squeeze %dma_start3A_119 : memref<1x125xi32, #tpu.memory_space<vmem>> -> memref<125xi32, #tpu.memory_space<vmem>>
        %dma_start3A_121 = arith.constant 0 : i32
        %dma_start3A_122 = arith.constant 0 : i32
        %dma_start3A_123 = tpu.memref_slice %arg6[%dma_start3A_121, %dma_start3A_122] : memref<10240x128xf32, #tpu.memory_space<vmem_shared>> -> memref<10240x128xf32, #tpu.memory_space<vmem_shared>>
        tpu.enqueue_indirect_dma source(%arg10 : memref<125x128xf32, #tpu.memory_space<vmem>>) target(%dma_start3A_123 : memref<10240x128xf32, #tpu.memory_space<vmem_shared>>) offsets(%dma_start3A_120 : memref<125xi32, #tpu.memory_space<vmem>>) semaphore(%run_scoped3A : memref<!tpu.dma_semaphore, #tpu.memory_space<semaphore_mem>>) {add = true}
        %dma_wait3A_124 = arith.constant 0 : i32
        %dma_wait3A_125 = tpu.memref_slice %arg8[%add3A_92, %dma_wait3A_124] : memref<40x125xi32, #tpu.memory_space<vmem>> -> memref<1x125xi32, #tpu.memory_space<vmem>>
        %dma_wait3A_126 = tpu.memref_squeeze %dma_wait3A_125 : memref<1x125xi32, #tpu.memory_space<vmem>> -> memref<125xi32, #tpu.memory_space<vmem>>
        %dma_wait3A_127 = arith.constant 0 : i32
        %dma_wait3A_128 = arith.constant 0 : i32
        %dma_wait3A_129 = tpu.memref_slice %arg6[%dma_wait3A_127, %dma_wait3A_128] : memref<10240x128xf32, #tpu.memory_space<vmem_shared>> -> memref<10240x128xf32, #tpu.memory_space<vmem_shared>>
        tpu.wait_indirect_dma semaphore(%run_scoped3A : memref<!tpu.dma_semaphore, #tpu.memory_space<semaphore_mem>>) src(%arg10 : memref<125x128xf32, #tpu.memory_space<vmem>>) dst(%dma_wait3A_129 : memref<10240x128xf32, #tpu.memory_space<vmem_shared>>)
        tpu.yield
      }) : () -> ()
      %scan3A_117 = arith.constant 0 : i32
      scf.yield %scan3A_117 : i32
    }
    %scan3A_65 = arith.constant 20 : i32
    %barrier3A_66 = arith.constant 0 : index
    tpu.barrier barrier_id(%barrier3A_66)
    %mul3A_67 = arith.constant 640 : i32
    %mul3A_68 = arith.muli %arg1, %mul3A_67 : i32
    %add3A_69 = arith.constant 0 : i32
    %add3A_70 = arith.addi %mul3A_68, %add3A_69 : i32
    "tpu.region"() ({
      %run_scoped3A = tpu.sem_alloc : memref<!tpu.dma_semaphore, #tpu.memory_space<semaphore_mem>>
      %dma_start3A_87 = arith.constant 0 : i32
      %dma_start3A_88 = tpu.memref_slice %arg5[%arg0, %add3A_70, %dma_start3A_87] : memref<2x10240x128xf32, #tpu.memory_space<hbm>> -> memref<1x128x128xf32, #tpu.memory_space<hbm>>
      %dma_start3A_89 = tpu.memref_squeeze %dma_start3A_88 : memref<1x128x128xf32, #tpu.memory_space<hbm>> -> memref<128x128xf32, #tpu.memory_space<hbm>>
      %dma_start3A_90 = arith.constant 0 : i32
      %dma_start3A_91 = tpu.memref_slice %arg6[%add3A_70, %dma_start3A_90] : memref<10240x128xf32, #tpu.memory_space<vmem_shared>> -> memref<128x128xf32, #tpu.memory_space<vmem_shared>>
      tpu.enqueue_dma source(%dma_start3A_91 : memref<128x128xf32, #tpu.memory_space<vmem_shared>>) target(%dma_start3A_89 : memref<128x128xf32, #tpu.memory_space<hbm>>) target_semaphore(%run_scoped3A : memref<!tpu.dma_semaphore, #tpu.memory_space<semaphore_mem>>)
      %dma_wait3A = arith.constant 0 : i32
      %dma_wait3A_92 = tpu.memref_slice %arg5[%arg0, %add3A_70, %dma_wait3A] : memref<2x10240x128xf32, #tpu.memory_space<hbm>> -> memref<1x128x128xf32, #tpu.memory_space<hbm>>
      %dma_wait3A_93 = tpu.memref_squeeze %dma_wait3A_92 : memref<1x128x128xf32, #tpu.memory_space<hbm>> -> memref<128x128xf32, #tpu.memory_space<hbm>>
      %dma_wait3A_94 = arith.constant 0 : i32
      %dma_wait3A_95 = tpu.memref_slice %arg6[%add3A_70, %dma_wait3A_94] : memref<10240x128xf32, #tpu.memory_space<vmem_shared>> -> memref<128x128xf32, #tpu.memory_space<vmem_shared>>
      tpu.wait_dma2 semaphore(%run_scoped3A : memref<!tpu.dma_semaphore, #tpu.memory_space<semaphore_mem>>) src(%dma_wait3A_95 : memref<128x128xf32, #tpu.memory_space<vmem_shared>>) dst(%dma_wait3A_93 : memref<128x128xf32, #tpu.memory_space<hbm>>)
      tpu.yield
    }) : () -> ()
    %mul3A_71 = arith.constant 640 : i32
    %mul3A_72 = arith.muli %arg1, %mul3A_71 : i32
    %add3A_73 = arith.constant 128 : i32
    %add3A_74 = arith.addi %mul3A_72, %add3A_73 : i32
    "tpu.region"() ({
      %run_scoped3A = tpu.sem_alloc : memref<!tpu.dma_semaphore, #tpu.memory_space<semaphore_mem>>
      %dma_start3A_87 = arith.constant 0 : i32
      %dma_start3A_88 = tpu.memref_slice %arg5[%arg0, %add3A_74, %dma_start3A_87] : memref<2x10240x128xf32, #tpu.memory_space<hbm>> -> memref<1x128x128xf32, #tpu.memory_space<hbm>>
      %dma_start3A_89 = tpu.memref_squeeze %dma_start3A_88 : memref<1x128x128xf32, #tpu.memory_space<hbm>> -> memref<128x128xf32, #tpu.memory_space<hbm>>
      %dma_start3A_90 = arith.constant 0 : i32
      %dma_start3A_91 = tpu.memref_slice %arg6[%add3A_74, %dma_start3A_90] : memref<10240x128xf32, #tpu.memory_space<vmem_shared>> -> memref<128x128xf32, #tpu.memory_space<vmem_shared>>
      tpu.enqueue_dma source(%dma_start3A_91 : memref<128x128xf32, #tpu.memory_space<vmem_shared>>) target(%dma_start3A_89 : memref<128x128xf32, #tpu.memory_space<hbm>>) target_semaphore(%run_scoped3A : memref<!tpu.dma_semaphore, #tpu.memory_space<semaphore_mem>>)
      %dma_wait3A = arith.constant 0 : i32
      %dma_wait3A_92 = tpu.memref_slice %arg5[%arg0, %add3A_74, %dma_wait3A] : memref<2x10240x128xf32, #tpu.memory_space<hbm>> -> memref<1x128x128xf32, #tpu.memory_space<hbm>>
      %dma_wait3A_93 = tpu.memref_squeeze %dma_wait3A_92 : memref<1x128x128xf32, #tpu.memory_space<hbm>> -> memref<128x128xf32, #tpu.memory_space<hbm>>
      %dma_wait3A_94 = arith.constant 0 : i32
      %dma_wait3A_95 = tpu.memref_slice %arg6[%add3A_74, %dma_wait3A_94] : memref<10240x128xf32, #tpu.memory_space<vmem_shared>> -> memref<128x128xf32, #tpu.memory_space<vmem_shared>>
      tpu.wait_dma2 semaphore(%run_scoped3A : memref<!tpu.dma_semaphore, #tpu.memory_space<semaphore_mem>>) src(%dma_wait3A_95 : memref<128x128xf32, #tpu.memory_space<vmem_shared>>) dst(%dma_wait3A_93 : memref<128x128xf32, #tpu.memory_space<hbm>>)
      tpu.yield
    }) : () -> ()
    %mul3A_75 = arith.constant 640 : i32
    %mul3A_76 = arith.muli %arg1, %mul3A_75 : i32
    %add3A_77 = arith.constant 256 : i32
    %add3A_78 = arith.addi %mul3A_76, %add3A_77 : i32
    "tpu.region"() ({
      %run_scoped3A = tpu.sem_alloc : memref<!tpu.dma_semaphore, #tpu.memory_space<semaphore_mem>>
      %dma_start3A_87 = arith.constant 0 : i32
      %dma_start3A_88 = tpu.memref_slice %arg5[%arg0, %add3A_78, %dma_start3A_87] : memref<2x10240x128xf32, #tpu.memory_space<hbm>> -> memref<1x128x128xf32, #tpu.memory_space<hbm>>
      %dma_start3A_89 = tpu.memref_squeeze %dma_start3A_88 : memref<1x128x128xf32, #tpu.memory_space<hbm>> -> memref<128x128xf32, #tpu.memory_space<hbm>>
      %dma_start3A_90 = arith.constant 0 : i32
      %dma_start3A_91 = tpu.memref_slice %arg6[%add3A_78, %dma_start3A_90] : memref<10240x128xf32, #tpu.memory_space<vmem_shared>> -> memref<128x128xf32, #tpu.memory_space<vmem_shared>>
      tpu.enqueue_dma source(%dma_start3A_91 : memref<128x128xf32, #tpu.memory_space<vmem_shared>>) target(%dma_start3A_89 : memref<128x128xf32, #tpu.memory_space<hbm>>) target_semaphore(%run_scoped3A : memref<!tpu.dma_semaphore, #tpu.memory_space<semaphore_mem>>)
      %dma_wait3A = arith.constant 0 : i32
      %dma_wait3A_92 = tpu.memref_slice %arg5[%arg0, %add3A_78, %dma_wait3A] : memref<2x10240x128xf32, #tpu.memory_space<hbm>> -> memref<1x128x128xf32, #tpu.memory_space<hbm>>
      %dma_wait3A_93 = tpu.memref_squeeze %dma_wait3A_92 : memref<1x128x128xf32, #tpu.memory_space<hbm>> -> memref<128x128xf32, #tpu.memory_space<hbm>>
      %dma_wait3A_94 = arith.constant 0 : i32
      %dma_wait3A_95 = tpu.memref_slice %arg6[%add3A_78, %dma_wait3A_94] : memref<10240x128xf32, #tpu.memory_space<vmem_shared>> -> memref<128x128xf32, #tpu.memory_space<vmem_shared>>
      tpu.wait_dma2 semaphore(%run_scoped3A : memref<!tpu.dma_semaphore, #tpu.memory_space<semaphore_mem>>) src(%dma_wait3A_95 : memref<128x128xf32, #tpu.memory_space<vmem_shared>>) dst(%dma_wait3A_93 : memref<128x128xf32, #tpu.memory_space<hbm>>)
      tpu.yield
    }) : () -> ()
    %mul3A_79 = arith.constant 640 : i32
    %mul3A_80 = arith.muli %arg1, %mul3A_79 : i32
    %add3A_81 = arith.constant 384 : i32
    %add3A_82 = arith.addi %mul3A_80, %add3A_81 : i32
    "tpu.region"() ({
      %run_scoped3A = tpu.sem_alloc : memref<!tpu.dma_semaphore, #tpu.memory_space<semaphore_mem>>
      %dma_start3A_87 = arith.constant 0 : i32
      %dma_start3A_88 = tpu.memref_slice %arg5[%arg0, %add3A_82, %dma_start3A_87] : memref<2x10240x128xf32, #tpu.memory_space<hbm>> -> memref<1x128x128xf32, #tpu.memory_space<hbm>>
      %dma_start3A_89 = tpu.memref_squeeze %dma_start3A_88 : memref<1x128x128xf32, #tpu.memory_space<hbm>> -> memref<128x128xf32, #tpu.memory_space<hbm>>
      %dma_start3A_90 = arith.constant 0 : i32
      %dma_start3A_91 = tpu.memref_slice %arg6[%add3A_82, %dma_start3A_90] : memref<10240x128xf32, #tpu.memory_space<vmem_shared>> -> memref<128x128xf32, #tpu.memory_space<vmem_shared>>
      tpu.enqueue_dma source(%dma_start3A_91 : memref<128x128xf32, #tpu.memory_space<vmem_shared>>) target(%dma_start3A_89 : memref<128x128xf32, #tpu.memory_space<hbm>>) target_semaphore(%run_scoped3A : memref<!tpu.dma_semaphore, #tpu.memory_space<semaphore_mem>>)
      %dma_wait3A = arith.constant 0 : i32
      %dma_wait3A_92 = tpu.memref_slice %arg5[%arg0, %add3A_82, %dma_wait3A] : memref<2x10240x128xf32, #tpu.memory_space<hbm>> -> memref<1x128x128xf32, #tpu.memory_space<hbm>>
      %dma_wait3A_93 = tpu.memref_squeeze %dma_wait3A_92 : memref<1x128x128xf32, #tpu.memory_space<hbm>> -> memref<128x128xf32, #tpu.memory_space<hbm>>
      %dma_wait3A_94 = arith.constant 0 : i32
      %dma_wait3A_95 = tpu.memref_slice %arg6[%add3A_82, %dma_wait3A_94] : memref<10240x128xf32, #tpu.memory_space<vmem_shared>> -> memref<128x128xf32, #tpu.memory_space<vmem_shared>>
      tpu.wait_dma2 semaphore(%run_scoped3A : memref<!tpu.dma_semaphore, #tpu.memory_space<semaphore_mem>>) src(%dma_wait3A_95 : memref<128x128xf32, #tpu.memory_space<vmem_shared>>) dst(%dma_wait3A_93 : memref<128x128xf32, #tpu.memory_space<hbm>>)
      tpu.yield
    }) : () -> ()
    %mul3A_83 = arith.constant 640 : i32
    %mul3A_84 = arith.muli %arg1, %mul3A_83 : i32
    %add3A_85 = arith.constant 512 : i32
    %add3A_86 = arith.addi %mul3A_84, %add3A_85 : i32
    "tpu.region"() ({
      %run_scoped3A = tpu.sem_alloc : memref<!tpu.dma_semaphore, #tpu.memory_space<semaphore_mem>>
      %dma_start3A_87 = arith.constant 0 : i32
      %dma_start3A_88 = tpu.memref_slice %arg5[%arg0, %add3A_86, %dma_start3A_87] : memref<2x10240x128xf32, #tpu.memory_space<hbm>> -> memref<1x128x128xf32, #tpu.memory_space<hbm>>
      %dma_start3A_89 = tpu.memref_squeeze %dma_start3A_88 : memref<1x128x128xf32, #tpu.memory_space<hbm>> -> memref<128x128xf32, #tpu.memory_space<hbm>>
      %dma_start3A_90 = arith.constant 0 : i32
      %dma_start3A_91 = tpu.memref_slice %arg6[%add3A_86, %dma_start3A_90] : memref<10240x128xf32, #tpu.memory_space<vmem_shared>> -> memref<128x128xf32, #tpu.memory_space<vmem_shared>>
      tpu.enqueue_dma source(%dma_start3A_91 : memref<128x128xf32, #tpu.memory_space<vmem_shared>>) target(%dma_start3A_89 : memref<128x128xf32, #tpu.memory_space<hbm>>) target_semaphore(%run_scoped3A : memref<!tpu.dma_semaphore, #tpu.memory_space<semaphore_mem>>)
      %dma_wait3A = arith.constant 0 : i32
      %dma_wait3A_92 = tpu.memref_slice %arg5[%arg0, %add3A_86, %dma_wait3A] : memref<2x10240x128xf32, #tpu.memory_space<hbm>> -> memref<1x128x128xf32, #tpu.memory_space<hbm>>
      %dma_wait3A_93 = tpu.memref_squeeze %dma_wait3A_92 : memref<1x128x128xf32, #tpu.memory_space<hbm>> -> memref<128x128xf32, #tpu.memory_space<hbm>>
      %dma_wait3A_94 = arith.constant 0 : i32
      %dma_wait3A_95 = tpu.memref_slice %arg6[%add3A_86, %dma_wait3A_94] : memref<10240x128xf32, #tpu.memory_space<vmem_shared>> -> memref<128x128xf32, #tpu.memory_space<vmem_shared>>
      tpu.wait_dma2 semaphore(%run_scoped3A : memref<!tpu.dma_semaphore, #tpu.memory_space<semaphore_mem>>) src(%dma_wait3A_95 : memref<128x128xf32, #tpu.memory_space<vmem_shared>>) dst(%dma_wait3A_93 : memref<128x128xf32, #tpu.memory_space<hbm>>)
      tpu.yield
    }) : () -> ()
    return
  }
}

module attributes {stable_mosaic.version = 14 : i64} {
  func.func @_mmscale_body(%arg0: i32, %arg1: memref<2x1000x16xf32, #tpu.memory_space<vmem>>, %arg2: memref<1000x128xf32, #tpu.memory_space<vmem>>, %arg3: memref<128x128xf32, #tpu.memory_space<vmem>>, %arg4: memref<1000x128xf32, #tpu.memory_space<vmem>>, %arg5: memref<1000x16xf32, #tpu.memory_space<vmem>>) attributes {dimension_semantics = [#tpu.dimension_semantics<arbitrary>], iteration_bounds = array<i64: 10>, scalar_prefetch = 0 : i64, scratch_operands = 0 : i64, tpu.core_type = #tpu.core_type<tc>, window_params = [{transform_indices = @transform_0, window_bounds = array<i64: 2, 1000, 16>}, {transform_indices = @transform_1, window_bounds = array<i64: 1000, 128>}, {pipeline_mode = #tpu.pipeline_mode<synchronous>, transform_indices = @transform_2, window_bounds = array<i64: 128, 128>}, {transform_indices = @transform_3, window_bounds = array<i64: 1000, 128>}, {transform_indices = @transform_4, window_bounds = array<i64: 1000, 16>}]} {
    %get3A = arith.constant 0 : index
    %get3A_0 = arith.constant 0 : index
    %get3A_1 = arith.constant 0 : index
    %get3A_2 = vector.load %arg1[%get3A, %get3A_0, %get3A_1] : memref<2x1000x16xf32, #tpu.memory_space<vmem>>, vector<1x1000x16xf32>
    %get3A_3 = vector.shape_cast %get3A_2 : vector<1x1000x16xf32> to vector<1000x16xf32>
    %get3A_4 = arith.constant 1 : index
    %get3A_5 = arith.constant 0 : index
    %get3A_6 = arith.constant 0 : index
    %get3A_7 = vector.load %arg1[%get3A_4, %get3A_5, %get3A_6] : memref<2x1000x16xf32, #tpu.memory_space<vmem>>, vector<1x1000x16xf32>
    %get3A_8 = vector.shape_cast %get3A_7 : vector<1x1000x16xf32> to vector<1000x16xf32>
    %add3A = arith.addf %get3A_3, %get3A_8 : vector<1000x16xf32>
    %add3A_9 = arith.constant 1.000000e+00 : f32
    %add3A_10 = vector.broadcast %add3A_9 : f32 to vector<1000x16xf32>
    %add3A_11 = arith.addf %add3A, %add3A_10 : vector<1000x16xf32>
    %rsqrt3A = math.rsqrt %add3A_11 : vector<1000x16xf32>
    %swap3A = arith.constant 0 : index
    %swap3A_12 = arith.constant 0 : index
    %swap3A_13 = vector.load %arg5[%swap3A, %swap3A_12] : memref<1000x16xf32, #tpu.memory_space<vmem>>, vector<1000x16xf32>
    tpu.vector_store %arg5[%swap3A, %swap3A_12], %rsqrt3A {strides = array<i32>} : memref<1000x16xf32, #tpu.memory_space<vmem>>, vector<1000x16xf32>,
    %get3A_14 = arith.constant 0 : index
    %get3A_15 = arith.constant 0 : index
    %get3A_16 = vector.load %arg2[%get3A_14, %get3A_15] : memref<1000x128xf32, #tpu.memory_space<vmem>>, vector<1000x128xf32>
    %get3A_17 = arith.constant 0 : index
    %get3A_18 = arith.constant 0 : index
    %get3A_19 = vector.load %arg3[%get3A_17, %get3A_18] : memref<128x128xf32, #tpu.memory_space<vmem>>, vector<128x128xf32>
    %dot_general3A = arith.constant dense<0.000000e+00> : vector<1000x128xf32>
    %dot_general3A_20 = tpu.matmul %get3A_16, %get3A_19, %dot_general3A {dimension_numbers = #tpu.dot_dimension_numbers<[1], [0], [0], [1], [0, 0, 1, 1], [], []>, precision = #tpu.contract_precision<fp32>, transpose_lhs_hint = false} : vector<1000x128xf32>, vector<128x128xf32>, vector<1000x128xf32> -> vector<1000x128xf32>
    %slice3A = vector.extract_strided_slice %rsqrt3A {offsets = [0, 0], sizes = [1000, 1], strides = [1, 1]} : vector<1000x16xf32> to vector<1000x1xf32>
    %mul3A = vector.broadcast %slice3A : vector<1000x1xf32> to vector<1000x128xf32>
    %mul3A_21 = arith.mulf %dot_general3A_20, %mul3A : vector<1000x128xf32>
    %swap3A_22 = arith.constant 0 : index
    %swap3A_23 = arith.constant 0 : index
    %swap3A_24 = vector.load %arg4[%swap3A_22, %swap3A_23] : memref<1000x128xf32, #tpu.memory_space<vmem>>, vector<1000x128xf32>
    tpu.vector_store %arg4[%swap3A_22, %swap3A_23], %mul3A_21 {strides = array<i32>} : memref<1000x128xf32, #tpu.memory_space<vmem>>, vector<1000x128xf32>,
    return
  }
  func.func @transform_0(%arg0: i32) -> (i32, i32, i32) {
    %c0_i32 = arith.constant 0 : i32
    %c0_i32_0 = arith.constant 0 : i32
    %c0_i32_1 = arith.constant 0 : i32
    return %c0_i32, %arg0, %c0_i32_0 : i32, i32, i32
  }
  func.func @transform_1(%arg0: i32) -> (i32, i32) {
    %c0_i32 = arith.constant 0 : i32
    %c0_i32_0 = arith.constant 0 : i32
    return %arg0, %c0_i32 : i32, i32
  }
  func.func @transform_2(%arg0: i32) -> (i32, i32) {
    %c0_i32 = arith.constant 0 : i32
    %c0_i32_0 = arith.constant 0 : i32
    %c0_i32_1 = arith.constant 0 : i32
    return %c0_i32, %c0_i32_0 : i32, i32
  }
  func.func @transform_3(%arg0: i32) -> (i32, i32) {
    %c0_i32 = arith.constant 0 : i32
    %c0_i32_0 = arith.constant 0 : i32
    return %arg0, %c0_i32 : i32, i32
  }
  func.func @transform_4(%arg0: i32) -> (i32, i32) {
    %c0_i32 = arith.constant 0 : i32
    %c0_i32_0 = arith.constant 0 : i32
    return %arg0, %c0_i32 : i32, i32
  }
}

module attributes {stable_mosaic.version = 14 : i64} {
  func.func @_post1_body(%arg0: i32, %arg1: memref<2x1000x128xf32, #tpu.memory_space<vmem>>, %arg2: memref<1000x128xf32, #tpu.memory_space<vmem>>, %arg3: memref<1000x16xf32, #tpu.memory_space<vmem>>, %arg4: memref<1x128xf32, #tpu.memory_space<vmem>>, %arg5: memref<1000x128xf32, #tpu.memory_space<vmem>>) attributes {dimension_semantics = [#tpu.dimension_semantics<arbitrary>], iteration_bounds = array<i64: 10>, scalar_prefetch = 0 : i64, scratch_operands = 0 : i64, tpu.core_type = #tpu.core_type<tc>, window_params = [{transform_indices = @transform_0, window_bounds = array<i64: 2, 1000, 128>}, {transform_indices = @transform_1, window_bounds = array<i64: 1000, 128>}, {transform_indices = @transform_2, window_bounds = array<i64: 1000, 16>}, {pipeline_mode = #tpu.pipeline_mode<synchronous>, transform_indices = @transform_3, window_bounds = array<i64: 1, 128>}, {transform_indices = @transform_4, window_bounds = array<i64: 1000, 128>}]} {
    %get3A = arith.constant 0 : index
    %get3A_0 = arith.constant 0 : index
    %get3A_1 = vector.load %arg3[%get3A, %get3A_0] : memref<1000x16xf32, #tpu.memory_space<vmem>>, vector<1000x1xf32>
    %get3A_2 = arith.constant 0 : index
    %get3A_3 = arith.constant 0 : index
    %get3A_4 = arith.constant 0 : index
    %get3A_5 = vector.load %arg1[%get3A_2, %get3A_3, %get3A_4] : memref<2x1000x128xf32, #tpu.memory_space<vmem>>, vector<1x1000x128xf32>
    %get3A_6 = vector.shape_cast %get3A_5 : vector<1x1000x128xf32> to vector<1000x128xf32>
    %get3A_7 = arith.constant 1 : index
    %get3A_8 = arith.constant 0 : index
    %get3A_9 = arith.constant 0 : index
    %get3A_10 = vector.load %arg1[%get3A_7, %get3A_8, %get3A_9] : memref<2x1000x128xf32, #tpu.memory_space<vmem>>, vector<1x1000x128xf32>
    %get3A_11 = vector.shape_cast %get3A_10 : vector<1x1000x128xf32> to vector<1000x128xf32>
    %add3A = arith.addf %get3A_6, %get3A_11 : vector<1000x128xf32>
    %get3A_12 = arith.constant 0 : index
    %get3A_13 = arith.constant 0 : index
    %get3A_14 = vector.load %arg2[%get3A_12, %get3A_13] : memref<1000x128xf32, #tpu.memory_space<vmem>>, vector<1000x128xf32>
    %add3A_15 = arith.addf %add3A, %get3A_14 : vector<1000x128xf32>
    %mul3A = vector.broadcast %get3A_1 : vector<1000x1xf32> to vector<1000x128xf32>
    %mul3A_16 = arith.mulf %mul3A, %add3A_15 : vector<1000x128xf32>
    %get3A_17 = arith.constant 0 : index
    %get3A_18 = arith.constant 0 : index
    %get3A_19 = vector.load %arg4[%get3A_17, %get3A_18] : memref<1x128xf32, #tpu.memory_space<vmem>>, vector<1x128xf32>
    %add3A_20 = vector.broadcast %get3A_19 : vector<1x128xf32> to vector<1000x128xf32>
    %add3A_21 = arith.addf %mul3A_16, %add3A_20 : vector<1000x128xf32>
    %max3A = arith.constant 0.000000e+00 : f32
    %max3A_22 = vector.broadcast %max3A : f32 to vector<1000x128xf32>
    %max3A_23 = arith.maximumf %add3A_21, %max3A_22 : vector<1000x128xf32>
    %mul3A_24 = vector.broadcast %get3A_1 : vector<1000x1xf32> to vector<1000x128xf32>
    %mul3A_25 = arith.mulf %mul3A_24, %max3A_23 : vector<1000x128xf32>
    %swap3A = arith.constant 0 : index
    %swap3A_26 = arith.constant 0 : index
    %swap3A_27 = vector.load %arg5[%swap3A, %swap3A_26] : memref<1000x128xf32, #tpu.memory_space<vmem>>, vector<1000x128xf32>
    tpu.vector_store %arg5[%swap3A, %swap3A_26], %mul3A_25 {strides = array<i32>} : memref<1000x128xf32, #tpu.memory_space<vmem>>, vector<1000x128xf32>,
    return
  }
  func.func @transform_0(%arg0: i32) -> (i32, i32, i32) {
    %c0_i32 = arith.constant 0 : i32
    %c0_i32_0 = arith.constant 0 : i32
    %c0_i32_1 = arith.constant 0 : i32
    return %c0_i32, %arg0, %c0_i32_0 : i32, i32, i32
  }
  func.func @transform_1(%arg0: i32) -> (i32, i32) {
    %c0_i32 = arith.constant 0 : i32
    %c0_i32_0 = arith.constant 0 : i32
    return %arg0, %c0_i32 : i32, i32
  }
  func.func @transform_2(%arg0: i32) -> (i32, i32) {
    %c0_i32 = arith.constant 0 : i32
    %c0_i32_0 = arith.constant 0 : i32
    return %arg0, %c0_i32 : i32, i32
  }
  func.func @transform_3(%arg0: i32) -> (i32, i32) {
    %c0_i32 = arith.constant 0 : i32
    %c0_i32_0 = arith.constant 0 : i32
    %c0_i32_1 = arith.constant 0 : i32
    return %c0_i32, %c0_i32_0 : i32, i32
  }
  func.func @transform_4(%arg0: i32) -> (i32, i32) {
    %c0_i32 = arith.constant 0 : i32
    %c0_i32_0 = arith.constant 0 : i32
    return %arg0, %c0_i32 : i32, i32
  }
}

module attributes {stable_mosaic.version = 14 : i64} {
  func.func @_head_body(%arg0: i32, %arg1: memref<2x1000x128xf32, #tpu.memory_space<vmem>>, %arg2: memref<1000x128xf32, #tpu.memory_space<vmem>>, %arg3: memref<1000x16xf32, #tpu.memory_space<vmem>>, %arg4: memref<1x1x1000xi32, #tpu.memory_space<vmem>>, %arg5: memref<128x256xf32, #tpu.memory_space<vmem>>, %arg6: memref<1x256xf32, #tpu.memory_space<vmem>>, %arg7: memref<256x2xf32, #tpu.memory_space<vmem>>, %arg8: memref<1x2xf32, #tpu.memory_space<vmem>>, %arg9: memref<64x2xf32, #tpu.memory_space<vmem>>, %arg10: memref<64x128xf32, #tpu.memory_space<vmem>>, %arg11: memref<64x128xf32, #tpu.memory_space<vmem>>) attributes {dimension_semantics = [#tpu.dimension_semantics<arbitrary>], iteration_bounds = array<i64: 10>, scalar_prefetch = 0 : i64, scratch_operands = 2 : i64, tpu.core_type = #tpu.core_type<tc>, window_params = [{transform_indices = @transform_0, window_bounds = array<i64: 2, 1000, 128>}, {transform_indices = @transform_1, window_bounds = array<i64: 1000, 128>}, {transform_indices = @transform_2, window_bounds = array<i64: 1000, 16>}, {transform_indices = @transform_3, window_bounds = array<i64: 1, 1, 1000>}, {pipeline_mode = #tpu.pipeline_mode<synchronous>, transform_indices = @transform_4, window_bounds = array<i64: 128, 256>}, {pipeline_mode = #tpu.pipeline_mode<synchronous>, transform_indices = @transform_5, window_bounds = array<i64: 1, 256>}, {pipeline_mode = #tpu.pipeline_mode<synchronous>, transform_indices = @transform_6, window_bounds = array<i64: 256, 2>}, {pipeline_mode = #tpu.pipeline_mode<synchronous>, transform_indices = @transform_7, window_bounds = array<i64: 1, 2>}, {pipeline_mode = #tpu.pipeline_mode<synchronous>, transform_indices = @transform_8, window_bounds = array<i64: 64, 2>}]} {
    %eq3A = arith.constant 0 : i32
    %eq3A_0 = arith.cmpi eq, %arg0, %eq3A : i32
    %convert_element_type3A = arith.extui %eq3A_0 : i1 to i32
    %cond3A = arith.constant 0 : i32
    %cond3A_1 = arith.cmpi ne, %convert_element_type3A, %cond3A : i32
    scf.if %cond3A_1 {
      %broadcast_in_dim3A_50 = arith.constant 0.000000e+00 : f32
      %broadcast_in_dim3A_51 = vector.broadcast %broadcast_in_dim3A_50 : f32 to vector<64x128xf32>
      %swap3A_52 = arith.constant 0 : index
      %swap3A_53 = arith.constant 0 : index
      %swap3A_54 = vector.load %arg10[%swap3A_52, %swap3A_53] : memref<64x128xf32, #tpu.memory_space<vmem>>, vector<64x128xf32>
      tpu.vector_store %arg10[%swap3A_52, %swap3A_53], %broadcast_in_dim3A_51 {strides = array<i32>} : memref<64x128xf32, #tpu.memory_space<vmem>>, vector<64x128xf32>,
      %broadcast_in_dim3A_55 = arith.constant 0.000000e+00 : f32
      %broadcast_in_dim3A_56 = vector.broadcast %broadcast_in_dim3A_55 : f32 to vector<64x128xf32>
      %swap3A_57 = arith.constant 0 : index
      %swap3A_58 = arith.constant 0 : index
      %swap3A_59 = vector.load %arg11[%swap3A_57, %swap3A_58] : memref<64x128xf32, #tpu.memory_space<vmem>>, vector<64x128xf32>
      tpu.vector_store %arg11[%swap3A_57, %swap3A_58], %broadcast_in_dim3A_56 {strides = array<i32>} : memref<64x128xf32, #tpu.memory_space<vmem>>, vector<64x128xf32>,
    } else {
    }
    %get3A = arith.constant 0 : index
    %get3A_2 = arith.constant 0 : index
    %get3A_3 = vector.load %arg3[%get3A, %get3A_2] : memref<1000x16xf32, #tpu.memory_space<vmem>>, vector<1000x1xf32>
    %get3A_4 = arith.constant 0 : index
    %get3A_5 = arith.constant 0 : index
    %get3A_6 = arith.constant 0 : index
    %get3A_7 = vector.load %arg1[%get3A_4, %get3A_5, %get3A_6] : memref<2x1000x128xf32, #tpu.memory_space<vmem>>, vector<1x1000x128xf32>
    %get3A_8 = vector.shape_cast %get3A_7 : vector<1x1000x128xf32> to vector<1000x128xf32>
    %get3A_9 = arith.constant 1 : index
    %get3A_10 = arith.constant 0 : index
    %get3A_11 = arith.constant 0 : index
    %get3A_12 = vector.load %arg1[%get3A_9, %get3A_10, %get3A_11] : memref<2x1000x128xf32, #tpu.memory_space<vmem>>, vector<1x1000x128xf32>
    %get3A_13 = vector.shape_cast %get3A_12 : vector<1x1000x128xf32> to vector<1000x128xf32>
    %add3A = arith.addf %get3A_8, %get3A_13 : vector<1000x128xf32>
    %get3A_14 = arith.constant 0 : index
    %get3A_15 = arith.constant 0 : index
    %get3A_16 = vector.load %arg2[%get3A_14, %get3A_15] : memref<1000x128xf32, #tpu.memory_space<vmem>>, vector<1000x128xf32>
    %add3A_17 = arith.addf %add3A, %get3A_16 : vector<1000x128xf32>
    %mul3A = vector.broadcast %get3A_3 : vector<1000x1xf32> to vector<1000x128xf32>
    %mul3A_18 = arith.mulf %mul3A, %add3A_17 : vector<1000x128xf32>
    %get3A_19 = arith.constant 0 : index
    %get3A_20 = arith.constant 0 : index
    %get3A_21 = arith.constant 0 : index
    %get3A_22 = vector.load %arg4[%get3A_19, %get3A_20, %get3A_21] : memref<1x1x1000xi32, #tpu.memory_space<vmem>>, vector<1x1x1000xi32>
    %get3A_23 = vector.shape_cast %get3A_22 : vector<1x1x1000xi32> to vector<1000xi32>
    %iota3A = tpu.iota {dimensions = array<i32: 0>} : vector<64x1000xi32>
    %broadcast_in_dim3A = vector.shape_cast %get3A_23 : vector<1000xi32> to vector<1x1000xi32>
    %eq3A_24 = vector.broadcast %broadcast_in_dim3A : vector<1x1000xi32> to vector<64x1000xi32>
    %eq3A_25 = arith.cmpi eq, %eq3A_24, %iota3A : vector<64x1000xi32>
    %convert_element_type3A_26 = arith.extui %eq3A_25 : vector<64x1000xi1> to vector<64x1000xi32>
    %convert_element_type3A_27 = arith.sitofp %convert_element_type3A_26 : vector<64x1000xi32> to vector<64x1000xf32>
    %get3A_28 = arith.constant 0 : index
    %get3A_29 = arith.constant 0 : index
    %get3A_30 = vector.load %arg10[%get3A_28, %get3A_29] : memref<64x128xf32, #tpu.memory_space<vmem>>, vector<64x128xf32>
    %dot_general3A = arith.constant dense<0.000000e+00> : vector<64x128xf32>
    %dot_general3A_31 = tpu.matmul %convert_element_type3A_27, %mul3A_18, %dot_general3A {dimension_numbers = #tpu.dot_dimension_numbers<[1], [0], [0], [1], [0, 0, 1, 1], [], []>, precision = #tpu.contract_precision<fp32>, transpose_lhs_hint = false} : vector<64x1000xf32>, vector<1000x128xf32>, vector<64x128xf32> -> vector<64x128xf32>
    %add3A_32 = arith.addf %get3A_30, %dot_general3A_31 : vector<64x128xf32>
    %swap3A = arith.constant 0 : index
    %swap3A_33 = arith.constant 0 : index
    %swap3A_34 = vector.load %arg10[%swap3A, %swap3A_33] : memref<64x128xf32, #tpu.memory_space<vmem>>, vector<64x128xf32>
    tpu.vector_store %arg10[%swap3A, %swap3A_33], %add3A_32 {strides = array<i32>} : memref<64x128xf32, #tpu.memory_space<vmem>>, vector<64x128xf32>,
    %get3A_35 = arith.constant 0 : index
    %get3A_36 = arith.constant 0 : index
    %get3A_37 = vector.load %arg11[%get3A_35, %get3A_36] : memref<64x128xf32, #tpu.memory_space<vmem>>, vector<64x128xf32>
    %reduce_sum3A = arith.constant dense<0.000000e+00> : vector<64xf32>
    %reduce_sum3A_38 = vector.multi_reduction <add>, %convert_element_type3A_27, %reduce_sum3A [1] : vector<64x1000xf32> to vector<64xf32>
    %broadcast_in_dim3A_39 = vector.shape_cast %reduce_sum3A_38 : vector<64xf32> to vector<64x1xf32>
    %add3A_40 = vector.broadcast %broadcast_in_dim3A_39 : vector<64x1xf32> to vector<64x128xf32>
    %add3A_41 = arith.addf %get3A_37, %add3A_40 : vector<64x128xf32>
    %swap3A_42 = arith.constant 0 : index
    %swap3A_43 = arith.constant 0 : index
    %swap3A_44 = vector.load %arg11[%swap3A_42, %swap3A_43] : memref<64x128xf32, #tpu.memory_space<vmem>>, vector<64x128xf32>
    tpu.vector_store %arg11[%swap3A_42, %swap3A_43], %add3A_41 {strides = array<i32>} : memref<64x128xf32, #tpu.memory_space<vmem>>, vector<64x128xf32>,
    %eq3A_45 = arith.constant 9 : i32
    %eq3A_46 = arith.cmpi eq, %arg0, %eq3A_45 : i32
    %convert_element_type3A_47 = arith.extui %eq3A_46 : i1 to i32
    %cond3A_48 = arith.constant 0 : i32
    %cond3A_49 = arith.cmpi ne, %convert_element_type3A_47, %cond3A_48 : i32
    scf.if %cond3A_49 {
      %get3A_50 = arith.constant 0 : index
      %get3A_51 = arith.constant 0 : index
      %get3A_52 = vector.load %arg11[%get3A_50, %get3A_51] : memref<64x128xf32, #tpu.memory_space<vmem>>, vector<64x1xf32>
      %get3A_53 = arith.constant 0 : index
      %get3A_54 = arith.constant 0 : index
      %get3A_55 = vector.load %arg10[%get3A_53, %get3A_54] : memref<64x128xf32, #tpu.memory_space<vmem>>, vector<64x128xf32>
      %get3A_56 = arith.constant 0 : index
      %get3A_57 = arith.constant 0 : index
      %get3A_58 = vector.load %arg5[%get3A_56, %get3A_57] : memref<128x256xf32, #tpu.memory_space<vmem>>, vector<128x256xf32>
      %dot_general3A_59 = arith.constant dense<0.000000e+00> : vector<64x256xf32>
      %dot_general3A_60 = tpu.matmul %get3A_55, %get3A_58, %dot_general3A_59 {dimension_numbers = #tpu.dot_dimension_numbers<[1], [0], [0], [1], [0, 0, 1, 1], [], []>, precision = #tpu.contract_precision<fp32>, transpose_lhs_hint = false} : vector<64x128xf32>, vector<128x256xf32>, vector<64x256xf32> -> vector<64x256xf32>
      %get3A_61 = arith.constant 0 : index
      %get3A_62 = arith.constant 0 : index
      %get3A_63 = vector.load %arg6[%get3A_61, %get3A_62] : memref<1x256xf32, #tpu.memory_space<vmem>>, vector<1x256xf32>
      %mul3A_64 = vector.broadcast %get3A_52 : vector<64x1xf32> to vector<64x256xf32>
      %mul3A_65 = vector.broadcast %get3A_63 : vector<1x256xf32> to vector<64x256xf32>
      %mul3A_66 = arith.mulf %mul3A_64, %mul3A_65 : vector<64x256xf32>
      %add3A_67 = arith.addf %dot_general3A_60, %mul3A_66 : vector<64x256xf32>
      %max3A = arith.constant 1.000000e+00 : f32
      %max3A_68 = vector.broadcast %max3A : f32 to vector<64x1xf32>
      %max3A_69 = arith.maximumf %get3A_52, %max3A_68 : vector<64x1xf32>
      %div3A = vector.broadcast %max3A_69 : vector<64x1xf32> to vector<64x256xf32>
      %div3A_70 = arith.divf %add3A_67, %div3A : vector<64x256xf32>
      %mul3A_71 = arith.mulf %div3A_70, %div3A_70 : vector<64x256xf32>
      %reduce_sum3A_72 = arith.constant dense<0.000000e+00> : vector<64xf32>
      %reduce_sum3A_73 = vector.multi_reduction <add>, %mul3A_71, %reduce_sum3A_72 [1] : vector<64x256xf32> to vector<64xf32>
      %broadcast_in_dim3A_74 = vector.shape_cast %reduce_sum3A_73 : vector<64xf32> to vector<64x1xf32>
      %sqrt3A = math.sqrt %broadcast_in_dim3A_74 : vector<64x1xf32>
      %max3A_75 = arith.constant 9.99999996E-13 : f32
      %max3A_76 = vector.broadcast %max3A_75 : f32 to vector<64x1xf32>
      %max3A_77 = arith.maximumf %sqrt3A, %max3A_76 : vector<64x1xf32>
      %div3A_78 = vector.broadcast %max3A_77 : vector<64x1xf32> to vector<64x256xf32>
      %div3A_79 = arith.divf %div3A_70, %div3A_78 : vector<64x256xf32>
      %get3A_80 = arith.constant 0 : index
      %get3A_81 = arith.constant 0 : index
      %get3A_82 = vector.load %arg7[%get3A_80, %get3A_81] : memref<256x2xf32, #tpu.memory_space<vmem>>, vector<256x2xf32>
      %dot_general3A_83 = arith.constant dense<0.000000e+00> : vector<64x2xf32>
      %dot_general3A_84 = tpu.matmul %div3A_79, %get3A_82, %dot_general3A_83 {dimension_numbers = #tpu.dot_dimension_numbers<[1], [0], [0], [1], [0, 0, 1, 1], [], []>, precision = #tpu.contract_precision<fp32>, transpose_lhs_hint = false} : vector<64x256xf32>, vector<256x2xf32>, vector<64x2xf32> -> vector<64x2xf32>
      %get3A_85 = arith.constant 0 : index
      %get3A_86 = arith.constant 0 : index
      %get3A_87 = vector.load %arg8[%get3A_85, %get3A_86] : memref<1x2xf32, #tpu.memory_space<vmem>>, vector<1x2xf32>
      %add3A_88 = vector.broadcast %get3A_87 : vector<1x2xf32> to vector<64x2xf32>
      %add3A_89 = arith.addf %dot_general3A_84, %add3A_88 : vector<64x2xf32>
      %swap3A_90 = arith.constant 0 : index
      %swap3A_91 = arith.constant 0 : index
      %swap3A_92 = vector.load %arg9[%swap3A_90, %swap3A_91] : memref<64x2xf32, #tpu.memory_space<vmem>>, vector<64x2xf32>
      tpu.vector_store %arg9[%swap3A_90, %swap3A_91], %add3A_89 {strides = array<i32>} : memref<64x2xf32, #tpu.memory_space<vmem>>, vector<64x2xf32>,
    } else {
    }
    return
  }
  func.func @transform_0(%arg0: i32) -> (i32, i32, i32) {
    %c0_i32 = arith.constant 0 : i32
    %c0_i32_0 = arith.constant 0 : i32
    %c0_i32_1 = arith.constant 0 : i32
    return %c0_i32, %arg0, %c0_i32_0 : i32, i32, i32
  }
  func.func @transform_1(%arg0: i32) -> (i32, i32) {
    %c0_i32 = arith.constant 0 : i32
    %c0_i32_0 = arith.constant 0 : i32
    return %arg0, %c0_i32 : i32, i32
  }
  func.func @transform_2(%arg0: i32) -> (i32, i32) {
    %c0_i32 = arith.constant 0 : i32
    %c0_i32_0 = arith.constant 0 : i32
    return %arg0, %c0_i32 : i32, i32
  }
  func.func @transform_3(%arg0: i32) -> (i32, i32, i32) {
    %c0_i32 = arith.constant 0 : i32
    %c0_i32_0 = arith.constant 0 : i32
    %c0_i32_1 = arith.constant 0 : i32
    return %arg0, %c0_i32, %c0_i32_0 : i32, i32, i32
  }
  func.func @transform_4(%arg0: i32) -> (i32, i32) {
    %c0_i32 = arith.constant 0 : i32
    %c0_i32_0 = arith.constant 0 : i32
    %c0_i32_1 = arith.constant 0 : i32
    return %c0_i32, %c0_i32_0 : i32, i32
  }
  func.func @transform_5(%arg0: i32) -> (i32, i32) {
    %c0_i32 = arith.constant 0 : i32
    %c0_i32_0 = arith.constant 0 : i32
    %c0_i32_1 = arith.constant 0 : i32
    return %c0_i32, %c0_i32_0 : i32, i32
  }
  func.func @transform_6(%arg0: i32) -> (i32, i32) {
    %c0_i32 = arith.constant 0 : i32
    %c0_i32_0 = arith.constant 0 : i32
    %c0_i32_1 = arith.constant 0 : i32
    return %c0_i32, %c0_i32_0 : i32, i32
  }
  func.func @transform_7(%arg0: i32) -> (i32, i32) {
    %c0_i32 = arith.constant 0 : i32
    %c0_i32_0 = arith.constant 0 : i32
    %c0_i32_1 = arith.constant 0 : i32
    return %c0_i32, %c0_i32_0 : i32, i32
  }
  func.func @transform_8(%arg0: i32) -> (i32, i32) {
    %c0_i32 = arith.constant 0 : i32
    %c0_i32_0 = arith.constant 0 : i32
    %c0_i32_1 = arith.constant 0 : i32
    return %c0_i32, %c0_i32_0 : i32, i32
  }
}

</mosaic_0001>

<sc_bundles>
// kernel: kernel.11.cloned.1.call-start
scs
__scs_entry_jumppad:
0x0: {  	(pc) =	sbr.rel $0x88, $3  }
0x1: {  	(tag) =	ssettag $0x0;
	lr =	simm.s32 $0x1  }
0x2: {  	[smem:$0x3F98] =	sst lr;
	_ =	strace $0xD0000000  }
0x3: {  	_ = 	snop  }
0x4: {  	_ = 	snop  }
0x5: {  	_ = 	snop  }
0x6: {  	_ = 	snop  }
0x7: {  	_ = 	snop  }
__scs_overlays_trampoline_lowered:
0x8: {  	[smem:$0x3FA7] =	sst s0  }
0x9: {  	[smem:$0x3FA8] =	sst s1  }
0xa: {  	[smem:$0x3FA9] =	sst s2  }
0xb: {  	[smem:$0x3FAA] =	sst s3  }
0xc: {  	[smem:$0x3FAB] =	sst s4  }
0xd: {  	[smem:$0x3FAC] =	sst s5  }
0xe: {  	[smem:$0x3FAD] =	sst s6  }
0xf: {  	[smem:$0x3FAE] =	sst s7  }
0x10: {  	[smem:$0x3FAF] =	sst s8  }
0x11: {  	[smem:$0x3FB0] =	sst s9;
	s0 =	simm.s32 @!p0 $0x0  }
0x12: {  	s1 =	sld [smem:$0x3F96];
	s0 =	simm.s32 @p0 $0x1  }
0x13: {  	[smem:$0x3FB1] =	sst s0;
	s0 =	simm.s32 @!p1 $0x0  }
0x14: {  	s2 =	sld [smem:$0x3F95];
	s0 =	simm.s32 @p1 $0x1  }
0x15: {  	[smem:$0x3FB2] =	sst s0;
	s0 =	simm.s32 @!p2 $0x0  }
0x16: {  	s3 =	sld [smem:$0x3FDB];
	s0 =	simm.s32 @p2 $0x1  }
0x17: {  	s4 =	simm.s32 $0x1BF5;
	[smem:$0x3FB4] =	sst s0  }
0x18: {  	s0 =	sld [smem:$0x3F97];
	_ =	swait.ge [sflag:s4], $0x0  }
0x19: {  	s7 =	sld [smem:$0x3F98]  }
0x1a: {  	s8 =	sadd.s32 $0xFFFFE003, lr  }
0x1b: {  	s9 =	sadd.s32 $0xFFFFFEF7, lr;
	s5 =	simm.s32 $0xFFFFFFFF;
	p2 =	slt.u32 s8, $0xFFFFF086  }
0x1c: {  	p1 =	slt.u32 s9, $0xF7A;
	s5 =	simm.s32 @!p2 $0x0  }
0x1d: {  	s5 =	simm.s32 @p1 $0x1;
	p0 =	seq.s32 s7, s2  }
0x1e: {  	s7 =	smul.u32 @!p0 $0xF7A, s2;
	p2 =	seq.s32 @!p0 s5, $0x0  }
0x1f: {  	s9 =	smul.u32 $0xF7A, s1;
	s8 =	simm.s32 @!p0 $0x1BF5;
	p2 =	por !p2, p0  }
0x20: {  	[sflag:s8] =	ssyncset.s32 @!p0 $0xFFFFF086;
	s6 =	sadd.s32 @!p0 s3, s7;
	s7 =	simm.s32 @!p0 $0x108  }
0x21: {  	s3 =	sadd.s32 s3, s9;
	s6 =	sadd.s32 @!p0 $0x88, s6;
	s7 =	simm.s32 @p2 $0x1082  }
0x22: {  	[simem:s7], [sflag:s8] =	dma.local @!p0 [hbm:s6], $0xF7A  }
0x23: {  	s9 =	sor.u32 $0xD0000000, s2;
	s6 =	simm.s32 $0x108;
	_ =	swait.ge @!p0 [sflag:s8], $0x0  }
0x24: {  	s3 =	sadd.s32 $0x88, s3;
	s6 =	simm.s32 @!p1 $0x1082;
	[sflag:s4] =	ssyncset.s32 $0xFFFFF086  }
0x25: {  	[simem:s6], [sflag:s4] =	dma.local [hbm:s3], $0xF7A  }
0x26: {  	[smem:$0x3F98] =	sst s1;
	(tag) =	ssettag s2;
	_ =	strace s9  }
0x27: {  	s1 =	sld [smem:$0x3FA8]  }
0x28: {  	s2 =	sld [smem:$0x3FA9]  }
0x29: {  	s4 =	sld [smem:$0x3FAB]  }
0x2a: {  	p0 =	seq.s32 s5, $0x0;
	s5 =	sld [smem:$0x3FAC]  }
0x2b: {  	s6 =	sld [smem:$0x3FAD]  }
0x2c: {  	s7 =	sld [smem:$0x3FAE]  }
0x2d: {  	s3 =	simm.s32 $0x108;
	s8 =	sld [smem:$0x3FAF]  }
0x2e: {  	s3 =	simm.s32 @!p0 $0x1082;
	s9 =	sld [smem:$0x3FB0]  }
0x2f: {  	lr =	sadd.s32 s0, s3;
	s0 =	sld [smem:$0x3FA7]  }
0x30: {  	s3 =	sld [smem:$0x3FAA]  }
0x31: {  	[smem:$0x3FB3] =	sst s10  }
0x32: {  	s10 =	sld [smem:$0x3FB1];
	_ =	sdelay $0x3  }
0x33: {  	p0 =	seq.s32 s10, $0x1;
	s10 =	sld [smem:$0x3FB3];
	_ =	sdelay $0x3  }
0x34: {  	[smem:$0x3FB3] =	sst s10  }
0x35: {  	s10 =	sld [smem:$0x3FB2];
	_ =	sdelay $0x3  }
0x36: {  	p1 =	seq.s32 s10, $0x1;
	s10 =	sld [smem:$0x3FB3];
	_ =	sdelay $0x3  }
0x37: {  	[smem:$0x3FB3] =	sst s10  }
0x38: {  	s10 =	sld [smem:$0x3FB4]  }
0x39: {  	_ = 	snop;
	(pc) =	sbr.ind lr, $3  }
0x3a: {  	_ = 	snop  }
0x3b: {  	_ = 	snop  }
0x3c: {  	p2 =	seq.s32 s10, $0x1;
	s10 =	sld [smem:$0x3FB3]  }
0x3d: {  	_ =	shalt  }
0x3e: {  	_ =	shalt  }
0x3f: {  	_ =	shalt  }
0x40: {  	_ =	shalt  }
0x41: {  	_ =	shalt  }
0x42: {  	_ =	shalt  }
0x43: {  	_ =	shalt  }
0x44: {  	_ =	shalt  }
0x45: {  	_ =	shalt  }
0x46: {  	_ =	shalt  }
0x47: {  	_ =	shalt  }
0x48: {  	_ =	shalt  }
0x49: {  	_ =	shalt  }
0x4a: {  	_ =	shalt  }
0x4b: {  	_ =	shalt  }
0x4c: {  	_ =	shalt  }
0x4d: {  	_ =	shalt  }
0x4e: {  	_ =	shalt  }
0x4f: {  	_ =	shalt  }
0x50: {  	_ =	shalt  }
0x51: {  	_ =	shalt  }
0x52: {  	_ =	shalt  }
0x53: {  	_ =	shalt  }
0x54: {  	_ =	shalt  }
0x55: {  	_ =	shalt  }
0x56: {  	_ =	shalt  }
0x57: {  	_ =	shalt  }
0x58: {  	_ =	shalt  }
0x59: {  	_ =	shalt  }
0x5a: {  	_ =	shalt  }
0x5b: {  	_ =	shalt  }
0x5c: {  	_ =	shalt  }
0x5d: {  	_ =	shalt  }
0x5e: {  	_ =	shalt  }
0x5f: {  	_ =	shalt  }
0x60: {  	_ =	shalt  }
0x61: {  	_ =	shalt  }
0x62: {  	_ =	shalt  }
0x63: {  	_ =	shalt  }
0x64: {  	_ =	shalt  }
0x65: {  	_ =	shalt  }
0x66: {  	_ =	shalt  }
0x67: {  	_ =	shalt  }
0x68: {  	_ =	shalt  }
0x69: {  	_ =	shalt  }
0x6a: {  	_ =	shalt  }
0x6b: {  	_ =	shalt  }
0x6c: {  	_ =	shalt  }
0x6d: {  	_ =	shalt  }
0x6e: {  	_ =	shalt  }
0x6f: {  	_ =	shalt  }
0x70: {  	_ =	shalt  }
0x71: {  	_ =	shalt  }
0x72: {  	_ =	shalt  }
0x73: {  	_ =	shalt  }
0x74: {  	_ =	shalt  }
0x75: {  	_ =	shalt  }
0x76: {  	_ =	shalt  }
0x77: {  	_ =	shalt  }
0x78: {  	_ =	shalt  }
0x79: {  	_ =	shalt  }
0x7a: {  	_ =	shalt  }
0x7b: {  	_ =	shalt  }
0x7c: {  	_ =	shalt  }
0x7d: {  	_ =	shalt  }
0x7e: {  	_ =	shalt  }
0x7f: {  	_ =	shalt  }
0x80: {  	_ =	shalt  }
0x81: {  	_ =	shalt  }
0x82: {  	_ =	shalt  }
0x83: {  	_ =	shalt  }
0x84: {  	_ =	shalt  }
0x85: {  	_ =	shalt  }
0x86: {  	_ =	shalt  }
0x87: {  	_ =	shalt  }
.Lfunc_end0:
.L_simem_size_0:
called_computation.1_lowered:
.L_overlay_start_0:
0x88: {  	s2 =	sld [smem:$0x3FD9]  }
0x89: {  	s3 =	sld [smem:$0x3FFE];
	_ =	sdelay $0x1  }
0x8a: {  	s1 =	srdreg.scid  }
0x8b: {  	s0 =	sand.u32 $0x1, s1  }
0x8c: {  	s16 =	sshll.u32 s0, $0xA;
	s2 =	sadd.s32 s3, s2  }
0x8d: {  	s2 =	sadd.s32 s2, s16  }
0x8e: {  	[smem:$0x3FBF] =	sst s2  }
0x8f: {  	_ = 	snop  }
0x90: {  	(tm) =	ssettm $0x1  }
0x91: {  	s17 =	sld [smem:$0x3FFB];
	_ =	sdelay $0x3  }
0x92: {  	_ =	strace s17  }
0x93: {  	s2 =	sld [smem:$0x3FFC];
	_ =	sdelay $0x3  }
0x94: {  	_ =	strace s2  }
0x95: {  	s2 =	sld [smem:$0x3FFD];
	_ =	sdelay $0x3  }
0x96: {  	_ =	strace s2  }
0x97: {  	_ =	strace $0x8FFFFFFF  }
0x98: {  	s18 =	sld [smem:$0x3FDB];
	_ =	sdelay $0x1  }
0x99: {  	s19 =	simm.s32 $_scs_section_size  }
0x9a: {  	s4 =	simm.s32 $_size__tile_overlayer_lowered;
	s5 =	simm.s32 $_tile_overlayer_lowered  }
0x9b: {  	s22 =	simm.s32 $0x1BFF;
	s21 =	sshll.u32 s5, $0x1;
	s2 =	sadd.s32 s19, s18  }
0x9c: {  	s6 =	simm.s32 $0x0;
	s20 =	sshll.u32 s4, $0x1;
	s4 =	sadd.s32 s21, s2  }
0x9d: {  	[timem:s6], [sflag:s22] =	dma.local [hbm:s4], s20  }
0x9e: {  	_ =	swait.ge [sflag:s22], s20  }
0x9f: {  	s3 =	ssub.s32 $0x0, s20;
	[sflag:s22] =	ssyncset.done $0x0  }
0xa0: {  	[sflag:s22] =	ssyncadd.s32 s3;
	_ =	sdelay $0x1  }
0xa1: {  	s23 =	simm.s32 $0x1B8B  }
0xa2: {  	_ =	swait.ge [sflag:s23], $0x1  }
0xa3: {  	[sflag:s23] =	ssyncset.done $0x0  }
0xa4: {  	s25 =	simm.s32 $0x1B8E;
	s24 =	sld [smem:$0x3FFE];
	[sflag:s23] =	ssyncadd.s32 $0xFFFFFFFF  }
0xa5: {  	s26 =	simm.s32 $execute0_lowered;
	[smem:$0x3FD2] =	sst s25  }
0xa6: {  	s4 =	sshll.u32 s26, $0x1;
	_ =	strace $0x80000049;
	[dreg:$0x1] =	wrdreg $0xFFFFFFFF  }
0xa7: {  	s28 =	simm.s32 $_size_execute0_lowered;
	s2 =	sadd.s32 s2, s4;
	[dreg:$0x0] =	wrdreg $0x0  }
0xa8: {  	s4 =	sshll.u32 s28, $0x1;
	[dreg:$0x2] =	wrdreg s2  }
0xa9: {  	[dreg:$0x3] =	wrdreg s4  }
0xaa: {  	[dreg:$0x4] =	wrdreg $0xC0  }
0xab: {  	_ =	task [dreg:s6], $0x5FFFF  }
0xac: {  	[dreg:$0x1] =	wrdreg $0xFFFFFFFF  }
0xad: {  	[dreg:$0x0] =	wrdreg $0x60  }
0xae: {  	[dreg:$0x2] =	wrdreg s24  }
0xaf: {  	[dreg:$0x3] =	wrdreg $0x0  }
0xb0: {  	[dreg:$0x4] =	wrdreg $0x9  }
0xb1: {  	_ =	task.clear_ibuf [dreg:s6], $0x5FFFF;
	_ =	strace $0x90000049  }
0xb2: {  	s29 =	simm.s32 $0x9;
	_ =	strace $0x8000004B  }
0xb3: {  	_ =	swait.ge [sflag:s29], $0x1  }
0xb4: {  	[sflag:s29] =	ssyncadd.s32 $0xFFFFFFFF  }
0xb5: {  	_ =	strace $0x9000004B  }
0xb6: {  	_ =	sfence  }
0xb7: {  	s30 =	sld [smem:$0x0];
	_ =	sdelay $0x2  }
0xb8: {  	s31 =	sshll.u32 s1, $0xD;
	s1 =	sshrl.u32 s1, $0x2  }
0xb9: {  	s3 =	sand.u32 $0x4000, s31;
	s1 =	sadd.s32 s1, s30  }
0xba: {  	s0 =	sor.u32 s3, s0;
	s1 =	sshll.u32 s1, $0x11  }
0xbb: {  	s0 =	sor.u32 s1, s0  }
0xbc: {  	s0 =	sadd.s32 $0x8F2B, s0  }
0xbd: {  	[sflag:s0] =	ssyncadd.remote.s32 $0x1  }
0xbe: {  	_ =	sfence.sel $0xFFFF  }
0xbf: {  	[dreg:$0x0] =	wrdreg $0xFFFFFFFF;
	(pc) =	sbr.abs _section_cstart, $3  }
0xc0: {  	[dreg:$0x1] =	wrdreg $0xFFFFFFFF  }
0xc1: {  	_ =	task.clear_ibuf [dreg:s6], $0x2FFFF;
	_ =	strace $0x9FFFFFFF  }
0xc2: {  	(tm) =	ssettm $0x7FFFFFFF  }
0xc3: {  	_ =	shalt  }
tec
execute0_lowered:
.L_overlay_start_1:
0x0: {  	(tag) =	ssettag $0x1  }
0x1: {  	s0 =	rddreg [dreg:$0x0]  }
0x2: {  	s1 =	rddreg [dreg:$0x1];
	s2 =	simm.s32 $0x0  }
0x3: {  	s16 =	srdreg.scid;
	s8 =	stileid.u32;
	s28 =	simm.s32 $0x2  }
0x4: {  	s29 =	simm.s32 $0x15380;
	s30 =	simm.s32 $0x16700;
	s31 =	simm.s32 $0x16780  }
0x5: {  	[smem:$0x7FF] =	sst s2;
	s4 =	sadd.s32 $0x2AE00, s0;
	s2 =	sand.u32 $0x1, s16  }
0x6: {  	s3 =	sadd.s32 $0x20E00, s0;
	s6 =	smul.u32 $0x50000, s8;
	s10 =	sadd.s32 $0x2E00, s0  }
0x7: {  	s13 =	smul.u32 $0x14000, s8;
	s0 =	sadd.s32 $0x52000, s0;
	_ =	strace $0x8000004A  }
0x8: {  	s5 =	ssub.s32 $0x2, s2;
	s17 =	sshll.u32 s2, $0x4;
	s2 =	smul.u32 $0x140000, s2  }
0x9: {  	s7 =	sshrl.u32 s5, $0x1;
	s9 =	sor.u32 s8, s17;
	s18 =	sshrl.u32 s6, $0x2  }
0xa: {  	s14 =	sadd.s32 $0x4000, s13;
	s16 =	sadd.s32 $0x8000, s13;
	s17 =	sadd.s32 $0xC000, s13  }
0xb: {  	s19 =	ssub.s32 s5, s7;
	s5 =	sadd.s32 s18, s1;
	s6 =	sadd.s32 s14, s1  }
0xc: {  	s7 =	sadd.s32 s16, s1;
	s11 =	smul.u32 $0x2800, s9;
	s8 =	sadd.s32 s17, s1  }
0xd: {  	s18 =	sadd.s32 $0x10000, s13;
	s12 =	smul.u32 $0x500, s9;
	s22 =	sadd.s32 s13, s2  }
0xe: {  	s14 =	sadd.s32 s2, s14;
	s24 =	sadd.s32 s2, s16;
	s25 =	sadd.s32 s2, s17  }
0xf: {  	s9 =	sadd.s32 s18, s1;
	s23 =	sshrl.u32 s14, $0x3;
	s2 =	sadd.s32 s2, s18  }
0x10: {  	s26 =	sshrl.u32 s25, $0x3;
	s19 =	smax.u32 s19, $0x1;
	s25 =	simm.s32 $0x1A800  }
0x11: {  	s15 =	sshrl.u32 s11, $0x3;
	s20 =	sadd.s32 s3, s12;
	s21 =	sadd.s32 s10, s12  }
0x12: {  	s2 =	sshrl.u32 s2, $0x3;
	s17 =	sadd.s32 s0, s26;
	[dreg:$0x3] =	wrdreg s20  }
0x13: {  	s26 =	simm.s32 $0x1;
	[dreg:$0x4] =	wrdreg s21;
	s15 =	sadd.s32 $0x280, s15  }
0x14: {  	s18 =	sadd.s32 s0, s2;
	s20 =	simm.s32 $0x16800;
	s21 =	simm.s32 $0x3  }
0x15: {  	s3 =	sadd.s32 s3, s15;
	s13 =	sadd.s32 s10, s15;
	s15 =	sadd.s32 s0, s23  }
0x16: {  	s23 =	simm.s32 $0x15400;
	[dreg:$0x5] =	wrdreg s3;
	s3 =	sshrl.u32 s22, $0x3  }
0x17: {  	s22 =	simm.s32 $0x14000;
	s14 =	sadd.s32 s0, s3;
	s3 =	sshrl.u32 s24, $0x3  }
0x18: {  	v0 =	vimm.f32 $0.0e+00;
	s24 =	simm.s32 $0x7D;
	s16 =	sadd.s32 s0, s3;
	s0 =	simm.s32 $0x0  }
.LBB2_1:
0x19: {  	s3 =	simm.s32 $0x0  }
0x1a: {  	s2 =	sand.u32 $0xFE00, s3  }
0x1b: {  	s10 =	sand.u32 $0x70, s3;
	s2 =	sshrl.u32 s2, $0x2  }
0x1c: {  	s3 =	simm.s32 $0x40;
	s10 =	sor.u32 s10, s2;
	s2 =	simm.s32 $0x0  }
.LBB2_2:
0x1d: {  	p0 =	sne.s32 s3, $0xFFC0  }
0x1e: {  	[tilespmem:s10+$0x16800] =	vst v0;
	s2 =	sadd.s32 $0x10, s2;
	s10 =	smov.u32 s3;
	s3 =	sadd.s32 $0x40, s3  }
.Ltmp0:
0x1f: {  	(pc) =	sbr.rel @p0 .LBB2_2-.Ltmp0, $4  }
0x20: {  	_ = 	snop  }
0x21: {  	s10 =	sand.u32 $0xFE00, s10  }
0x22: {  	s11 =	sand.u32 $0x70, s2;
	s10 =	sshrl.u32 s10, $0x2  }
0x23: {  	s10 =	sor.u32 s11, s10  }
0x24: {  	[tilespmem:s10+$0x16800] =	vst v0  }
0x25: {  	[spmem:s5] =	stream.linear.scatter [tilespmem:s20], [sflag:$0x3], $0x4000, $0x38;
	[tilespmem:$0x1E800] =	vst v63  }
0x26: {  	_ =	swait.ge [sflag:s21], $0x4000  }
0x27: {  	[sflag:s21] =	ssyncset.done $0x0  }
0x28: {  	[sflag:s21] =	ssyncadd.s32 $0xFFFFC000  }
0x29: {  	[spmem:s6] =	stream.linear.scatter [tilespmem:s20], [sflag:$0x3], $0x4000, $0x38;
	[tilespmem:$0x1E800] =	vst v63  }
0x2a: {  	_ =	swait.ge [sflag:s21], $0x4000  }
0x2b: {  	[sflag:s21] =	ssyncset.done $0x0  }
0x2c: {  	[sflag:s21] =	ssyncadd.s32 $0xFFFFC000  }
0x2d: {  	[spmem:s7] =	stream.linear.scatter [tilespmem:s20], [sflag:$0x3], $0x4000, $0x38;
	[tilespmem:$0x1E800] =	vst v63  }
0x2e: {  	_ =	swait.ge [sflag:s21], $0x4000  }
0x2f: {  	[sflag:s21] =	ssyncset.done $0x0  }
0x30: {  	[sflag:s21] =	ssyncadd.s32 $0xFFFFC000  }
0x31: {  	[spmem:s8] =	stream.linear.scatter [tilespmem:s20], [sflag:$0x3], $0x4000, $0x38;
	[tilespmem:$0x1E800] =	vst v63  }
0x32: {  	_ =	swait.ge [sflag:s21], $0x4000  }
0x33: {  	[sflag:s21] =	ssyncset.done $0x0  }
0x34: {  	[sflag:s21] =	ssyncadd.s32 $0xFFFFC000  }
0x35: {  	[spmem:s9] =	stream.linear.scatter [tilespmem:s20], [sflag:$0x3], $0x4000, $0x38;
	[tilespmem:$0x1E800] =	vst v63  }
0x36: {  	_ =	swait.ge [sflag:s21], $0x4000  }
0x37: {  	[sflag:s21] =	ssyncset.done $0x0  }
0x38: {  	[sflag:s21] =	ssyncadd.s32 $0xFFFFC000  }
0x39: {  	[bflag:$0x0] =	sbarrier.arrive $0xFFFF  }
0x3a: {  	s2 =	simm.s32 $0x0;
	s3 =	rddreg [dreg:$0x3]  }
0x3b: {  	[tilespmem:s22], [sflag:$0x3] =	stream.linear.gather [hbm4b:s3+s2], $0x1400, $0x38;
	[tilespmem:$0x1E800] =	vst v63  }
0x3c: {  	_ =	swait.ge [sflag:s21], $0x1400  }
0x3d: {  	[sflag:s21] =	ssyncset.done $0x0  }
0x3e: {  	s12 =	rddreg [dreg:$0x4];
	[sflag:s21] =	ssyncadd.s32 $0xFFFFEC00  }
0x3f: {  	[tilespmem:s23], [sflag:$0x3] =	stream.linear.gather [hbm4b:s12+s2], $0x1400, $0x38;
	[tilespmem:$0x1E800] =	vst v63  }
0x40: {  	_ =	swait.ge [sflag:s21], $0x1400  }
0x41: {  	[sflag:s21] =	ssyncset.done $0x0  }
0x42: {  	[sflag:s21] =	ssyncadd.s32 $0xFFFFEC00  }
0x43: {  	[tilespmem:s20], [sflag:$0x1] =	stream.indirect.gather [hbm4b:s4+s24], $0x80, s22, s24, $0xb8;
	[tilespmem:$0x1E800] =	vst v63  }
0x44: {  	s3 =	simm.s32 $0x14080  }
0x45: {  	[tilespmem:s25], [sflag:$0x2] =	stream.indirect.gather [hbm4b:s4+s24], $0x80, s3, s24, $0xb8;
	[tilespmem:$0x1E800] =	vst v63  }
0x46: {  	_ =	swait.ge [sflag:s26], $0x3E80  }
0x47: {  	[sflag:s26] =	ssyncset.done $0x0  }
0x48: {  	s10 =	simm.s32 $0x15400;
	[sflag:s26] =	ssyncadd.s32 $0xFFFFC180  }
0x49: {  	[spmem:s1] =	stream.indirect.scatter.add.f32 [tilespmem:s20], [sflag:$0x3], $0x80, s10, s24, $0xb8;
	[tilespmem:$0x1E800] =	vst v63  }
0x4a: {  	_ =	swait.ge [sflag:s21], $0x3E80  }
0x4b: {  	[sflag:s21] =	ssyncset.done $0x0  }
0x4c: {  	s11 =	simm.s32 $0x14100;
	[sflag:s21] =	ssyncadd.s32 $0xFFFFC180  }
0x4d: {  	[tilespmem:s20], [sflag:$0x1] =	stream.indirect.gather [hbm4b:s4+s24], $0x80, s11, s24, $0xb8;
	[tilespmem:$0x1E800] =	vst v63  }
0x4e: {  	_ =	swait.ge [sflag:s28], $0x3E80  }
0x4f: {  	[sflag:s28] =	ssyncset.done $0x0  }
0x50: {  	s12 =	simm.s32 $0x15480;
	[sflag:s28] =	ssyncadd.s32 $0xFFFFC180  }
0x51: {  	[spmem:s1] =	stream.indirect.scatter.add.f32 [tilespmem:s25], [sflag:$0x3], $0x80, s12, s24, $0xb8;
	[tilespmem:$0x1E800] =	vst v63  }
0x52: {  	_ =	swait.ge [sflag:s21], $0x3E80  }
0x53: {  	s2 =	simm.s32 $0x800;
	s3 =	simm.s32 $0x100;
	[sflag:s21] =	ssyncset.done $0x0  }
.LBB2_4:
0x54: {  	s10 =	sadd.s32 $0x14080, s3  }
0x55: {  	[sflag:s21] =	ssyncadd.s32 $0xFFFFC180;
	s11 =	smov.u32 s2;
	s12 =	sadd.s32 $0x400, s2  }
0x56: {  	[tilespmem:s25], [sflag:$0x2] =	stream.indirect.gather [hbm4b:s4+s24], $0x80, s10, s24, $0xb8;
	[tilespmem:$0x1E800] =	vst v63  }
0x57: {  	p0 =	sne.s32 s2, $0x4800;
	_ =	swait.ge [sflag:s26], $0x3E80  }
0x58: {  	[sflag:s26] =	ssyncset.done $0x0  }
0x59: {  	s2 =	sadd.s32 $0x15400, s3;
	[sflag:s26] =	ssyncadd.s32 $0xFFFFC180  }
0x5a: {  	[spmem:s1] =	stream.indirect.scatter.add.f32 [tilespmem:s20], [sflag:$0x3], $0x80, s2, s24, $0xb8;
	[tilespmem:$0x1E800] =	vst v63  }
0x5b: {  	_ =	swait.ge [sflag:s21], $0x3E80  }
0x5c: {  	[sflag:s21] =	ssyncset.done $0x0  }
0x5d: {  	s2 =	sadd.s32 $0x14100, s3;
	[sflag:s21] =	ssyncadd.s32 $0xFFFFC180  }
0x5e: {  	[tilespmem:s20], [sflag:$0x1] =	stream.indirect.gather [hbm4b:s4+s24], $0x80, s2, s24, $0xb8;
	[tilespmem:$0x1E800] =	vst v63  }
0x5f: {  	_ =	swait.ge [sflag:s28], $0x3E80  }
.Ltmp1:
0x60: {  	[sflag:s28] =	ssyncset.done $0x0;
	(pc) =	sbr.rel @p0 .LBB2_4-.Ltmp1, $4  }
0x61: {  	s2 =	sadd.s32 $0x15480, s3;
	[sflag:s28] =	ssyncadd.s32 $0xFFFFC180  }
0x62: {  	[spmem:s1] =	stream.indirect.scatter.add.f32 [tilespmem:s25], [sflag:$0x3], $0x80, s2, s24, $0xb8;
	[tilespmem:$0x1E800] =	vst v63  }
0x63: {  	_ =	swait.ge [sflag:s21], $0x3E80  }
0x64: {  	s3 =	sshra.s32 s11, $0x2;
	s2 =	smov.u32 s12;
	[sflag:s21] =	ssyncset.done $0x0  }
0x65: {  	s2 =	sadd.s32 $0x14080, s3;
	[sflag:s21] =	ssyncadd.s32 $0xFFFFC180  }
0x66: {  	[tilespmem:s25], [sflag:$0x2] =	stream.indirect.gather [hbm4b:s4+s24], $0x80, s2, s24, $0xb8;
	[tilespmem:$0x1E800] =	vst v63  }
0x67: {  	_ =	swait.ge [sflag:s26], $0x3E80  }
0x68: {  	[sflag:s26] =	ssyncset.done $0x0  }
0x69: {  	s11 =	sadd.s32 $0x15400, s3;
	[sflag:s26] =	ssyncadd.s32 $0xFFFFC180  }
0x6a: {  	[spmem:s1] =	stream.indirect.scatter.add.f32 [tilespmem:s20], [sflag:$0x3], $0x80, s11, s24, $0xb8;
	[tilespmem:$0x1E800] =	vst v63  }
0x6b: {  	_ =	swait.ge [sflag:s21], $0x3E80  }
0x6c: {  	[sflag:s21] =	ssyncset.done $0x0  }
0x6d: {  	s12 =	sadd.s32 $0x14100, s3;
	[sflag:s21] =	ssyncadd.s32 $0xFFFFC180  }
0x6e: {  	[tilespmem:s20], [sflag:$0x1] =	stream.indirect.gather [hbm4b:s4+s24], $0x80, s12, s24, $0xb8;
	[tilespmem:$0x1E800] =	vst v63  }
0x6f: {  	_ =	swait.ge [sflag:s28], $0x3E80  }
0x70: {  	[sflag:s28] =	ssyncset.done $0x0  }
0x71: {  	s10 =	sadd.s32 $0x15480, s3;
	[sflag:s28] =	ssyncadd.s32 $0xFFFFC180  }
0x72: {  	[spmem:s1] =	stream.indirect.scatter.add.f32 [tilespmem:s25], [sflag:$0x3], $0x80, s10, s24, $0xb8;
	[tilespmem:$0x1E800] =	vst v63  }
0x73: {  	_ =	swait.ge [sflag:s21], $0x3E80  }
0x74: {  	[sflag:s21] =	ssyncset.done $0x0  }
0x75: {  	[sflag:s21] =	ssyncadd.s32 $0xFFFFC180  }
0x76: {  	[tilespmem:s25], [sflag:$0x2] =	stream.indirect.gather [hbm4b:s4+s24], $0x80, s29, s24, $0xb8;
	[tilespmem:$0x1E800] =	vst v63  }
0x77: {  	_ =	swait.ge [sflag:s26], $0x3E80  }
0x78: {  	[sflag:s26] =	ssyncset.done $0x0  }
0x79: {  	[sflag:s26] =	ssyncadd.s32 $0xFFFFC180  }
0x7a: {  	[spmem:s1] =	stream.indirect.scatter.add.f32 [tilespmem:s20], [sflag:$0x3], $0x80, s30, s24, $0xb8;
	[tilespmem:$0x1E800] =	vst v63  }
0x7b: {  	_ =	swait.ge [sflag:s21], $0x3E80  }
0x7c: {  	[sflag:s21] =	ssyncset.done $0x0  }
0x7d: {  	[sflag:s21] =	ssyncadd.s32 $0xFFFFC180  }
0x7e: {  	_ =	swait.ge [sflag:s28], $0x3E80  }
0x7f: {  	[sflag:s28] =	ssyncset.done $0x0  }
0x80: {  	[sflag:s28] =	ssyncadd.s32 $0xFFFFC180  }
0x81: {  	[spmem:s1] =	stream.indirect.scatter.add.f32 [tilespmem:s25], [sflag:$0x3], $0x80, s31, s24, $0xb8;
	[tilespmem:$0x1E800] =	vst v63  }
0x82: {  	_ =	swait.ge [sflag:s21], $0x3E80  }
0x83: {  	[sflag:s21] =	ssyncset.done $0x0  }
0x84: {  	s11 =	simm.s32 $0x0;
	s12 =	rddreg [dreg:$0x5];
	[sflag:s21] =	ssyncadd.s32 $0xFFFFC180  }
0x85: {  	[tilespmem:s22], [sflag:$0x3] =	stream.linear.gather [hbm4b:s12+s11], $0x1400, $0x38;
	[tilespmem:$0x1E800] =	vst v63  }
0x86: {  	_ =	swait.ge [sflag:s21], $0x1400  }
0x87: {  	[sflag:s21] =	ssyncset.done $0x0  }
0x88: {  	[sflag:s21] =	ssyncadd.s32 $0xFFFFEC00  }
0x89: {  	[tilespmem:s23], [sflag:$0x3] =	stream.linear.gather [hbm4b:s13+s11], $0x1400, $0x38;
	[tilespmem:$0x1E800] =	vst v63  }
0x8a: {  	_ =	swait.ge [sflag:s21], $0x1400  }
0x8b: {  	[sflag:s21] =	ssyncset.done $0x0  }
0x8c: {  	[sflag:s21] =	ssyncadd.s32 $0xFFFFEC00  }
0x8d: {  	[tilespmem:s20], [sflag:$0x1] =	stream.indirect.gather [hbm4b:s4+s24], $0x80, s22, s24, $0xb8;
	[tilespmem:$0x1E800] =	vst v63  }
0x8e: {  	s3 =	simm.s32 $0x14080  }
0x8f: {  	[tilespmem:s25], [sflag:$0x2] =	stream.indirect.gather [hbm4b:s4+s24], $0x80, s3, s24, $0xb8;
	[tilespmem:$0x1E800] =	vst v63  }
0x90: {  	_ =	swait.ge [sflag:s26], $0x3E80  }
0x91: {  	[sflag:s26] =	ssyncset.done $0x0  }
0x92: {  	s10 =	simm.s32 $0x15400;
	[sflag:s26] =	ssyncadd.s32 $0xFFFFC180  }
0x93: {  	[spmem:s1] =	stream.indirect.scatter.add.f32 [tilespmem:s20], [sflag:$0x3], $0x80, s10, s24, $0xb8;
	[tilespmem:$0x1E800] =	vst v63  }
0x94: {  	_ =	swait.ge [sflag:s21], $0x3E80  }
0x95: {  	[sflag:s21] =	ssyncset.done $0x0  }
0x96: {  	s11 =	simm.s32 $0x14100;
	[sflag:s21] =	ssyncadd.s32 $0xFFFFC180  }
0x97: {  	[tilespmem:s20], [sflag:$0x1] =	stream.indirect.gather [hbm4b:s4+s24], $0x80, s11, s24, $0xb8;
	[tilespmem:$0x1E800] =	vst v63  }
0x98: {  	_ =	swait.ge [sflag:s28], $0x3E80  }
0x99: {  	[sflag:s28] =	ssyncset.done $0x0  }
0x9a: {  	s12 =	simm.s32 $0x15480;
	[sflag:s28] =	ssyncadd.s32 $0xFFFFC180  }
0x9b: {  	[spmem:s1] =	stream.indirect.scatter.add.f32 [tilespmem:s25], [sflag:$0x3], $0x80, s12, s24, $0xb8;
	[tilespmem:$0x1E800] =	vst v63  }
0x9c: {  	_ =	swait.ge [sflag:s21], $0x3E80  }
0x9d: {  	s2 =	simm.s32 $0x800;
	s3 =	simm.s32 $0x100;
	[sflag:s21] =	ssyncset.done $0x0  }
.LBB2_6:
0x9e: {  	s10 =	sadd.s32 $0x14080, s3  }
0x9f: {  	[sflag:s21] =	ssyncadd.s32 $0xFFFFC180;
	s11 =	smov.u32 s2;
	s12 =	sadd.s32 $0x400, s2  }
0xa0: {  	[tilespmem:s25], [sflag:$0x2] =	stream.indirect.gather [hbm4b:s4+s24], $0x80, s10, s24, $0xb8;
	[tilespmem:$0x1E800] =	vst v63  }
0xa1: {  	p0 =	sne.s32 s2, $0x4800;
	_ =	swait.ge [sflag:s26], $0x3E80  }
0xa2: {  	[sflag:s26] =	ssyncset.done $0x0  }
0xa3: {  	s2 =	sadd.s32 $0x15400, s3;
	[sflag:s26] =	ssyncadd.s32 $0xFFFFC180  }
0xa4: {  	[spmem:s1] =	stream.indirect.scatter.add.f32 [tilespmem:s20], [sflag:$0x3], $0x80, s2, s24, $0xb8;
	[tilespmem:$0x1E800] =	vst v63  }
0xa5: {  	_ =	swait.ge [sflag:s21], $0x3E80  }
0xa6: {  	[sflag:s21] =	ssyncset.done $0x0  }
0xa7: {  	s2 =	sadd.s32 $0x14100, s3;
	[sflag:s21] =	ssyncadd.s32 $0xFFFFC180  }
0xa8: {  	[tilespmem:s20], [sflag:$0x1] =	stream.indirect.gather [hbm4b:s4+s24], $0x80, s2, s24, $0xb8;
	[tilespmem:$0x1E800] =	vst v63  }
0xa9: {  	_ =	swait.ge [sflag:s28], $0x3E80  }
.Ltmp2:
0xaa: {  	[sflag:s28] =	ssyncset.done $0x0;
	(pc) =	sbr.rel @p0 .LBB2_6-.Ltmp2, $4  }
0xab: {  	s2 =	sadd.s32 $0x15480, s3;
	[sflag:s28] =	ssyncadd.s32 $0xFFFFC180  }
0xac: {  	[spmem:s1] =	stream.indirect.scatter.add.f32 [tilespmem:s25], [sflag:$0x3], $0x80, s2, s24, $0xb8;
	[tilespmem:$0x1E800] =	vst v63  }
0xad: {  	_ =	swait.ge [sflag:s21], $0x3E80  }
0xae: {  	s3 =	sshra.s32 s11, $0x2;
	s2 =	smov.u32 s12;
	[sflag:s21] =	ssyncset.done $0x0  }
0xaf: {  	s2 =	sadd.s32 $0x14080, s3;
	[sflag:s21] =	ssyncadd.s32 $0xFFFFC180  }
0xb0: {  	[tilespmem:s25], [sflag:$0x2] =	stream.indirect.gather [hbm4b:s4+s24], $0x80, s2, s24, $0xb8;
	[tilespmem:$0x1E800] =	vst v63  }
0xb1: {  	_ =	swait.ge [sflag:s26], $0x3E80  }
0xb2: {  	[sflag:s26] =	ssyncset.done $0x0  }
0xb3: {  	s11 =	sadd.s32 $0x15400, s3;
	[sflag:s26] =	ssyncadd.s32 $0xFFFFC180  }
0xb4: {  	[spmem:s1] =	stream.indirect.scatter.add.f32 [tilespmem:s20], [sflag:$0x3], $0x80, s11, s24, $0xb8;
	[tilespmem:$0x1E800] =	vst v63  }
0xb5: {  	_ =	swait.ge [sflag:s21], $0x3E80  }
0xb6: {  	[sflag:s21] =	ssyncset.done $0x0  }
0xb7: {  	s12 =	sadd.s32 $0x14100, s3;
	[sflag:s21] =	ssyncadd.s32 $0xFFFFC180  }
0xb8: {  	[tilespmem:s20], [sflag:$0x1] =	stream.indirect.gather [hbm4b:s4+s24], $0x80, s12, s24, $0xb8;
	[tilespmem:$0x1E800] =	vst v63  }
0xb9: {  	_ =	swait.ge [sflag:s28], $0x3E80  }
0xba: {  	[sflag:s28] =	ssyncset.done $0x0  }
0xbb: {  	s3 =	sadd.s32 $0x15480, s3;
	[sflag:s28] =	ssyncadd.s32 $0xFFFFC180  }
0xbc: {  	[spmem:s1] =	stream.indirect.scatter.add.f32 [tilespmem:s25], [sflag:$0x3], $0x80, s3, s24, $0xb8;
	[tilespmem:$0x1E800] =	vst v63  }
0xbd: {  	_ =	swait.ge [sflag:s21], $0x3E80  }
0xbe: {  	[sflag:s21] =	ssyncset.done $0x0  }
0xbf: {  	[sflag:s21] =	ssyncadd.s32 $0xFFFFC180  }
0xc0: {  	[tilespmem:s25], [sflag:$0x2] =	stream.indirect.gather [hbm4b:s4+s24], $0x80, s29, s24, $0xb8;
	[tilespmem:$0x1E800] =	vst v63  }
0xc1: {  	_ =	swait.ge [sflag:s26], $0x3E80  }
0xc2: {  	[sflag:s26] =	ssyncset.done $0x0  }
0xc3: {  	[sflag:s26] =	ssyncadd.s32 $0xFFFFC180  }
0xc4: {  	[spmem:s1] =	stream.indirect.scatter.add.f32 [tilespmem:s20], [sflag:$0x3], $0x80, s30, s24, $0xb8;
	[tilespmem:$0x1E800] =	vst v63  }
0xc5: {  	_ =	swait.ge [sflag:s21], $0x3E80  }
0xc6: {  	[sflag:s21] =	ssyncset.done $0x0  }
0xc7: {  	[sflag:s21] =	ssyncadd.s32 $0xFFFFC180  }
0xc8: {  	_ =	swait.ge [sflag:s28], $0x3E80  }
0xc9: {  	[sflag:s28] =	ssyncset.done $0x0  }
0xca: {  	[sflag:s28] =	ssyncadd.s32 $0xFFFFC180  }
0xcb: {  	[spmem:s1] =	stream.indirect.scatter.add.f32 [tilespmem:s25], [sflag:$0x3], $0x80, s31, s24, $0xb8;
	[tilespmem:$0x1E800] =	vst v63  }
0xcc: {  	_ =	swait.ge [sflag:s21], $0x3E80  }
0xcd: {  	s10 =	stileid.u32;
	[sflag:s21] =	ssyncset.done $0x0  }
0xce: {  	s2 =	sshll.u32 s10, $0x6;
	[sflag:s21] =	ssyncadd.s32 $0xFFFFC180  }
0xcf: {  	s2 =	sor.u32 $0x1C03, s2;
	s11 =	sshrl.u32 s5, $0x3;
	[bflag:$0x0] =	sbarrier.arrive $0xFFFF  }
0xd0: {  	[hbm:s14], [sflag:s2] =	dma.local [spmem:s11], $0x800  }
0xd1: {  	_ =	swait.ge [sflag:s21], $0x800  }
0xd2: {  	[sflag:s21] =	ssyncset.done $0x0  }
0xd3: {  	s12 =	sshrl.u32 s6, $0x3;
	[sflag:s21] =	ssyncadd.s32 $0xFFFFF800  }
0xd4: {  	[hbm:s15], [sflag:s2] =	dma.local [spmem:s12], $0x800  }
0xd5: {  	_ =	swait.ge [sflag:s21], $0x800  }
0xd6: {  	[sflag:s21] =	ssyncset.done $0x0  }
0xd7: {  	s10 =	sshrl.u32 s7, $0x3;
	[sflag:s21] =	ssyncadd.s32 $0xFFFFF800  }
0xd8: {  	[hbm:s16], [sflag:s2] =	dma.local [spmem:s10], $0x800  }
0xd9: {  	_ =	swait.ge [sflag:s21], $0x800  }
0xda: {  	[sflag:s21] =	ssyncset.done $0x0  }
0xdb: {  	s11 =	sshrl.u32 s8, $0x3;
	[sflag:s21] =	ssyncadd.s32 $0xFFFFF800  }
0xdc: {  	[hbm:s17], [sflag:s2] =	dma.local [spmem:s11], $0x800  }
0xdd: {  	s0 =	sadd.s32 $0x1, s0;
	_ =	swait.ge [sflag:s21], $0x800  }
0xde: {  	p0 =	sne.s32 s0, s19;
	[sflag:s21] =	ssyncset.done $0x0  }
.Ltmp3:
0xdf: {  	s12 =	sshrl.u32 s9, $0x3;
	[sflag:s21] =	ssyncadd.s32 $0xFFFFF800;
	(pc) =	sbr.rel @p0 .LBB2_1-.Ltmp3, $4  }
0xe0: {  	[hbm:s18], [sflag:s2] =	dma.local [spmem:s12], $0x800  }
0xe1: {  	_ =	swait.ge [sflag:s21], $0x800  }
0xe2: {  	[sflag:s21] =	ssyncset.done $0x0  }
0xe3: {  	[sflag:s21] =	ssyncadd.s32 $0xFFFFF800  }
0xe4: {  	_ =	sfence.sel $0x180000  }
0xe5: {  	[bflag:$0x0] =	sbarrier.arrive $0xFFFF  }
0xe6: {  	_ =	strace $0x9000004A  }
0xe7: {  	s0 =	stileid.u32;
	[bflag:$0x2] =	sbarrier.arrive $0xFFFF  }
0xe8: {  	p0 =	sne.s32 s0, $0x0;
	s0 =	rddreg [dreg:$0x2]  }
0xe9: {  	s0 =	sadd.s32 @!p0 $0x100000, s0  }
0xea: {  	[sflag:s0] =	ssyncadd.tile.s32 @!p0 $0x1;
	_ =	shalt  }
.Lfunc_end2:
_tile_overlayer_lowered:
.L_overlay_start_2:
0xeb: {  	(tag) =	ssettag $0x2  }
0xec: {  	s0 =	rddreg [dreg:$0x0];
	s2 =	stileid.u32  }
0xed: {  	s1 =	rddreg [dreg:$0x1];
	p0 =	sne.s32 s2, $0x0  }
0xee: {  	s3 =	rddreg [dreg:$0x2];
	[bflag:$0x3] =	sbarrier.arrive $0xFFFF;
	s2 =	simm.s32 @!p0 $0x1C03  }
0xef: {  	[timem:s3], [sflag:s2] =	dma.local @!p0 [hbm:s0], s1  }
0xf0: {  	s0 =	simm.s32 @!p0 $0x3  }
0xf1: {  	_ =	swait.ge @!p0 [sflag:s0], s1  }
0xf2: {  	s1 =	ssub.s32 @!p0 $0x0, s1;
	[sflag:s0] =	ssyncset.done @!p0 $0x0  }
0xf3: {  	[sflag:s0] =	ssyncadd.s32 @!p0 s1  }
0xf4: {  	[bflag:$0x3] =	sbarrier.arrive $0xFFFF  }
0xf5: {  	_ =	shalt  }

// kernel: kernel.14.cloned.1.call-start
scs
__scs_entry_jumppad:
0x0: {  	(pc) =	sbr.rel $0x88, $3  }
0x1: {  	(tag) =	ssettag $0x0;
	lr =	simm.s32 $0x1  }
0x2: {  	[smem:$0x3F98] =	sst lr;
	_ =	strace $0xD0000000  }
0x3: {  	_ = 	snop  }
0x4: {  	_ = 	snop  }
0x5: {  	_ = 	snop  }
0x6: {  	_ = 	snop  }
0x7: {  	_ = 	snop  }
__scs_overlays_trampoline_lowered:
0x8: {  	[smem:$0x3FA7] =	sst s0  }
0x9: {  	[smem:$0x3FA8] =	sst s1  }
0xa: {  	[smem:$0x3FA9] =	sst s2  }
0xb: {  	[smem:$0x3FAA] =	sst s3  }
0xc: {  	[smem:$0x3FAB] =	sst s4  }
0xd: {  	[smem:$0x3FAC] =	sst s5  }
0xe: {  	[smem:$0x3FAD] =	sst s6  }
0xf: {  	[smem:$0x3FAE] =	sst s7  }
0x10: {  	[smem:$0x3FAF] =	sst s8  }
0x11: {  	[smem:$0x3FB0] =	sst s9;
	s0 =	simm.s32 @!p0 $0x0  }
0x12: {  	s1 =	sld [smem:$0x3F96];
	s0 =	simm.s32 @p0 $0x1  }
0x13: {  	[smem:$0x3FB1] =	sst s0;
	s0 =	simm.s32 @!p1 $0x0  }
0x14: {  	s2 =	sld [smem:$0x3F95];
	s0 =	simm.s32 @p1 $0x1  }
0x15: {  	[smem:$0x3FB2] =	sst s0;
	s0 =	simm.s32 @!p2 $0x0  }
0x16: {  	s3 =	sld [smem:$0x3FDB];
	s0 =	simm.s32 @p2 $0x1  }
0x17: {  	s4 =	simm.s32 $0x1BF5;
	[smem:$0x3FB4] =	sst s0  }
0x18: {  	s0 =	sld [smem:$0x3F97];
	_ =	swait.ge [sflag:s4], $0x0  }
0x19: {  	s7 =	sld [smem:$0x3F98]  }
0x1a: {  	s8 =	sadd.s32 $0xFFFFE003, lr  }
0x1b: {  	s9 =	sadd.s32 $0xFFFFFEF7, lr;
	s5 =	simm.s32 $0xFFFFFFFF;
	p2 =	slt.u32 s8, $0xFFFFF086  }
0x1c: {  	p1 =	slt.u32 s9, $0xF7A;
	s5 =	simm.s32 @!p2 $0x0  }
0x1d: {  	s5 =	simm.s32 @p1 $0x1;
	p0 =	seq.s32 s7, s2  }
0x1e: {  	s7 =	smul.u32 @!p0 $0xF7A, s2;
	p2 =	seq.s32 @!p0 s5, $0x0  }
0x1f: {  	s9 =	smul.u32 $0xF7A, s1;
	s8 =	simm.s32 @!p0 $0x1BF5;
	p2 =	por !p2, p0  }
0x20: {  	[sflag:s8] =	ssyncset.s32 @!p0 $0xFFFFF086;
	s6 =	sadd.s32 @!p0 s3, s7;
	s7 =	simm.s32 @!p0 $0x108  }
0x21: {  	s3 =	sadd.s32 s3, s9;
	s6 =	sadd.s32 @!p0 $0x88, s6;
	s7 =	simm.s32 @p2 $0x1082  }
0x22: {  	[simem:s7], [sflag:s8] =	dma.local @!p0 [hbm:s6], $0xF7A  }
0x23: {  	s9 =	sor.u32 $0xD0000000, s2;
	s6 =	simm.s32 $0x108;
	_ =	swait.ge @!p0 [sflag:s8], $0x0  }
0x24: {  	s3 =	sadd.s32 $0x88, s3;
	s6 =	simm.s32 @!p1 $0x1082;
	[sflag:s4] =	ssyncset.s32 $0xFFFFF086  }
0x25: {  	[simem:s6], [sflag:s4] =	dma.local [hbm:s3], $0xF7A  }
0x26: {  	[smem:$0x3F98] =	sst s1;
	(tag) =	ssettag s2;
	_ =	strace s9  }
0x27: {  	s1 =	sld [smem:$0x3FA8]  }
0x28: {  	s2 =	sld [smem:$0x3FA9]  }
0x29: {  	s4 =	sld [smem:$0x3FAB]  }
0x2a: {  	p0 =	seq.s32 s5, $0x0;
	s5 =	sld [smem:$0x3FAC]  }
0x2b: {  	s6 =	sld [smem:$0x3FAD]  }
0x2c: {  	s7 =	sld [smem:$0x3FAE]  }
0x2d: {  	s3 =	simm.s32 $0x108;
	s8 =	sld [smem:$0x3FAF]  }
0x2e: {  	s3 =	simm.s32 @!p0 $0x1082;
	s9 =	sld [smem:$0x3FB0]  }
0x2f: {  	lr =	sadd.s32 s0, s3;
	s0 =	sld [smem:$0x3FA7]  }
0x30: {  	s3 =	sld [smem:$0x3FAA]  }
0x31: {  	[smem:$0x3FB3] =	sst s10  }
0x32: {  	s10 =	sld [smem:$0x3FB1];
	_ =	sdelay $0x3  }
0x33: {  	p0 =	seq.s32 s10, $0x1;
	s10 =	sld [smem:$0x3FB3];
	_ =	sdelay $0x3  }
0x34: {  	[smem:$0x3FB3] =	sst s10  }
0x35: {  	s10 =	sld [smem:$0x3FB2];
	_ =	sdelay $0x3  }
0x36: {  	p1 =	seq.s32 s10, $0x1;
	s10 =	sld [smem:$0x3FB3];
	_ =	sdelay $0x3  }
0x37: {  	[smem:$0x3FB3] =	sst s10  }
0x38: {  	s10 =	sld [smem:$0x3FB4]  }
0x39: {  	_ = 	snop;
	(pc) =	sbr.ind lr, $3  }
0x3a: {  	_ = 	snop  }
0x3b: {  	_ = 	snop  }
0x3c: {  	p2 =	seq.s32 s10, $0x1;
	s10 =	sld [smem:$0x3FB3]  }
0x3d: {  	_ =	shalt  }
0x3e: {  	_ =	shalt  }
0x3f: {  	_ =	shalt  }
0x40: {  	_ =	shalt  }
0x41: {  	_ =	shalt  }
0x42: {  	_ =	shalt  }
0x43: {  	_ =	shalt  }
0x44: {  	_ =	shalt  }
0x45: {  	_ =	shalt  }
0x46: {  	_ =	shalt  }
0x47: {  	_ =	shalt  }
0x48: {  	_ =	shalt  }
0x49: {  	_ =	shalt  }
0x4a: {  	_ =	shalt  }
0x4b: {  	_ =	shalt  }
0x4c: {  	_ =	shalt  }
0x4d: {  	_ =	shalt  }
0x4e: {  	_ =	shalt  }
0x4f: {  	_ =	shalt  }
0x50: {  	_ =	shalt  }
0x51: {  	_ =	shalt  }
0x52: {  	_ =	shalt  }
0x53: {  	_ =	shalt  }
0x54: {  	_ =	shalt  }
0x55: {  	_ =	shalt  }
0x56: {  	_ =	shalt  }
0x57: {  	_ =	shalt  }
0x58: {  	_ =	shalt  }
0x59: {  	_ =	shalt  }
0x5a: {  	_ =	shalt  }
0x5b: {  	_ =	shalt  }
0x5c: {  	_ =	shalt  }
0x5d: {  	_ =	shalt  }
0x5e: {  	_ =	shalt  }
0x5f: {  	_ =	shalt  }
0x60: {  	_ =	shalt  }
0x61: {  	_ =	shalt  }
0x62: {  	_ =	shalt  }
0x63: {  	_ =	shalt  }
0x64: {  	_ =	shalt  }
0x65: {  	_ =	shalt  }
0x66: {  	_ =	shalt  }
0x67: {  	_ =	shalt  }
0x68: {  	_ =	shalt  }
0x69: {  	_ =	shalt  }
0x6a: {  	_ =	shalt  }
0x6b: {  	_ =	shalt  }
0x6c: {  	_ =	shalt  }
0x6d: {  	_ =	shalt  }
0x6e: {  	_ =	shalt  }
0x6f: {  	_ =	shalt  }
0x70: {  	_ =	shalt  }
0x71: {  	_ =	shalt  }
0x72: {  	_ =	shalt  }
0x73: {  	_ =	shalt  }
0x74: {  	_ =	shalt  }
0x75: {  	_ =	shalt  }
0x76: {  	_ =	shalt  }
0x77: {  	_ =	shalt  }
0x78: {  	_ =	shalt  }
0x79: {  	_ =	shalt  }
0x7a: {  	_ =	shalt  }
0x7b: {  	_ =	shalt  }
0x7c: {  	_ =	shalt  }
0x7d: {  	_ =	shalt  }
0x7e: {  	_ =	shalt  }
0x7f: {  	_ =	shalt  }
0x80: {  	_ =	shalt  }
0x81: {  	_ =	shalt  }
0x82: {  	_ =	shalt  }
0x83: {  	_ =	shalt  }
0x84: {  	_ =	shalt  }
0x85: {  	_ =	shalt  }
0x86: {  	_ =	shalt  }
0x87: {  	_ =	shalt  }
.Lfunc_end0:
.L_simem_size_0:
called_computation.2_lowered:
.L_overlay_start_0:
0x88: {  	s2 =	sld [smem:$0x3FD9]  }
0x89: {  	s3 =	sld [smem:$0x3FFE];
	_ =	sdelay $0x1  }
0x8a: {  	s1 =	srdreg.scid  }
0x8b: {  	s0 =	sand.u32 $0x1, s1  }
0x8c: {  	s16 =	sshll.u32 s0, $0xA;
	s2 =	sadd.s32 s3, s2  }
0x8d: {  	s2 =	sadd.s32 s2, s16  }
0x8e: {  	[smem:$0x3FBF] =	sst s2  }
0x8f: {  	_ = 	snop  }
0x90: {  	(tm) =	ssettm $0x1  }
0x91: {  	s17 =	sld [smem:$0x3FFB];
	_ =	sdelay $0x3  }
0x92: {  	_ =	strace s17  }
0x93: {  	s2 =	sld [smem:$0x3FFC];
	_ =	sdelay $0x3  }
0x94: {  	_ =	strace s2  }
0x95: {  	s2 =	sld [smem:$0x3FFD];
	_ =	sdelay $0x3  }
0x96: {  	_ =	strace s2  }
0x97: {  	_ =	strace $0x8FFFFFFF  }
0x98: {  	s18 =	sld [smem:$0x3FDB];
	_ =	sdelay $0x1  }
0x99: {  	s19 =	simm.s32 $_scs_section_size  }
0x9a: {  	s4 =	simm.s32 $_size__tile_overlayer_lowered;
	s5 =	simm.s32 $_tile_overlayer_lowered  }
0x9b: {  	s22 =	simm.s32 $0x1BFF;
	s21 =	sshll.u32 s5, $0x1;
	s2 =	sadd.s32 s19, s18  }
0x9c: {  	s6 =	simm.s32 $0x0;
	s20 =	sshll.u32 s4, $0x1;
	s4 =	sadd.s32 s21, s2  }
0x9d: {  	[timem:s6], [sflag:s22] =	dma.local [hbm:s4], s20  }
0x9e: {  	_ =	swait.ge [sflag:s22], s20  }
0x9f: {  	s3 =	ssub.s32 $0x0, s20;
	[sflag:s22] =	ssyncset.done $0x0  }
0xa0: {  	[sflag:s22] =	ssyncadd.s32 s3;
	_ =	sdelay $0x1  }
0xa1: {  	s23 =	simm.s32 $0x1B8B  }
0xa2: {  	_ =	swait.ge [sflag:s23], $0x1  }
0xa3: {  	[sflag:s23] =	ssyncset.done $0x0  }
0xa4: {  	s25 =	simm.s32 $0x1B8E;
	s24 =	sld [smem:$0x3FFE];
	[sflag:s23] =	ssyncadd.s32 $0xFFFFFFFF  }
0xa5: {  	s26 =	simm.s32 $execute0_lowered;
	[smem:$0x3FD2] =	sst s25  }
0xa6: {  	s4 =	sshll.u32 s26, $0x1;
	_ =	strace $0x8000004C;
	[dreg:$0x1] =	wrdreg $0xFFFFFFFF  }
0xa7: {  	s28 =	simm.s32 $_size_execute0_lowered;
	s2 =	sadd.s32 s2, s4;
	[dreg:$0x0] =	wrdreg $0x0  }
0xa8: {  	s4 =	sshll.u32 s28, $0x1;
	[dreg:$0x2] =	wrdreg s2  }
0xa9: {  	[dreg:$0x3] =	wrdreg s4  }
0xaa: {  	[dreg:$0x4] =	wrdreg $0xC0  }
0xab: {  	_ =	task [dreg:s6], $0x5FFFF  }
0xac: {  	[dreg:$0x1] =	wrdreg $0xFFFFFFFF  }
0xad: {  	[dreg:$0x0] =	wrdreg $0x60  }
0xae: {  	[dreg:$0x2] =	wrdreg s24  }
0xaf: {  	[dreg:$0x3] =	wrdreg $0x0  }
0xb0: {  	[dreg:$0x4] =	wrdreg $0x9  }
0xb1: {  	_ =	task.clear_ibuf [dreg:s6], $0x5FFFF;
	_ =	strace $0x9000004C  }
0xb2: {  	s29 =	simm.s32 $0x9;
	_ =	strace $0x8000004E  }
0xb3: {  	_ =	swait.ge [sflag:s29], $0x1  }
0xb4: {  	[sflag:s29] =	ssyncadd.s32 $0xFFFFFFFF  }
0xb5: {  	_ =	strace $0x9000004E  }
0xb6: {  	_ =	sfence  }
0xb7: {  	s30 =	sld [smem:$0x0];
	_ =	sdelay $0x2  }
0xb8: {  	s31 =	sshll.u32 s1, $0xD;
	s1 =	sshrl.u32 s1, $0x2  }
0xb9: {  	s3 =	sand.u32 $0x4000, s31;
	s1 =	sadd.s32 s1, s30  }
0xba: {  	s0 =	sor.u32 s3, s0;
	s1 =	sshll.u32 s1, $0x11  }
0xbb: {  	s0 =	sor.u32 s1, s0  }
0xbc: {  	s0 =	sadd.s32 $0x8F2B, s0  }
0xbd: {  	[sflag:s0] =	ssyncadd.remote.s32 $0x1  }
0xbe: {  	_ =	sfence.sel $0xFFFF  }
0xbf: {  	[dreg:$0x0] =	wrdreg $0xFFFFFFFF;
	(pc) =	sbr.abs _section_cstart, $3  }
0xc0: {  	[dreg:$0x1] =	wrdreg $0xFFFFFFFF  }
0xc1: {  	_ =	task.clear_ibuf [dreg:s6], $0x2FFFF;
	_ =	strace $0x9FFFFFFF  }
0xc2: {  	(tm) =	ssettm $0x7FFFFFFF  }
0xc3: {  	_ =	shalt  }
tec
execute0_lowered:
.L_overlay_start_1:
0x0: {  	(tag) =	ssettag $0x1  }
0x1: {  	s0 =	rddreg [dreg:$0x0]  }
0x2: {  	s1 =	rddreg [dreg:$0x1];
	s2 =	simm.s32 $0x0  }
0x3: {  	s16 =	srdreg.scid;
	s8 =	stileid.u32;
	s28 =	simm.s32 $0x2  }
0x4: {  	s29 =	simm.s32 $0x15380;
	s30 =	simm.s32 $0x16700;
	s31 =	simm.s32 $0x16780  }
0x5: {  	[smem:$0x7FF] =	sst s2;
	s4 =	sadd.s32 $0x2AE00, s0;
	s2 =	sand.u32 $0x1, s16  }
0x6: {  	s3 =	sadd.s32 $0x20E00, s0;
	s6 =	smul.u32 $0x50000, s8;
	s10 =	sadd.s32 $0x2E00, s0  }
0x7: {  	s13 =	smul.u32 $0x14000, s8;
	s0 =	sadd.s32 $0x52000, s0;
	_ =	strace $0x8000004D  }
0x8: {  	s5 =	ssub.s32 $0x2, s2;
	s17 =	sshll.u32 s2, $0x4;
	s2 =	smul.u32 $0x140000, s2  }
0x9: {  	s7 =	sshrl.u32 s5, $0x1;
	s9 =	sor.u32 s8, s17;
	s18 =	sshrl.u32 s6, $0x2  }
0xa: {  	s14 =	sadd.s32 $0x4000, s13;
	s16 =	sadd.s32 $0x8000, s13;
	s17 =	sadd.s32 $0xC000, s13  }
0xb: {  	s19 =	ssub.s32 s5, s7;
	s5 =	sadd.s32 s18, s1;
	s6 =	sadd.s32 s14, s1  }
0xc: {  	s7 =	sadd.s32 s16, s1;
	s11 =	smul.u32 $0x2800, s9;
	s8 =	sadd.s32 s17, s1  }
0xd: {  	s18 =	sadd.s32 $0x10000, s13;
	s12 =	smul.u32 $0x500, s9;
	s22 =	sadd.s32 s13, s2  }
0xe: {  	s14 =	sadd.s32 s2, s14;
	s24 =	sadd.s32 s2, s16;
	s25 =	sadd.s32 s2, s17  }
0xf: {  	s9 =	sadd.s32 s18, s1;
	s23 =	sshrl.u32 s14, $0x3;
	s2 =	sadd.s32 s2, s18  }
0x10: {  	s26 =	sshrl.u32 s25, $0x3;
	s19 =	smax.u32 s19, $0x1;
	s25 =	simm.s32 $0x1A800  }
0x11: {  	s15 =	sshrl.u32 s11, $0x3;
	s20 =	sadd.s32 s3, s12;
	s21 =	sadd.s32 s10, s12  }
0x12: {  	s2 =	sshrl.u32 s2, $0x3;
	s17 =	sadd.s32 s0, s26;
	[dreg:$0x3] =	wrdreg s20  }
0x13: {  	s26 =	simm.s32 $0x1;
	[dreg:$0x4] =	wrdreg s21;
	s15 =	sadd.s32 $0x280, s15  }
0x14: {  	s18 =	sadd.s32 s0, s2;
	s20 =	simm.s32 $0x16800;
	s21 =	simm.s32 $0x3  }
0x15: {  	s3 =	sadd.s32 s3, s15;
	s13 =	sadd.s32 s10, s15;
	s15 =	sadd.s32 s0, s23  }
0x16: {  	s23 =	simm.s32 $0x15400;
	[dreg:$0x5] =	wrdreg s3;
	s3 =	sshrl.u32 s22, $0x3  }
0x17: {  	s22 =	simm.s32 $0x14000;
	s14 =	sadd.s32 s0, s3;
	s3 =	sshrl.u32 s24, $0x3  }
0x18: {  	v0 =	vimm.f32 $0.0e+00;
	s24 =	simm.s32 $0x7D;
	s16 =	sadd.s32 s0, s3;
	s0 =	simm.s32 $0x0  }
.LBB2_1:
0x19: {  	s3 =	simm.s32 $0x0  }
0x1a: {  	s2 =	sand.u32 $0xFE00, s3  }
0x1b: {  	s10 =	sand.u32 $0x70, s3;
	s2 =	sshrl.u32 s2, $0x2  }
0x1c: {  	s3 =	simm.s32 $0x40;
	s10 =	sor.u32 s10, s2;
	s2 =	simm.s32 $0x0  }
.LBB2_2:
0x1d: {  	p0 =	sne.s32 s3, $0xFFC0  }
0x1e: {  	[tilespmem:s10+$0x16800] =	vst v0;
	s2 =	sadd.s32 $0x10, s2;
	s10 =	smov.u32 s3;
	s3 =	sadd.s32 $0x40, s3  }
.Ltmp0:
0x1f: {  	(pc) =	sbr.rel @p0 .LBB2_2-.Ltmp0, $4  }
0x20: {  	_ = 	snop  }
0x21: {  	s10 =	sand.u32 $0xFE00, s10  }
0x22: {  	s11 =	sand.u32 $0x70, s2;
	s10 =	sshrl.u32 s10, $0x2  }
0x23: {  	s10 =	sor.u32 s11, s10  }
0x24: {  	[tilespmem:s10+$0x16800] =	vst v0  }
0x25: {  	[spmem:s5] =	stream.linear.scatter [tilespmem:s20], [sflag:$0x3], $0x4000, $0x38;
	[tilespmem:$0x1E800] =	vst v63  }
0x26: {  	_ =	swait.ge [sflag:s21], $0x4000  }
0x27: {  	[sflag:s21] =	ssyncset.done $0x0  }
0x28: {  	[sflag:s21] =	ssyncadd.s32 $0xFFFFC000  }
0x29: {  	[spmem:s6] =	stream.linear.scatter [tilespmem:s20], [sflag:$0x3], $0x4000, $0x38;
	[tilespmem:$0x1E800] =	vst v63  }
0x2a: {  	_ =	swait.ge [sflag:s21], $0x4000  }
0x2b: {  	[sflag:s21] =	ssyncset.done $0x0  }
0x2c: {  	[sflag:s21] =	ssyncadd.s32 $0xFFFFC000  }
0x2d: {  	[spmem:s7] =	stream.linear.scatter [tilespmem:s20], [sflag:$0x3], $0x4000, $0x38;
	[tilespmem:$0x1E800] =	vst v63  }
0x2e: {  	_ =	swait.ge [sflag:s21], $0x4000  }
0x2f: {  	[sflag:s21] =	ssyncset.done $0x0  }
0x30: {  	[sflag:s21] =	ssyncadd.s32 $0xFFFFC000  }
0x31: {  	[spmem:s8] =	stream.linear.scatter [tilespmem:s20], [sflag:$0x3], $0x4000, $0x38;
	[tilespmem:$0x1E800] =	vst v63  }
0x32: {  	_ =	swait.ge [sflag:s21], $0x4000  }
0x33: {  	[sflag:s21] =	ssyncset.done $0x0  }
0x34: {  	[sflag:s21] =	ssyncadd.s32 $0xFFFFC000  }
0x35: {  	[spmem:s9] =	stream.linear.scatter [tilespmem:s20], [sflag:$0x3], $0x4000, $0x38;
	[tilespmem:$0x1E800] =	vst v63  }
0x36: {  	_ =	swait.ge [sflag:s21], $0x4000  }
0x37: {  	[sflag:s21] =	ssyncset.done $0x0  }
0x38: {  	[sflag:s21] =	ssyncadd.s32 $0xFFFFC000  }
0x39: {  	[bflag:$0x0] =	sbarrier.arrive $0xFFFF  }
0x3a: {  	s2 =	simm.s32 $0x0;
	s3 =	rddreg [dreg:$0x3]  }
0x3b: {  	[tilespmem:s22], [sflag:$0x3] =	stream.linear.gather [hbm4b:s3+s2], $0x1400, $0x38;
	[tilespmem:$0x1E800] =	vst v63  }
0x3c: {  	_ =	swait.ge [sflag:s21], $0x1400  }
0x3d: {  	[sflag:s21] =	ssyncset.done $0x0  }
0x3e: {  	s12 =	rddreg [dreg:$0x4];
	[sflag:s21] =	ssyncadd.s32 $0xFFFFEC00  }
0x3f: {  	[tilespmem:s23], [sflag:$0x3] =	stream.linear.gather [hbm4b:s12+s2], $0x1400, $0x38;
	[tilespmem:$0x1E800] =	vst v63  }
0x40: {  	_ =	swait.ge [sflag:s21], $0x1400  }
0x41: {  	[sflag:s21] =	ssyncset.done $0x0  }
0x42: {  	[sflag:s21] =	ssyncadd.s32 $0xFFFFEC00  }
0x43: {  	[tilespmem:s20], [sflag:$0x1] =	stream.indirect.gather [hbm4b:s4+s24], $0x80, s22, s24, $0xb8;
	[tilespmem:$0x1E800] =	vst v63  }
0x44: {  	s3 =	simm.s32 $0x14080  }
0x45: {  	[tilespmem:s25], [sflag:$0x2] =	stream.indirect.gather [hbm4b:s4+s24], $0x80, s3, s24, $0xb8;
	[tilespmem:$0x1E800] =	vst v63  }
0x46: {  	_ =	swait.ge [sflag:s26], $0x3E80  }
0x47: {  	[sflag:s26] =	ssyncset.done $0x0  }
0x48: {  	s10 =	simm.s32 $0x15400;
	[sflag:s26] =	ssyncadd.s32 $0xFFFFC180  }
0x49: {  	[spmem:s1] =	stream.indirect.scatter.add.f32 [tilespmem:s20], [sflag:$0x3], $0x80, s10, s24, $0xb8;
	[tilespmem:$0x1E800] =	vst v63  }
0x4a: {  	_ =	swait.ge [sflag:s21], $0x3E80  }
0x4b: {  	[sflag:s21] =	ssyncset.done $0x0  }
0x4c: {  	s11 =	simm.s32 $0x14100;
	[sflag:s21] =	ssyncadd.s32 $0xFFFFC180  }
0x4d: {  	[tilespmem:s20], [sflag:$0x1] =	stream.indirect.gather [hbm4b:s4+s24], $0x80, s11, s24, $0xb8;
	[tilespmem:$0x1E800] =	vst v63  }
0x4e: {  	_ =	swait.ge [sflag:s28], $0x3E80  }
0x4f: {  	[sflag:s28] =	ssyncset.done $0x0  }
0x50: {  	s12 =	simm.s32 $0x15480;
	[sflag:s28] =	ssyncadd.s32 $0xFFFFC180  }
0x51: {  	[spmem:s1] =	stream.indirect.scatter.add.f32 [tilespmem:s25], [sflag:$0x3], $0x80, s12, s24, $0xb8;
	[tilespmem:$0x1E800] =	vst v63  }
0x52: {  	_ =	swait.ge [sflag:s21], $0x3E80  }
0x53: {  	s2 =	simm.s32 $0x800;
	s3 =	simm.s32 $0x100;
	[sflag:s21] =	ssyncset.done $0x0  }
.LBB2_4:
0x54: {  	s10 =	sadd.s32 $0x14080, s3  }
0x55: {  	[sflag:s21] =	ssyncadd.s32 $0xFFFFC180;
	s11 =	smov.u32 s2;
	s12 =	sadd.s32 $0x400, s2  }
0x56: {  	[tilespmem:s25], [sflag:$0x2] =	stream.indirect.gather [hbm4b:s4+s24], $0x80, s10, s24, $0xb8;
	[tilespmem:$0x1E800] =	vst v63  }
0x57: {  	p0 =	sne.s32 s2, $0x4800;
	_ =	swait.ge [sflag:s26], $0x3E80  }
0x58: {  	[sflag:s26] =	ssyncset.done $0x0  }
0x59: {  	s2 =	sadd.s32 $0x15400, s3;
	[sflag:s26] =	ssyncadd.s32 $0xFFFFC180  }
0x5a: {  	[spmem:s1] =	stream.indirect.scatter.add.f32 [tilespmem:s20], [sflag:$0x3], $0x80, s2, s24, $0xb8;
	[tilespmem:$0x1E800] =	vst v63  }
0x5b: {  	_ =	swait.ge [sflag:s21], $0x3E80  }
0x5c: {  	[sflag:s21] =	ssyncset.done $0x0  }
0x5d: {  	s2 =	sadd.s32 $0x14100, s3;
	[sflag:s21] =	ssyncadd.s32 $0xFFFFC180  }
0x5e: {  	[tilespmem:s20], [sflag:$0x1] =	stream.indirect.gather [hbm4b:s4+s24], $0x80, s2, s24, $0xb8;
	[tilespmem:$0x1E800] =	vst v63  }
0x5f: {  	_ =	swait.ge [sflag:s28], $0x3E80  }
.Ltmp1:
0x60: {  	[sflag:s28] =	ssyncset.done $0x0;
	(pc) =	sbr.rel @p0 .LBB2_4-.Ltmp1, $4  }
0x61: {  	s2 =	sadd.s32 $0x15480, s3;
	[sflag:s28] =	ssyncadd.s32 $0xFFFFC180  }
0x62: {  	[spmem:s1] =	stream.indirect.scatter.add.f32 [tilespmem:s25], [sflag:$0x3], $0x80, s2, s24, $0xb8;
	[tilespmem:$0x1E800] =	vst v63  }
0x63: {  	_ =	swait.ge [sflag:s21], $0x3E80  }
0x64: {  	s3 =	sshra.s32 s11, $0x2;
	s2 =	smov.u32 s12;
	[sflag:s21] =	ssyncset.done $0x0  }
0x65: {  	s2 =	sadd.s32 $0x14080, s3;
	[sflag:s21] =	ssyncadd.s32 $0xFFFFC180  }
0x66: {  	[tilespmem:s25], [sflag:$0x2] =	stream.indirect.gather [hbm4b:s4+s24], $0x80, s2, s24, $0xb8;
	[tilespmem:$0x1E800] =	vst v63  }
0x67: {  	_ =	swait.ge [sflag:s26], $0x3E80  }
0x68: {  	[sflag:s26] =	ssyncset.done $0x0  }
0x69: {  	s11 =	sadd.s32 $0x15400, s3;
	[sflag:s26] =	ssyncadd.s32 $0xFFFFC180  }
0x6a: {  	[spmem:s1] =	stream.indirect.scatter.add.f32 [tilespmem:s20], [sflag:$0x3], $0x80, s11, s24, $0xb8;
	[tilespmem:$0x1E800] =	vst v63  }
0x6b: {  	_ =	swait.ge [sflag:s21], $0x3E80  }
0x6c: {  	[sflag:s21] =	ssyncset.done $0x0  }
0x6d: {  	s12 =	sadd.s32 $0x14100, s3;
	[sflag:s21] =	ssyncadd.s32 $0xFFFFC180  }
0x6e: {  	[tilespmem:s20], [sflag:$0x1] =	stream.indirect.gather [hbm4b:s4+s24], $0x80, s12, s24, $0xb8;
	[tilespmem:$0x1E800] =	vst v63  }
0x6f: {  	_ =	swait.ge [sflag:s28], $0x3E80  }
0x70: {  	[sflag:s28] =	ssyncset.done $0x0  }
0x71: {  	s10 =	sadd.s32 $0x15480, s3;
	[sflag:s28] =	ssyncadd.s32 $0xFFFFC180  }
0x72: {  	[spmem:s1] =	stream.indirect.scatter.add.f32 [tilespmem:s25], [sflag:$0x3], $0x80, s10, s24, $0xb8;
	[tilespmem:$0x1E800] =	vst v63  }
0x73: {  	_ =	swait.ge [sflag:s21], $0x3E80  }
0x74: {  	[sflag:s21] =	ssyncset.done $0x0  }
0x75: {  	[sflag:s21] =	ssyncadd.s32 $0xFFFFC180  }
0x76: {  	[tilespmem:s25], [sflag:$0x2] =	stream.indirect.gather [hbm4b:s4+s24], $0x80, s29, s24, $0xb8;
	[tilespmem:$0x1E800] =	vst v63  }
0x77: {  	_ =	swait.ge [sflag:s26], $0x3E80  }
0x78: {  	[sflag:s26] =	ssyncset.done $0x0  }
0x79: {  	[sflag:s26] =	ssyncadd.s32 $0xFFFFC180  }
0x7a: {  	[spmem:s1] =	stream.indirect.scatter.add.f32 [tilespmem:s20], [sflag:$0x3], $0x80, s30, s24, $0xb8;
	[tilespmem:$0x1E800] =	vst v63  }
0x7b: {  	_ =	swait.ge [sflag:s21], $0x3E80  }
0x7c: {  	[sflag:s21] =	ssyncset.done $0x0  }
0x7d: {  	[sflag:s21] =	ssyncadd.s32 $0xFFFFC180  }
0x7e: {  	_ =	swait.ge [sflag:s28], $0x3E80  }
0x7f: {  	[sflag:s28] =	ssyncset.done $0x0  }
0x80: {  	[sflag:s28] =	ssyncadd.s32 $0xFFFFC180  }
0x81: {  	[spmem:s1] =	stream.indirect.scatter.add.f32 [tilespmem:s25], [sflag:$0x3], $0x80, s31, s24, $0xb8;
	[tilespmem:$0x1E800] =	vst v63  }
0x82: {  	_ =	swait.ge [sflag:s21], $0x3E80  }
0x83: {  	[sflag:s21] =	ssyncset.done $0x0  }
0x84: {  	s11 =	simm.s32 $0x0;
	s12 =	rddreg [dreg:$0x5];
	[sflag:s21] =	ssyncadd.s32 $0xFFFFC180  }
0x85: {  	[tilespmem:s22], [sflag:$0x3] =	stream.linear.gather [hbm4b:s12+s11], $0x1400, $0x38;
	[tilespmem:$0x1E800] =	vst v63  }
0x86: {  	_ =	swait.ge [sflag:s21], $0x1400  }
0x87: {  	[sflag:s21] =	ssyncset.done $0x0  }
0x88: {  	[sflag:s21] =	ssyncadd.s32 $0xFFFFEC00  }
0x89: {  	[tilespmem:s23], [sflag:$0x3] =	stream.linear.gather [hbm4b:s13+s11], $0x1400, $0x38;
	[tilespmem:$0x1E800] =	vst v63  }
0x8a: {  	_ =	swait.ge [sflag:s21], $0x1400  }
0x8b: {  	[sflag:s21] =	ssyncset.done $0x0  }
0x8c: {  	[sflag:s21] =	ssyncadd.s32 $0xFFFFEC00  }
0x8d: {  	[tilespmem:s20], [sflag:$0x1] =	stream.indirect.gather [hbm4b:s4+s24], $0x80, s22, s24, $0xb8;
	[tilespmem:$0x1E800] =	vst v63  }
0x8e: {  	s3 =	simm.s32 $0x14080  }
0x8f: {  	[tilespmem:s25], [sflag:$0x2] =	stream.indirect.gather [hbm4b:s4+s24], $0x80, s3, s24, $0xb8;
	[tilespmem:$0x1E800] =	vst v63  }
0x90: {  	_ =	swait.ge [sflag:s26], $0x3E80  }
0x91: {  	[sflag:s26] =	ssyncset.done $0x0  }
0x92: {  	s10 =	simm.s32 $0x15400;
	[sflag:s26] =	ssyncadd.s32 $0xFFFFC180  }
0x93: {  	[spmem:s1] =	stream.indirect.scatter.add.f32 [tilespmem:s20], [sflag:$0x3], $0x80, s10, s24, $0xb8;
	[tilespmem:$0x1E800] =	vst v63  }
0x94: {  	_ =	swait.ge [sflag:s21], $0x3E80  }
0x95: {  	[sflag:s21] =	ssyncset.done $0x0  }
0x96: {  	s11 =	simm.s32 $0x14100;
	[sflag:s21] =	ssyncadd.s32 $0xFFFFC180  }
0x97: {  	[tilespmem:s20], [sflag:$0x1] =	stream.indirect.gather [hbm4b:s4+s24], $0x80, s11, s24, $0xb8;
	[tilespmem:$0x1E800] =	vst v63  }
0x98: {  	_ =	swait.ge [sflag:s28], $0x3E80  }
0x99: {  	[sflag:s28] =	ssyncset.done $0x0  }
0x9a: {  	s12 =	simm.s32 $0x15480;
	[sflag:s28] =	ssyncadd.s32 $0xFFFFC180  }
0x9b: {  	[spmem:s1] =	stream.indirect.scatter.add.f32 [tilespmem:s25], [sflag:$0x3], $0x80, s12, s24, $0xb8;
	[tilespmem:$0x1E800] =	vst v63  }
0x9c: {  	_ =	swait.ge [sflag:s21], $0x3E80  }
0x9d: {  	s2 =	simm.s32 $0x800;
	s3 =	simm.s32 $0x100;
	[sflag:s21] =	ssyncset.done $0x0  }
.LBB2_6:
0x9e: {  	s10 =	sadd.s32 $0x14080, s3  }
0x9f: {  	[sflag:s21] =	ssyncadd.s32 $0xFFFFC180;
	s11 =	smov.u32 s2;
	s12 =	sadd.s32 $0x400, s2  }
0xa0: {  	[tilespmem:s25], [sflag:$0x2] =	stream.indirect.gather [hbm4b:s4+s24], $0x80, s10, s24, $0xb8;
	[tilespmem:$0x1E800] =	vst v63  }
0xa1: {  	p0 =	sne.s32 s2, $0x4800;
	_ =	swait.ge [sflag:s26], $0x3E80  }
0xa2: {  	[sflag:s26] =	ssyncset.done $0x0  }
0xa3: {  	s2 =	sadd.s32 $0x15400, s3;
	[sflag:s26] =	ssyncadd.s32 $0xFFFFC180  }
0xa4: {  	[spmem:s1] =	stream.indirect.scatter.add.f32 [tilespmem:s20], [sflag:$0x3], $0x80, s2, s24, $0xb8;
	[tilespmem:$0x1E800] =	vst v63  }
0xa5: {  	_ =	swait.ge [sflag:s21], $0x3E80  }
0xa6: {  	[sflag:s21] =	ssyncset.done $0x0  }
0xa7: {  	s2 =	sadd.s32 $0x14100, s3;
	[sflag:s21] =	ssyncadd.s32 $0xFFFFC180  }
0xa8: {  	[tilespmem:s20], [sflag:$0x1] =	stream.indirect.gather [hbm4b:s4+s24], $0x80, s2, s24, $0xb8;
	[tilespmem:$0x1E800] =	vst v63  }
0xa9: {  	_ =	swait.ge [sflag:s28], $0x3E80  }
.Ltmp2:
0xaa: {  	[sflag:s28] =	ssyncset.done $0x0;
	(pc) =	sbr.rel @p0 .LBB2_6-.Ltmp2, $4  }
0xab: {  	s2 =	sadd.s32 $0x15480, s3;
	[sflag:s28] =	ssyncadd.s32 $0xFFFFC180  }
0xac: {  	[spmem:s1] =	stream.indirect.scatter.add.f32 [tilespmem:s25], [sflag:$0x3], $0x80, s2, s24, $0xb8;
	[tilespmem:$0x1E800] =	vst v63  }
0xad: {  	_ =	swait.ge [sflag:s21], $0x3E80  }
0xae: {  	s3 =	sshra.s32 s11, $0x2;
	s2 =	smov.u32 s12;
	[sflag:s21] =	ssyncset.done $0x0  }
0xaf: {  	s2 =	sadd.s32 $0x14080, s3;
	[sflag:s21] =	ssyncadd.s32 $0xFFFFC180  }
0xb0: {  	[tilespmem:s25], [sflag:$0x2] =	stream.indirect.gather [hbm4b:s4+s24], $0x80, s2, s24, $0xb8;
	[tilespmem:$0x1E800] =	vst v63  }
0xb1: {  	_ =	swait.ge [sflag:s26], $0x3E80  }
0xb2: {  	[sflag:s26] =	ssyncset.done $0x0  }
0xb3: {  	s11 =	sadd.s32 $0x15400, s3;
	[sflag:s26] =	ssyncadd.s32 $0xFFFFC180  }
0xb4: {  	[spmem:s1] =	stream.indirect.scatter.add.f32 [tilespmem:s20], [sflag:$0x3], $0x80, s11, s24, $0xb8;
	[tilespmem:$0x1E800] =	vst v63  }
0xb5: {  	_ =	swait.ge [sflag:s21], $0x3E80  }
0xb6: {  	[sflag:s21] =	ssyncset.done $0x0  }
0xb7: {  	s12 =	sadd.s32 $0x14100, s3;
	[sflag:s21] =	ssyncadd.s32 $0xFFFFC180  }
0xb8: {  	[tilespmem:s20], [sflag:$0x1] =	stream.indirect.gather [hbm4b:s4+s24], $0x80, s12, s24, $0xb8;
	[tilespmem:$0x1E800] =	vst v63  }
0xb9: {  	_ =	swait.ge [sflag:s28], $0x3E80  }
0xba: {  	[sflag:s28] =	ssyncset.done $0x0  }
0xbb: {  	s3 =	sadd.s32 $0x15480, s3;
	[sflag:s28] =	ssyncadd.s32 $0xFFFFC180  }
0xbc: {  	[spmem:s1] =	stream.indirect.scatter.add.f32 [tilespmem:s25], [sflag:$0x3], $0x80, s3, s24, $0xb8;
	[tilespmem:$0x1E800] =	vst v63  }
0xbd: {  	_ =	swait.ge [sflag:s21], $0x3E80  }
0xbe: {  	[sflag:s21] =	ssyncset.done $0x0  }
0xbf: {  	[sflag:s21] =	ssyncadd.s32 $0xFFFFC180  }
0xc0: {  	[tilespmem:s25], [sflag:$0x2] =	stream.indirect.gather [hbm4b:s4+s24], $0x80, s29, s24, $0xb8;
	[tilespmem:$0x1E800] =	vst v63  }
0xc1: {  	_ =	swait.ge [sflag:s26], $0x3E80  }
0xc2: {  	[sflag:s26] =	ssyncset.done $0x0  }
0xc3: {  	[sflag:s26] =	ssyncadd.s32 $0xFFFFC180  }
0xc4: {  	[spmem:s1] =	stream.indirect.scatter.add.f32 [tilespmem:s20], [sflag:$0x3], $0x80, s30, s24, $0xb8;
	[tilespmem:$0x1E800] =	vst v63  }
0xc5: {  	_ =	swait.ge [sflag:s21], $0x3E80  }
0xc6: {  	[sflag:s21] =	ssyncset.done $0x0  }
0xc7: {  	[sflag:s21] =	ssyncadd.s32 $0xFFFFC180  }
0xc8: {  	_ =	swait.ge [sflag:s28], $0x3E80  }
0xc9: {  	[sflag:s28] =	ssyncset.done $0x0  }
0xca: {  	[sflag:s28] =	ssyncadd.s32 $0xFFFFC180  }
0xcb: {  	[spmem:s1] =	stream.indirect.scatter.add.f32 [tilespmem:s25], [sflag:$0x3], $0x80, s31, s24, $0xb8;
	[tilespmem:$0x1E800] =	vst v63  }
0xcc: {  	_ =	swait.ge [sflag:s21], $0x3E80  }
0xcd: {  	s10 =	stileid.u32;
	[sflag:s21] =	ssyncset.done $0x0  }
0xce: {  	s2 =	sshll.u32 s10, $0x6;
	[sflag:s21] =	ssyncadd.s32 $0xFFFFC180  }
0xcf: {  	s2 =	sor.u32 $0x1C03, s2;
	s11 =	sshrl.u32 s5, $0x3;
	[bflag:$0x0] =	sbarrier.arrive $0xFFFF  }
0xd0: {  	[hbm:s14], [sflag:s2] =	dma.local [spmem:s11], $0x800  }
0xd1: {  	_ =	swait.ge [sflag:s21], $0x800  }
0xd2: {  	[sflag:s21] =	ssyncset.done $0x0  }
0xd3: {  	s12 =	sshrl.u32 s6, $0x3;
	[sflag:s21] =	ssyncadd.s32 $0xFFFFF800  }
0xd4: {  	[hbm:s15], [sflag:s2] =	dma.local [spmem:s12], $0x800  }
0xd5: {  	_ =	swait.ge [sflag:s21], $0x800  }
0xd6: {  	[sflag:s21] =	ssyncset.done $0x0  }
0xd7: {  	s10 =	sshrl.u32 s7, $0x3;
	[sflag:s21] =	ssyncadd.s32 $0xFFFFF800  }
0xd8: {  	[hbm:s16], [sflag:s2] =	dma.local [spmem:s10], $0x800  }
0xd9: {  	_ =	swait.ge [sflag:s21], $0x800  }
0xda: {  	[sflag:s21] =	ssyncset.done $0x0  }
0xdb: {  	s11 =	sshrl.u32 s8, $0x3;
	[sflag:s21] =	ssyncadd.s32 $0xFFFFF800  }
0xdc: {  	[hbm:s17], [sflag:s2] =	dma.local [spmem:s11], $0x800  }
0xdd: {  	s0 =	sadd.s32 $0x1, s0;
	_ =	swait.ge [sflag:s21], $0x800  }
0xde: {  	p0 =	sne.s32 s0, s19;
	[sflag:s21] =	ssyncset.done $0x0  }
.Ltmp3:
0xdf: {  	s12 =	sshrl.u32 s9, $0x3;
	[sflag:s21] =	ssyncadd.s32 $0xFFFFF800;
	(pc) =	sbr.rel @p0 .LBB2_1-.Ltmp3, $4  }
0xe0: {  	[hbm:s18], [sflag:s2] =	dma.local [spmem:s12], $0x800  }
0xe1: {  	_ =	swait.ge [sflag:s21], $0x800  }
0xe2: {  	[sflag:s21] =	ssyncset.done $0x0  }
0xe3: {  	[sflag:s21] =	ssyncadd.s32 $0xFFFFF800  }
0xe4: {  	_ =	sfence.sel $0x180000  }
0xe5: {  	[bflag:$0x0] =	sbarrier.arrive $0xFFFF  }
0xe6: {  	_ =	strace $0x9000004D  }
0xe7: {  	s0 =	stileid.u32;
	[bflag:$0x2] =	sbarrier.arrive $0xFFFF  }
0xe8: {  	p0 =	sne.s32 s0, $0x0;
	s0 =	rddreg [dreg:$0x2]  }
0xe9: {  	s0 =	sadd.s32 @!p0 $0x100000, s0  }
0xea: {  	[sflag:s0] =	ssyncadd.tile.s32 @!p0 $0x1;
	_ =	shalt  }
.Lfunc_end2:
_tile_overlayer_lowered:
.L_overlay_start_2:
0xeb: {  	(tag) =	ssettag $0x2  }
0xec: {  	s0 =	rddreg [dreg:$0x0];
	s2 =	stileid.u32  }
0xed: {  	s1 =	rddreg [dreg:$0x1];
	p0 =	sne.s32 s2, $0x0  }
0xee: {  	s3 =	rddreg [dreg:$0x2];
	[bflag:$0x3] =	sbarrier.arrive $0xFFFF;
	s2 =	simm.s32 @!p0 $0x1C03  }
0xef: {  	[timem:s3], [sflag:s2] =	dma.local @!p0 [hbm:s0], s1  }
0xf0: {  	s0 =	simm.s32 @!p0 $0x3  }
0xf1: {  	_ =	swait.ge @!p0 [sflag:s0], s1  }
0xf2: {  	s1 =	ssub.s32 @!p0 $0x0, s1;
	[sflag:s0] =	ssyncset.done @!p0 $0x0  }
0xf3: {  	[sflag:s0] =	ssyncadd.s32 @!p0 s1  }
0xf4: {  	[bflag:$0x3] =	sbarrier.arrive $0xFFFF  }
0xf5: {  	_ =	shalt  }

// kernel: kernel.8.cloned.1.call-start
scs
__scs_entry_jumppad:
0x0: {  	(pc) =	sbr.rel $0x88, $3  }
0x1: {  	(tag) =	ssettag $0x0;
	lr =	simm.s32 $0x1  }
0x2: {  	[smem:$0x3F98] =	sst lr;
	_ =	strace $0xD0000000  }
0x3: {  	_ = 	snop  }
0x4: {  	_ = 	snop  }
0x5: {  	_ = 	snop  }
0x6: {  	_ = 	snop  }
0x7: {  	_ = 	snop  }
__scs_overlays_trampoline_lowered:
0x8: {  	[smem:$0x3FA7] =	sst s0  }
0x9: {  	[smem:$0x3FA8] =	sst s1  }
0xa: {  	[smem:$0x3FA9] =	sst s2  }
0xb: {  	[smem:$0x3FAA] =	sst s3  }
0xc: {  	[smem:$0x3FAB] =	sst s4  }
0xd: {  	[smem:$0x3FAC] =	sst s5  }
0xe: {  	[smem:$0x3FAD] =	sst s6  }
0xf: {  	[smem:$0x3FAE] =	sst s7  }
0x10: {  	[smem:$0x3FAF] =	sst s8  }
0x11: {  	[smem:$0x3FB0] =	sst s9;
	s0 =	simm.s32 @!p0 $0x0  }
0x12: {  	s1 =	sld [smem:$0x3F96];
	s0 =	simm.s32 @p0 $0x1  }
0x13: {  	[smem:$0x3FB1] =	sst s0;
	s0 =	simm.s32 @!p1 $0x0  }
0x14: {  	s2 =	sld [smem:$0x3F95];
	s0 =	simm.s32 @p1 $0x1  }
0x15: {  	[smem:$0x3FB2] =	sst s0;
	s0 =	simm.s32 @!p2 $0x0  }
0x16: {  	s3 =	sld [smem:$0x3FDB];
	s0 =	simm.s32 @p2 $0x1  }
0x17: {  	s4 =	simm.s32 $0x1BF5;
	[smem:$0x3FB4] =	sst s0  }
0x18: {  	s0 =	sld [smem:$0x3F97];
	_ =	swait.ge [sflag:s4], $0x0  }
0x19: {  	s7 =	sld [smem:$0x3F98]  }
0x1a: {  	s8 =	sadd.s32 $0xFFFFE003, lr  }
0x1b: {  	s9 =	sadd.s32 $0xFFFFFEF7, lr;
	s5 =	simm.s32 $0xFFFFFFFF;
	p2 =	slt.u32 s8, $0xFFFFF086  }
0x1c: {  	p1 =	slt.u32 s9, $0xF7A;
	s5 =	simm.s32 @!p2 $0x0  }
0x1d: {  	s5 =	simm.s32 @p1 $0x1;
	p0 =	seq.s32 s7, s2  }
0x1e: {  	s7 =	smul.u32 @!p0 $0xF7A, s2;
	p2 =	seq.s32 @!p0 s5, $0x0  }
0x1f: {  	s9 =	smul.u32 $0xF7A, s1;
	s8 =	simm.s32 @!p0 $0x1BF5;
	p2 =	por !p2, p0  }
0x20: {  	[sflag:s8] =	ssyncset.s32 @!p0 $0xFFFFF086;
	s6 =	sadd.s32 @!p0 s3, s7;
	s7 =	simm.s32 @!p0 $0x108  }
0x21: {  	s3 =	sadd.s32 s3, s9;
	s6 =	sadd.s32 @!p0 $0x88, s6;
	s7 =	simm.s32 @p2 $0x1082  }
0x22: {  	[simem:s7], [sflag:s8] =	dma.local @!p0 [hbm:s6], $0xF7A  }
0x23: {  	s9 =	sor.u32 $0xD0000000, s2;
	s6 =	simm.s32 $0x108;
	_ =	swait.ge @!p0 [sflag:s8], $0x0  }
0x24: {  	s3 =	sadd.s32 $0x88, s3;
	s6 =	simm.s32 @!p1 $0x1082;
	[sflag:s4] =	ssyncset.s32 $0xFFFFF086  }
0x25: {  	[simem:s6], [sflag:s4] =	dma.local [hbm:s3], $0xF7A  }
0x26: {  	[smem:$0x3F98] =	sst s1;
	(tag) =	ssettag s2;
	_ =	strace s9  }
0x27: {  	s1 =	sld [smem:$0x3FA8]  }
0x28: {  	s2 =	sld [smem:$0x3FA9]  }
0x29: {  	s4 =	sld [smem:$0x3FAB]  }
0x2a: {  	p0 =	seq.s32 s5, $0x0;
	s5 =	sld [smem:$0x3FAC]  }
0x2b: {  	s6 =	sld [smem:$0x3FAD]  }
0x2c: {  	s7 =	sld [smem:$0x3FAE]  }
0x2d: {  	s3 =	simm.s32 $0x108;
	s8 =	sld [smem:$0x3FAF]  }
0x2e: {  	s3 =	simm.s32 @!p0 $0x1082;
	s9 =	sld [smem:$0x3FB0]  }
0x2f: {  	lr =	sadd.s32 s0, s3;
	s0 =	sld [smem:$0x3FA7]  }
0x30: {  	s3 =	sld [smem:$0x3FAA]  }
0x31: {  	[smem:$0x3FB3] =	sst s10  }
0x32: {  	s10 =	sld [smem:$0x3FB1];
	_ =	sdelay $0x3  }
0x33: {  	p0 =	seq.s32 s10, $0x1;
	s10 =	sld [smem:$0x3FB3];
	_ =	sdelay $0x3  }
0x34: {  	[smem:$0x3FB3] =	sst s10  }
0x35: {  	s10 =	sld [smem:$0x3FB2];
	_ =	sdelay $0x3  }
0x36: {  	p1 =	seq.s32 s10, $0x1;
	s10 =	sld [smem:$0x3FB3];
	_ =	sdelay $0x3  }
0x37: {  	[smem:$0x3FB3] =	sst s10  }
0x38: {  	s10 =	sld [smem:$0x3FB4]  }
0x39: {  	_ = 	snop;
	(pc) =	sbr.ind lr, $3  }
0x3a: {  	_ = 	snop  }
0x3b: {  	_ = 	snop  }
0x3c: {  	p2 =	seq.s32 s10, $0x1;
	s10 =	sld [smem:$0x3FB3]  }
0x3d: {  	_ =	shalt  }
0x3e: {  	_ =	shalt  }
0x3f: {  	_ =	shalt  }
0x40: {  	_ =	shalt  }
0x41: {  	_ =	shalt  }
0x42: {  	_ =	shalt  }
0x43: {  	_ =	shalt  }
0x44: {  	_ =	shalt  }
0x45: {  	_ =	shalt  }
0x46: {  	_ =	shalt  }
0x47: {  	_ =	shalt  }
0x48: {  	_ =	shalt  }
0x49: {  	_ =	shalt  }
0x4a: {  	_ =	shalt  }
0x4b: {  	_ =	shalt  }
0x4c: {  	_ =	shalt  }
0x4d: {  	_ =	shalt  }
0x4e: {  	_ =	shalt  }
0x4f: {  	_ =	shalt  }
0x50: {  	_ =	shalt  }
0x51: {  	_ =	shalt  }
0x52: {  	_ =	shalt  }
0x53: {  	_ =	shalt  }
0x54: {  	_ =	shalt  }
0x55: {  	_ =	shalt  }
0x56: {  	_ =	shalt  }
0x57: {  	_ =	shalt  }
0x58: {  	_ =	shalt  }
0x59: {  	_ =	shalt  }
0x5a: {  	_ =	shalt  }
0x5b: {  	_ =	shalt  }
0x5c: {  	_ =	shalt  }
0x5d: {  	_ =	shalt  }
0x5e: {  	_ =	shalt  }
0x5f: {  	_ =	shalt  }
0x60: {  	_ =	shalt  }
0x61: {  	_ =	shalt  }
0x62: {  	_ =	shalt  }
0x63: {  	_ =	shalt  }
0x64: {  	_ =	shalt  }
0x65: {  	_ =	shalt  }
0x66: {  	_ =	shalt  }
0x67: {  	_ =	shalt  }
0x68: {  	_ =	shalt  }
0x69: {  	_ =	shalt  }
0x6a: {  	_ =	shalt  }
0x6b: {  	_ =	shalt  }
0x6c: {  	_ =	shalt  }
0x6d: {  	_ =	shalt  }
0x6e: {  	_ =	shalt  }
0x6f: {  	_ =	shalt  }
0x70: {  	_ =	shalt  }
0x71: {  	_ =	shalt  }
0x72: {  	_ =	shalt  }
0x73: {  	_ =	shalt  }
0x74: {  	_ =	shalt  }
0x75: {  	_ =	shalt  }
0x76: {  	_ =	shalt  }
0x77: {  	_ =	shalt  }
0x78: {  	_ =	shalt  }
0x79: {  	_ =	shalt  }
0x7a: {  	_ =	shalt  }
0x7b: {  	_ =	shalt  }
0x7c: {  	_ =	shalt  }
0x7d: {  	_ =	shalt  }
0x7e: {  	_ =	shalt  }
0x7f: {  	_ =	shalt  }
0x80: {  	_ =	shalt  }
0x81: {  	_ =	shalt  }
0x82: {  	_ =	shalt  }
0x83: {  	_ =	shalt  }
0x84: {  	_ =	shalt  }
0x85: {  	_ =	shalt  }
0x86: {  	_ =	shalt  }
0x87: {  	_ =	shalt  }
.Lfunc_end0:
.L_simem_size_0:
called_computation_lowered:
.L_overlay_start_0:
0x88: {  	s2 =	sld [smem:$0x3FD9]  }
0x89: {  	s3 =	sld [smem:$0x3FFE];
	_ =	sdelay $0x1  }
0x8a: {  	s1 =	srdreg.scid  }
0x8b: {  	s0 =	sand.u32 $0x1, s1  }
0x8c: {  	s16 =	sshll.u32 s0, $0xA;
	s2 =	sadd.s32 s3, s2  }
0x8d: {  	s2 =	sadd.s32 s2, s16  }
0x8e: {  	[smem:$0x3FBF] =	sst s2  }
0x8f: {  	_ = 	snop  }
0x90: {  	(tm) =	ssettm $0x1  }
0x91: {  	s17 =	sld [smem:$0x3FFB];
	_ =	sdelay $0x3  }
0x92: {  	_ =	strace s17  }
0x93: {  	s2 =	sld [smem:$0x3FFC];
	_ =	sdelay $0x3  }
0x94: {  	_ =	strace s2  }
0x95: {  	s2 =	sld [smem:$0x3FFD];
	_ =	sdelay $0x3  }
0x96: {  	_ =	strace s2  }
0x97: {  	_ =	strace $0x8FFFFFFF  }
0x98: {  	s18 =	sld [smem:$0x3FDB];
	_ =	sdelay $0x1  }
0x99: {  	s19 =	simm.s32 $_scs_section_size  }
0x9a: {  	s4 =	simm.s32 $_size__tile_overlayer_lowered;
	s5 =	simm.s32 $_tile_overlayer_lowered  }
0x9b: {  	s22 =	simm.s32 $0x1BFF;
	s21 =	sshll.u32 s5, $0x1;
	s2 =	sadd.s32 s19, s18  }
0x9c: {  	s6 =	simm.s32 $0x0;
	s20 =	sshll.u32 s4, $0x1;
	s4 =	sadd.s32 s21, s2  }
0x9d: {  	[timem:s6], [sflag:s22] =	dma.local [hbm:s4], s20  }
0x9e: {  	_ =	swait.ge [sflag:s22], s20  }
0x9f: {  	s3 =	ssub.s32 $0x0, s20;
	[sflag:s22] =	ssyncset.done $0x0  }
0xa0: {  	[sflag:s22] =	ssyncadd.s32 s3;
	_ =	sdelay $0x1  }
0xa1: {  	s23 =	simm.s32 $0x1B8B  }
0xa2: {  	_ =	swait.ge [sflag:s23], $0x1  }
0xa3: {  	[sflag:s23] =	ssyncset.done $0x0  }
0xa4: {  	s25 =	simm.s32 $0x1B8E;
	s24 =	sld [smem:$0x3FFE];
	[sflag:s23] =	ssyncadd.s32 $0xFFFFFFFF  }
0xa5: {  	s26 =	simm.s32 $execute0_lowered;
	[smem:$0x3FD2] =	sst s25  }
0xa6: {  	s4 =	sshll.u32 s26, $0x1;
	_ =	strace $0x80000046;
	[dreg:$0x1] =	wrdreg $0xFFFFFFFF  }
0xa7: {  	s28 =	simm.s32 $_size_execute0_lowered;
	s2 =	sadd.s32 s2, s4;
	[dreg:$0x0] =	wrdreg $0x0  }
0xa8: {  	s4 =	sshll.u32 s28, $0x1;
	[dreg:$0x2] =	wrdreg s2  }
0xa9: {  	[dreg:$0x3] =	wrdreg s4  }
0xaa: {  	[dreg:$0x4] =	wrdreg $0xC0  }
0xab: {  	_ =	task [dreg:s6], $0x5FFFF  }
0xac: {  	[dreg:$0x1] =	wrdreg $0xFFFFFFFF  }
0xad: {  	[dreg:$0x0] =	wrdreg $0x60  }
0xae: {  	[dreg:$0x2] =	wrdreg s24  }
0xaf: {  	[dreg:$0x3] =	wrdreg $0x0  }
0xb0: {  	[dreg:$0x4] =	wrdreg $0x9  }
0xb1: {  	_ =	task.clear_ibuf [dreg:s6], $0x5FFFF;
	_ =	strace $0x90000046  }
0xb2: {  	s29 =	simm.s32 $0x9;
	_ =	strace $0x80000048  }
0xb3: {  	_ =	swait.ge [sflag:s29], $0x1  }
0xb4: {  	[sflag:s29] =	ssyncadd.s32 $0xFFFFFFFF  }
0xb5: {  	_ =	strace $0x90000048  }
0xb6: {  	_ =	sfence  }
0xb7: {  	s30 =	sld [smem:$0x0];
	_ =	sdelay $0x2  }
0xb8: {  	s31 =	sshll.u32 s1, $0xD;
	s1 =	sshrl.u32 s1, $0x2  }
0xb9: {  	s3 =	sand.u32 $0x4000, s31;
	s1 =	sadd.s32 s1, s30  }
0xba: {  	s0 =	sor.u32 s3, s0;
	s1 =	sshll.u32 s1, $0x11  }
0xbb: {  	s0 =	sor.u32 s1, s0  }
0xbc: {  	s0 =	sadd.s32 $0x8F2B, s0  }
0xbd: {  	[sflag:s0] =	ssyncadd.remote.s32 $0x1  }
0xbe: {  	_ =	sfence.sel $0xFFFF  }
0xbf: {  	[dreg:$0x0] =	wrdreg $0xFFFFFFFF;
	(pc) =	sbr.abs _section_cstart, $3  }
0xc0: {  	[dreg:$0x1] =	wrdreg $0xFFFFFFFF  }
0xc1: {  	_ =	task.clear_ibuf [dreg:s6], $0x2FFFF;
	_ =	strace $0x9FFFFFFF  }
0xc2: {  	(tm) =	ssettm $0x7FFFFFFF  }
0xc3: {  	_ =	shalt  }
tec
execute0_lowered:
.L_overlay_start_1:
0x0: {  	(tag) =	ssettag $0x1  }
0x1: {  	s0 =	srdreg.scid;
	s4 =	rddreg [dreg:$0x0]  }
0x2: {  	s2 =	rddreg [dreg:$0x1];
	s1 =	stileid.u32;
	s3 =	simm.s32 $0x0  }
0x3: {  	s19 =	simm.s32 $0x7D;
	s5 =	sand.u32 $0x1, s0;
	s0 =	rddreg [dreg:$0x2]  }
0x4: {  	s20 =	simm.s32 $0x5000;
	[smem:$0x7FF] =	sst s3;
	s8 =	smul.u32 $0x2800, s1  }
0x5: {  	s14 =	sadd.s32 $0x16E00, s4;
	s6 =	sshll.u32 s5, $0x4;
	_ =	strace $0x80000047  }
0x6: {  	s7 =	ssub.s32 $0x2, s5;
	s16 =	smul.u32 $0x28000, s5;
	s6 =	sor.u32 s1, s6  }
0x7: {  	s31 =	sshrl.u32 s7, $0x1;
	s10 =	sadd.s32 $0x800, s8;
	s12 =	sadd.s32 $0x1000, s8  }
0x8: {  	s13 =	sadd.s32 $0x1800, s8;
	s17 =	sadd.s32 $0x2000, s8;
	s6 =	smul.u32 $0x500, s6  }
0x9: {  	s15 =	ssub.s32 s7, s31;
	s5 =	sadd.s32 s10, s2;
	s7 =	sadd.s32 s13, s2  }
0xa: {  	s11 =	sadd.s32 s8, s16;
	s10 =	sadd.s32 s16, s10;
	s13 =	sadd.s32 s16, s13  }
0xb: {  	s11 =	sshrl.u32 s11, $0x3;
	s18 =	sshrl.u32 s10, $0x3;
	s13 =	sshrl.u32 s13, $0x3  }
0xc: {  	s15 =	smax.u32 s15, $0x1;
	s9 =	sadd.s32 s6, s4;
	s4 =	sadd.s32 s8, s2  }
0xd: {  	s6 =	sadd.s32 s12, s2;
	s8 =	sadd.s32 s17, s2;
	s10 =	sadd.s32 s14, s11  }
0xe: {  	s11 =	sadd.s32 s14, s18;
	s12 =	sadd.s32 s16, s12;
	s16 =	sadd.s32 s16, s17  }
0xf: {  	s13 =	sadd.s32 s14, s13;
	s17 =	simm.s32 $0x1;
	s18 =	simm.s32 $0x2800  }
0x10: {  	s9 =	sadd.s32 $0xCE00, s9;
	s12 =	sshrl.u32 s12, $0x3;
	s16 =	sshrl.u32 s16, $0x3  }
0x11: {  	v0 =	vimm.f32 $1.000000000e+00;
	v1 =	vimm.f32 $0.0e+00;
	s12 =	sadd.s32 s14, s12;
	s14 =	sadd.s32 s14, s16;
	s16 =	simm.s32 $0x57D0  }
.LBB2_1:
0x12: {  	s21 =	simm.s32 $0x0  }
.LBB2_2:
0x13: {  	p0 =	sne.s32 s21, $0x1F00  }
.Ltmp0:
0x14: {  	_ = 	snop;
	(pc) =	sbr.rel @p0 .LBB2_2-.Ltmp0, $3  }
0x15: {  	_ =	sdelay $0x1  }
0x16: {  	s22 =	sshra.s32 s21, $0x2  }
0x17: {  	s21 =	sadd.s32 $0x40, s21;
	[tilespmem:s22+$0x5000] =	vst v0  }
0x18: {  	s21 =	simm.s32 $0x40;
	s22 =	simm.s32 $0x0  }
.LBB2_4:
0x19: {  	p0 =	sne.s32 s21, $0x1FC0;
	[tilespmem:s22+$0x57D0] =	vst v1;
	s22 =	smov.u32 s21;
	s21 =	sadd.s32 $0x40, s21  }
.Ltmp1:
0x1a: {  	(pc) =	sbr.rel @p0 .LBB2_4-.Ltmp1, $2  }
0x1b: {  	_ =	sdelay $0x2  }
0x1c: {  	s22 =	sshra.s32 s22, $0x2  }
0x1d: {  	[tilespmem:s22+$0x57D0] =	vst v1  }
0x1e: {  	[spmem:s4] =	stream.linear.scatter [tilespmem:s16], [sflag:$0x1], $0x800, $0x38;
	[tilespmem:$0x5FD0] =	vst v63  }
0x1f: {  	_ =	swait.ge [sflag:s17], $0x800  }
0x20: {  	[sflag:s17] =	ssyncset.done $0x0  }
0x21: {  	[sflag:s17] =	ssyncadd.s32 $0xFFFFF800  }
0x22: {  	[spmem:s5] =	stream.linear.scatter [tilespmem:s16], [sflag:$0x1], $0x800, $0x38;
	[tilespmem:$0x5FD0] =	vst v63  }
0x23: {  	_ =	swait.ge [sflag:s17], $0x800  }
0x24: {  	[sflag:s17] =	ssyncset.done $0x0  }
0x25: {  	[sflag:s17] =	ssyncadd.s32 $0xFFFFF800  }
0x26: {  	[spmem:s6] =	stream.linear.scatter [tilespmem:s16], [sflag:$0x1], $0x800, $0x38;
	[tilespmem:$0x5FD0] =	vst v63  }
0x27: {  	_ =	swait.ge [sflag:s17], $0x800  }
0x28: {  	[sflag:s17] =	ssyncset.done $0x0  }
0x29: {  	[sflag:s17] =	ssyncadd.s32 $0xFFFFF800  }
0x2a: {  	[spmem:s7] =	stream.linear.scatter [tilespmem:s16], [sflag:$0x1], $0x800, $0x38;
	[tilespmem:$0x5FD0] =	vst v63  }
0x2b: {  	_ =	swait.ge [sflag:s17], $0x800  }
0x2c: {  	[sflag:s17] =	ssyncset.done $0x0  }
0x2d: {  	[sflag:s17] =	ssyncadd.s32 $0xFFFFF800  }
0x2e: {  	[spmem:s8] =	stream.linear.scatter [tilespmem:s16], [sflag:$0x1], $0x800, $0x38;
	[tilespmem:$0x5FD0] =	vst v63  }
0x2f: {  	_ =	swait.ge [sflag:s17], $0x800  }
0x30: {  	[sflag:s17] =	ssyncset.done $0x0  }
0x31: {  	[sflag:s17] =	ssyncadd.s32 $0xFFFFF800  }
0x32: {  	s21 =	simm.s32 $0x0;
	[bflag:$0x0] =	sbarrier.arrive $0xFFFF  }
0x33: {  	[tilespmem:s18], [sflag:$0x1] =	stream.linear.gather [hbm4b:s9+s21], $0x2800, $0x38;
	[tilespmem:$0x5FD0] =	vst v63  }
0x34: {  	_ =	swait.ge [sflag:s17], $0x2800  }
0x35: {  	[sflag:s17] =	ssyncset.done $0x0  }
0x36: {  	s31 =	simm.s32 $0x2800;
	[sflag:s17] =	ssyncadd.s32 $0xFFFFD800  }
0x37: {  	[spmem:s2] =	stream.indirect.scatter.add.f32 [tilespmem:s20], [sflag:$0x1], $0x10, s31, s19, $0xb8;
	[tilespmem:$0x5FD0] =	vst v63  }
0x38: {  	s21 =	simm.s32 $0x200;
	_ =	swait.ge [sflag:s17], $0x7D0  }
.LBB2_6:
0x39: {  	s22 =	sshra.s32 s21, $0x2;
	[sflag:s17] =	ssyncset.done $0x0;
	p0 =	sne.s32 s21, $0x9E00  }
.Ltmp2:
0x3a: {  	s22 =	sadd.s32 $0x2800, s22;
	[sflag:s17] =	ssyncadd.s32 $0xFFFFF830;
	(pc) =	sbr.rel @p0 .LBB2_6-.Ltmp2, $3  }
0x3b: {  	[spmem:s2] =	stream.indirect.scatter.add.f32 [tilespmem:s20], [sflag:$0x1], $0x10, s22, s19, $0xb8;
	[tilespmem:$0x5FD0] =	vst v63  }
0x3c: {  	s21 =	sadd.s32 $0x200, s21;
	_ =	sdelay $0x1  }
0x3d: {  	_ =	swait.ge [sflag:s17], $0x7D0  }
0x3e: {  	[sflag:s17] =	ssyncset.done $0x0  }
0x3f: {  	s21 =	sshll.u32 s1, $0x6;
	[sflag:s17] =	ssyncadd.s32 $0xFFFFF830  }
0x40: {  	s22 =	sshrl.u32 s4, $0x3;
	s21 =	sor.u32 $0x1C01, s21;
	[bflag:$0x0] =	sbarrier.arrive $0xFFFF  }
0x41: {  	[hbm:s10], [sflag:s21] =	dma.local [spmem:s22], $0x100  }
0x42: {  	_ =	swait.ge [sflag:s17], $0x100  }
0x43: {  	[sflag:s17] =	ssyncset.done $0x0  }
0x44: {  	s28 =	sshrl.u32 s5, $0x3;
	[sflag:s17] =	ssyncadd.s32 $0xFFFFFF00  }
0x45: {  	[hbm:s11], [sflag:s21] =	dma.local [spmem:s28], $0x100  }
0x46: {  	_ =	swait.ge [sflag:s17], $0x100  }
0x47: {  	[sflag:s17] =	ssyncset.done $0x0  }
0x48: {  	s29 =	sshrl.u32 s6, $0x3;
	[sflag:s17] =	ssyncadd.s32 $0xFFFFFF00  }
0x49: {  	[hbm:s12], [sflag:s21] =	dma.local [spmem:s29], $0x100  }
0x4a: {  	_ =	swait.ge [sflag:s17], $0x100  }
0x4b: {  	[sflag:s17] =	ssyncset.done $0x0  }
0x4c: {  	s30 =	sshrl.u32 s7, $0x3;
	[sflag:s17] =	ssyncadd.s32 $0xFFFFFF00  }
0x4d: {  	[hbm:s13], [sflag:s21] =	dma.local [spmem:s30], $0x100  }
0x4e: {  	s3 =	sadd.s32 $0x1, s3;
	_ =	swait.ge [sflag:s17], $0x100  }
0x4f: {  	p0 =	sne.s32 s3, s15;
	[sflag:s17] =	ssyncset.done $0x0  }
.Ltmp3:
0x50: {  	s31 =	sshrl.u32 s8, $0x3;
	[sflag:s17] =	ssyncadd.s32 $0xFFFFFF00;
	(pc) =	sbr.rel @p0 .LBB2_1-.Ltmp3, $4  }
0x51: {  	[hbm:s14], [sflag:s21] =	dma.local [spmem:s31], $0x100  }
0x52: {  	_ =	swait.ge [sflag:s17], $0x100  }
0x53: {  	[sflag:s17] =	ssyncset.done $0x0  }
0x54: {  	[sflag:s17] =	ssyncadd.s32 $0xFFFFFF00  }
0x55: {  	_ =	sfence.sel $0x180000  }
0x56: {  	[bflag:$0x0] =	sbarrier.arrive $0xFFFF  }
0x57: {  	p0 =	sne.s32 s1, $0x0;
	_ =	strace $0x90000047  }
0x58: {  	s0 =	sadd.s32 @!p0 $0x100000, s0;
	[bflag:$0x2] =	sbarrier.arrive $0xFFFF  }
0x59: {  	[sflag:s0] =	ssyncadd.tile.s32 @!p0 $0x1;
	_ =	shalt  }
.Lfunc_end2:
_tile_overlayer_lowered:
.L_overlay_start_2:
0x5a: {  	(tag) =	ssettag $0x2  }
0x5b: {  	s0 =	rddreg [dreg:$0x0];
	s2 =	stileid.u32  }
0x5c: {  	s1 =	rddreg [dreg:$0x1];
	p0 =	sne.s32 s2, $0x0  }
0x5d: {  	s3 =	rddreg [dreg:$0x2];
	[bflag:$0x3] =	sbarrier.arrive $0xFFFF;
	s2 =	simm.s32 @!p0 $0x1C01  }
0x5e: {  	[timem:s3], [sflag:s2] =	dma.local @!p0 [hbm:s0], s1  }
0x5f: {  	s0 =	simm.s32 @!p0 $0x1  }
0x60: {  	_ =	swait.ge @!p0 [sflag:s0], s1  }
0x61: {  	s1 =	ssub.s32 @!p0 $0x0, s1;
	[sflag:s0] =	ssyncset.done @!p0 $0x0  }
0x62: {  	[sflag:s0] =	ssyncadd.s32 @!p0 s1  }
0x63: {  	[bflag:$0x3] =	sbarrier.arrive $0xFFFF  }
0x64: {  	_ =	shalt  }

</sc_bundles>
